<compile_context>
chip_gen: v7x
topology: tpu7x:2x2x1
jax: 0.10.2.dev20260603
libtpu: 0.0.44.dev20260713+nightly
codegen_flags: <defaults>
</compile_context>

<pallas_src>
import jax
import jax.numpy as jnp
from jax import lax
from jax.experimental import pallas as pl
from jax.experimental.pallas import tpu as pltpu
from jax.experimental.pallas import tpu_sc as plsc

N = 16384
NNZ = 268435
D = 64
EPS = 1e-16

NC = 2
NS = 16
L = 16

DH = D // NC
C = 512
SUB = 128
K = C // SUB
G_FULL = NNZ // C
G = G_FULL + 1
TAIL_BASE = NNZ - C
PAD = G * C - NNZ
N_PAD = N + 128
R = N_PAD // NS
UNR = 8


def _body(seg_s_hbm, seg_g_hbm, vals_hbm, out_hbm,
          idx_v, ones_v, sums_t, cnts_t, acc_sh, cnt_sh,
          sem_i, sem_v, sem_s, sem_g, sem_o, sem_o2):
  cid = lax.axis_index("c")
  sid = lax.axis_index("s")
  col0 = cid * DH
  row0 = sid * R

  zf = jnp.zeros((L,), jnp.float32)
  of = jnp.ones((L,), jnp.float32)

  def _zero_rows(i, _):
    for u in range(UNR):
      r = i * UNR + u
      sums_t[r, pl.ds(0, L)] = zf
      sums_t[r, pl.ds(L, L)] = zf
      cnts_t[r, :] = zf
    return 0

  lax.fori_loop(0, R // UNR, _zero_rows, 0)

  def _ones_rows(i, _):
    for u in range(UNR):
      ones_v[i * UNR + u, :] = of
    return 0

  lax.fori_loop(0, SUB // UNR, _ones_rows, 0)

  def vbuf(p):
    return sums_t.at[pl.ds(p * C, C)]

  def ibuf(p):
    return idx_v.at[pl.ds(p * K, K)]

  nchunks = (G - sid + NS - 1) // NS

  def chunk_base(i):
    return jnp.minimum((sid + i * NS) * C, TAIL_BASE)

  def fire_loads(i, p):
    g = sid + i * NS
    pltpu.async_copy(seg_s_hbm.at[g], ibuf(p), sem_i)
    pltpu.async_copy(vals_hbm.at[pl.ds(chunk_base(i), C), pl.ds(col0, DH)],
                     vbuf(p), sem_v)

  def wait_loads(p):
    pltpu.make_async_copy(seg_s_hbm.at[0], ibuf(p), sem_i).wait()
    pltpu.make_async_copy(vals_hbm.at[pl.ds(0, C), pl.ds(0, DH)],
                          vbuf(p), sem_v).wait()

  def fire_scatters(p):
    for j in range(K):
      pltpu.async_copy(sums_t.at[pl.ds(p * C + j * SUB, SUB)],
                       acc_sh.at[idx_v.at[p * K + j]], sem_s, add=True)
      pltpu.async_copy(ones_v, cnt_sh.at[idx_v.at[p * K + j]], sem_s,
                       add=True)

  def drain_scatters():
    for j in range(K):
      pltpu.make_async_copy(sums_t.at[pl.ds(j * SUB, SUB)],
                            acc_sh.at[pl.ds(0, SUB)], sem_s).wait()
      pltpu.make_async_copy(ones_v, cnt_sh.at[pl.ds(0, SUB)], sem_s).wait()

  pltpu.sync_copy(sums_t, acc_sh.at[pl.ds(row0, R)])
  pltpu.sync_copy(cnts_t, cnt_sh.at[pl.ds(row0, R)])
  plsc.subcore_barrier()

  fire_loads(0, 0)

  def _acc_chunk(i, _):
    p = lax.rem(i, 2)
    wait_loads(p)
    @pl.when(i > 0)
    def _():
      drain_scatters()

    fire_scatters(p)

    @pl.when(i + 1 < nchunks)
    def _():
      fire_loads(i + 1, 1 - p)

    return 0

  lax.fori_loop(0, nchunks, _acc_chunk, 0)
  drain_scatters()
  plsc.subcore_barrier()

  pltpu.sync_copy(acc_sh.at[pl.ds(row0, R)], sums_t)
  pltpu.sync_copy(cnt_sh.at[pl.ds(row0, R)], cnts_t)

  def _div_rows(i, _):
    for u in range(UNR):
      r = i * UNR + u
      rcp = 1.0 / (cnts_t[r, :] + EPS)
      sums_t[r, pl.ds(0, L)] = sums_t[r, pl.ds(0, L)] * rcp
      sums_t[r, pl.ds(L, L)] = sums_t[r, pl.ds(L, L)] * rcp
    return 0

  lax.fori_loop(0, R // UNR, _div_rows, 0)
  pltpu.sync_copy(sums_t, acc_sh.at[pl.ds(row0, R)])
  plsc.subcore_barrier()

  def fire_seg_g(i, p):
    g = sid + i * NS
    pltpu.async_copy(seg_g_hbm.at[g], ibuf(p), sem_i)

  def drain_out(p):
    sem = [sem_o, sem_o2]
    for q in range(2):
      @pl.when(p == q)
      def _():
        pltpu.make_async_copy(sums_t.at[pl.ds(0, C)],
                              out_hbm.at[pl.ds(0, C), pl.ds(0, DH)],
                              sem[q]).wait()

  fire_seg_g(0, 0)

  def _out_chunk(i, _):
    p = lax.rem(i, 2)
    pltpu.make_async_copy(seg_g_hbm.at[0], ibuf(p), sem_i).wait()

    @pl.when(i + 1 < nchunks)
    def _():
      fire_seg_g(i + 1, 1 - p)

    @pl.when(i > 1)
    def _():
      drain_out(p)

    descs = [
        pltpu.async_copy(acc_sh.at[idx_v.at[p * K + j]],
                         sums_t.at[pl.ds(p * C + j * SUB, SUB)], sem_g)
        for j in range(K)
    ]
    for d in descs:
      d.wait()
    for q in range(2):
      @pl.when(p == q)
      def _():
        pltpu.async_copy(vbuf(p),
                         out_hbm.at[pl.ds(chunk_base(i), C),
                                    pl.ds(col0, DH)],
                         [sem_o, sem_o2][q])
    return 0

  lax.fori_loop(0, nchunks, _out_chunk, 0)
  drain_out(lax.rem(nchunks - 1, 2))
  drain_out(lax.rem(nchunks, 2))


_sc_call = pl.kernel(
    _body,
    out_type=jax.ShapeDtypeStruct((NNZ, D), jnp.float32),
    mesh=plsc.VectorSubcoreMesh(core_axis_name="c", subcore_axis_name="s",
                                num_cores=NC, num_subcores=NS),
    compiler_params=pltpu.CompilerParams(use_tc_tiling_on_sc=False),
    scratch_types=[
        pltpu.VMEM((2 * K, SUB), jnp.int32),
        pltpu.VMEM((SUB, L), jnp.float32),
        pltpu.VMEM((R, DH), jnp.float32),
        pltpu.VMEM((R, L), jnp.float32),
        pltpu.VMEM_SHARED((N_PAD, DH), jnp.float32),
        pltpu.VMEM_SHARED((N_PAD, L), jnp.float32),
        pltpu.SemaphoreType.DMA,
        pltpu.SemaphoreType.DMA,
        pltpu.SemaphoreType.DMA,
        pltpu.SemaphoreType.DMA,
        pltpu.SemaphoreType.DMA,
        pltpu.SemaphoreType.DMA,
    ],
)


@jax.jit
def kernel(tens_indices, tens_values):
  seg = tens_indices[1].astype(jnp.int32)
  head = seg[: G_FULL * C]
  tail = seg[TAIL_BASE:]
  seg_g = jnp.concatenate([head, tail]).reshape(G, K, SUB)
  tail_s = jnp.where(jnp.arange(C, dtype=jnp.int32) >= PAD, tail, N)
  seg_s = jnp.concatenate([head, tail_s]).reshape(G, K, SUB)
  return _sc_call(seg_s, seg_g, tens_values)

# --- scband reference (transcript-rebuilt; emitter-appended) ---
"""Pipeline reference for scband-pool-25503515803828 (READ-ONLY COPY).

The authoritative reference and input builder live on the scoring server;
editing this copy changes nothing except your own understanding.
"""

import jax, jax.numpy as jnp
import numpy as np

AXIS = 0
N = 16384
NNZ = 268435
D = 64
EPS = 1e-16

def setup_inputs(seed: int = 0) -> dict:
    key = jax.random.key(seed)
    k1, k2 = jax.random.split(key)
    tens_indices = jax.random.randint(k1, (2, NNZ), 0, N, dtype=jnp.int32)
    tens_values = jax.random.normal(k2, (NNZ, D), dtype=jnp.float32)
    return {"tens_indices": tens_indices, "tens_values": tens_values}

def reference(tens_indices, tens_values):
    # torch module: pool (mean) across rows (axis=0) of a hybrid sparse COO tensor
    # [N, N] with dense value dim D, then map pooled column representation back
    # to each nonzero entry.
    seg = tens_indices[1 - AXIS].astype(jnp.int32)  # column index of each nnz
    # output = torch.sparse.sum(tens, dim=(0,)).to_dense() -> [N, D]
    output = jax.ops.segment_sum(tens_values, seg, num_segments=N)
    # n = per-column nonzero counts (+eps)
    ones = jnp.ones((NNZ,), dtype=jnp.float32)
    n = jax.ops.segment_sum(ones, seg, num_segments=N) + EPS
    pooled = output / n[:, None]
    # index_select back to nnz entries
    return jnp.take(pooled, seg, axis=0)

if __name__ == "__main__":
    import jax
    _d = setup_inputs()
    print(jax.jit(kernel)(*tuple(_d.values())))

</pallas_src>

<mosaic_0001>
#map = affine_map<(d0, d1) -> (0, 0, 0)>
#map1 = affine_map<(d0, d1) -> (0, 0)>
module attributes {stable_mosaic.version = 14 : i64} {
  func.func @_body(%arg0: i32, %arg1: i32, %arg2: memref<525x4x128xi32, #tpu.memory_space<hbm>>, %arg3: memref<525x4x128xi32, #tpu.memory_space<hbm>>, %arg4: memref<268435x64xf32, #tpu.memory_space<hbm>>, %arg5: memref<268435x64xf32, #tpu.memory_space<hbm>>, %arg6: memref<8x128xi32, #tpu.memory_space<vmem>>, %arg7: memref<128x16xf32, #tpu.memory_space<vmem>>, %arg8: memref<1032x32xf32, #tpu.memory_space<vmem>>, %arg9: memref<1032x16xf32, #tpu.memory_space<vmem>>, %arg10: memref<16512x32xf32, #tpu.memory_space<vmem_shared>>, %arg11: memref<16512x16xf32, #tpu.memory_space<vmem_shared>>, %arg12: memref<!tpu.dma_semaphore, #tpu.memory_space<semaphore_mem>>, %arg13: memref<!tpu.dma_semaphore, #tpu.memory_space<semaphore_mem>>, %arg14: memref<!tpu.dma_semaphore, #tpu.memory_space<semaphore_mem>>, %arg15: memref<!tpu.dma_semaphore, #tpu.memory_space<semaphore_mem>>, %arg16: memref<!tpu.dma_semaphore, #tpu.memory_space<semaphore_mem>>, %arg17: memref<!tpu.dma_semaphore, #tpu.memory_space<semaphore_mem>>) attributes {dimension_semantics = [#tpu.dimension_semantics<core_parallel>, #tpu.dimension_semantics<subcore_parallel>], iteration_bounds = array<i64: 2, 16>, scalar_prefetch = 0 : i64, scratch_operands = 12 : i64, tpu.core_type = #tpu.core_type<sc_vector_subcore>, window_params = [{transform_indices = #map}, {transform_indices = #map}, {transform_indices = #map1}, {transform_indices = #map1}]} {
    %mul3A = arith.constant 32 : i32
    %mul3A_0 = arith.muli %arg0, %mul3A : i32
    %mul3A_1 = arith.constant 1032 : i32
    %mul3A_2 = arith.muli %arg1, %mul3A_1 : i32
    %broadcast_in_dim3A = arith.constant 0.000000e+00 : f32
    %broadcast_in_dim3A_3 = vector.broadcast %broadcast_in_dim3A : f32 to vector<16xf32>
    %broadcast_in_dim3A_4 = arith.constant 1.000000e+00 : f32
    %broadcast_in_dim3A_5 = vector.broadcast %broadcast_in_dim3A_4 : f32 to vector<16xf32>
    %scan3A = arith.constant 0 : i32
    %scan3A_6 = arith.constant 0 : i32
    %scan3A_7 = arith.constant 129 : i32
    %scan3A_8 = arith.addi %scan3A_6, %scan3A_7 : i32
    %scan3A_9 = arith.constant 1 : i32
    %scan3A_10 = scf.for %scan3A_210 = %scan3A_6 to %scan3A_8 step %scan3A_9 iter_args(%scan3A_211 = %scan3A) -> (i32)  : i32 {
      %mul3A_212 = arith.constant 8 : i32
      %mul3A_213 = arith.muli %scan3A_210, %mul3A_212 : i32
      %add3A_214 = arith.constant 0 : i32
      %add3A_215 = arith.addi %mul3A_213, %add3A_214 : i32
      %swap3A = arith.index_cast %add3A_215 : i32 to index
      %swap3A_216 = arith.constant 0 : index
      %swap3A_217 = tpu.vector_load %arg8[%swap3A, %swap3A_216] {strides = array<i32>} : memref<1032x32xf32, #tpu.memory_space<vmem>>, vector<1x16xf32>,
      %swap3A_218 = vector.shape_cast %swap3A_217 : vector<1x16xf32> to vector<16xf32>
      %swap3A_219 = vector.shape_cast %broadcast_in_dim3A_3 : vector<16xf32> to vector<1x16xf32>
      tpu.vector_store %arg8[%swap3A, %swap3A_216], %swap3A_219 {strides = array<i32>} : memref<1032x32xf32, #tpu.memory_space<vmem>>, vector<1x16xf32>,
      %swap3A_220 = arith.index_cast %add3A_215 : i32 to index
      %swap3A_221 = arith.constant 16 : index
      %swap3A_222 = tpu.vector_load %arg8[%swap3A_220, %swap3A_221] {strides = array<i32>} : memref<1032x32xf32, #tpu.memory_space<vmem>>, vector<1x16xf32>,
      %swap3A_223 = vector.shape_cast %swap3A_222 : vector<1x16xf32> to vector<16xf32>
      %swap3A_224 = vector.shape_cast %broadcast_in_dim3A_3 : vector<16xf32> to vector<1x16xf32>
      tpu.vector_store %arg8[%swap3A_220, %swap3A_221], %swap3A_224 {strides = array<i32>} : memref<1032x32xf32, #tpu.memory_space<vmem>>, vector<1x16xf32>,
      %swap3A_225 = arith.index_cast %add3A_215 : i32 to index
      %swap3A_226 = arith.constant 0 : index
      %swap3A_227 = tpu.vector_load %arg9[%swap3A_225, %swap3A_226] {strides = array<i32>} : memref<1032x16xf32, #tpu.memory_space<vmem>>, vector<1x16xf32>,
      %swap3A_228 = vector.shape_cast %swap3A_227 : vector<1x16xf32> to vector<16xf32>
      %swap3A_229 = vector.shape_cast %broadcast_in_dim3A_3 : vector<16xf32> to vector<1x16xf32>
      tpu.vector_store %arg9[%swap3A_225, %swap3A_226], %swap3A_229 {strides = array<i32>} : memref<1032x16xf32, #tpu.memory_space<vmem>>, vector<1x16xf32>,
      %mul3A_230 = arith.constant 8 : i32
      %mul3A_231 = arith.muli %scan3A_210, %mul3A_230 : i32
      %add3A_232 = arith.constant 1 : i32
      %add3A_233 = arith.addi %mul3A_231, %add3A_232 : i32
      %swap3A_234 = arith.index_cast %add3A_233 : i32 to index
      %swap3A_235 = arith.constant 0 : index
      %swap3A_236 = tpu.vector_load %arg8[%swap3A_234, %swap3A_235] {strides = array<i32>} : memref<1032x32xf32, #tpu.memory_space<vmem>>, vector<1x16xf32>,
      %swap3A_237 = vector.shape_cast %swap3A_236 : vector<1x16xf32> to vector<16xf32>
      %swap3A_238 = vector.shape_cast %broadcast_in_dim3A_3 : vector<16xf32> to vector<1x16xf32>
      tpu.vector_store %arg8[%swap3A_234, %swap3A_235], %swap3A_238 {strides = array<i32>} : memref<1032x32xf32, #tpu.memory_space<vmem>>, vector<1x16xf32>,
      %swap3A_239 = arith.index_cast %add3A_233 : i32 to index
      %swap3A_240 = arith.constant 16 : index
      %swap3A_241 = tpu.vector_load %arg8[%swap3A_239, %swap3A_240] {strides = array<i32>} : memref<1032x32xf32, #tpu.memory_space<vmem>>, vector<1x16xf32>,
      %swap3A_242 = vector.shape_cast %swap3A_241 : vector<1x16xf32> to vector<16xf32>
      %swap3A_243 = vector.shape_cast %broadcast_in_dim3A_3 : vector<16xf32> to vector<1x16xf32>
      tpu.vector_store %arg8[%swap3A_239, %swap3A_240], %swap3A_243 {strides = array<i32>} : memref<1032x32xf32, #tpu.memory_space<vmem>>, vector<1x16xf32>,
      %swap3A_244 = arith.index_cast %add3A_233 : i32 to index
      %swap3A_245 = arith.constant 0 : index
      %swap3A_246 = tpu.vector_load %arg9[%swap3A_244, %swap3A_245] {strides = array<i32>} : memref<1032x16xf32, #tpu.memory_space<vmem>>, vector<1x16xf32>,
      %swap3A_247 = vector.shape_cast %swap3A_246 : vector<1x16xf32> to vector<16xf32>
      %swap3A_248 = vector.shape_cast %broadcast_in_dim3A_3 : vector<16xf32> to vector<1x16xf32>
      tpu.vector_store %arg9[%swap3A_244, %swap3A_245], %swap3A_248 {strides = array<i32>} : memref<1032x16xf32, #tpu.memory_space<vmem>>, vector<1x16xf32>,
      %mul3A_249 = arith.constant 8 : i32
      %mul3A_250 = arith.muli %scan3A_210, %mul3A_249 : i32
      %add3A_251 = arith.constant 2 : i32
      %add3A_252 = arith.addi %mul3A_250, %add3A_251 : i32
      %swap3A_253 = arith.index_cast %add3A_252 : i32 to index
      %swap3A_254 = arith.constant 0 : index
      %swap3A_255 = tpu.vector_load %arg8[%swap3A_253, %swap3A_254] {strides = array<i32>} : memref<1032x32xf32, #tpu.memory_space<vmem>>, vector<1x16xf32>,
      %swap3A_256 = vector.shape_cast %swap3A_255 : vector<1x16xf32> to vector<16xf32>
      %swap3A_257 = vector.shape_cast %broadcast_in_dim3A_3 : vector<16xf32> to vector<1x16xf32>
      tpu.vector_store %arg8[%swap3A_253, %swap3A_254], %swap3A_257 {strides = array<i32>} : memref<1032x32xf32, #tpu.memory_space<vmem>>, vector<1x16xf32>,
      %swap3A_258 = arith.index_cast %add3A_252 : i32 to index
      %swap3A_259 = arith.constant 16 : index
      %swap3A_260 = tpu.vector_load %arg8[%swap3A_258, %swap3A_259] {strides = array<i32>} : memref<1032x32xf32, #tpu.memory_space<vmem>>, vector<1x16xf32>,
      %swap3A_261 = vector.shape_cast %swap3A_260 : vector<1x16xf32> to vector<16xf32>
      %swap3A_262 = vector.shape_cast %broadcast_in_dim3A_3 : vector<16xf32> to vector<1x16xf32>
      tpu.vector_store %arg8[%swap3A_258, %swap3A_259], %swap3A_262 {strides = array<i32>} : memref<1032x32xf32, #tpu.memory_space<vmem>>, vector<1x16xf32>,
      %swap3A_263 = arith.index_cast %add3A_252 : i32 to index
      %swap3A_264 = arith.constant 0 : index
      %swap3A_265 = tpu.vector_load %arg9[%swap3A_263, %swap3A_264] {strides = array<i32>} : memref<1032x16xf32, #tpu.memory_space<vmem>>, vector<1x16xf32>,
      %swap3A_266 = vector.shape_cast %swap3A_265 : vector<1x16xf32> to vector<16xf32>
      %swap3A_267 = vector.shape_cast %broadcast_in_dim3A_3 : vector<16xf32> to vector<1x16xf32>
      tpu.vector_store %arg9[%swap3A_263, %swap3A_264], %swap3A_267 {strides = array<i32>} : memref<1032x16xf32, #tpu.memory_space<vmem>>, vector<1x16xf32>,
      %mul3A_268 = arith.constant 8 : i32
      %mul3A_269 = arith.muli %scan3A_210, %mul3A_268 : i32
      %add3A_270 = arith.constant 3 : i32
      %add3A_271 = arith.addi %mul3A_269, %add3A_270 : i32
      %swap3A_272 = arith.index_cast %add3A_271 : i32 to index
      %swap3A_273 = arith.constant 0 : index
      %swap3A_274 = tpu.vector_load %arg8[%swap3A_272, %swap3A_273] {strides = array<i32>} : memref<1032x32xf32, #tpu.memory_space<vmem>>, vector<1x16xf32>,
      %swap3A_275 = vector.shape_cast %swap3A_274 : vector<1x16xf32> to vector<16xf32>
      %swap3A_276 = vector.shape_cast %broadcast_in_dim3A_3 : vector<16xf32> to vector<1x16xf32>
      tpu.vector_store %arg8[%swap3A_272, %swap3A_273], %swap3A_276 {strides = array<i32>} : memref<1032x32xf32, #tpu.memory_space<vmem>>, vector<1x16xf32>,
      %swap3A_277 = arith.index_cast %add3A_271 : i32 to index
      %swap3A_278 = arith.constant 16 : index
      %swap3A_279 = tpu.vector_load %arg8[%swap3A_277, %swap3A_278] {strides = array<i32>} : memref<1032x32xf32, #tpu.memory_space<vmem>>, vector<1x16xf32>,
      %swap3A_280 = vector.shape_cast %swap3A_279 : vector<1x16xf32> to vector<16xf32>
      %swap3A_281 = vector.shape_cast %broadcast_in_dim3A_3 : vector<16xf32> to vector<1x16xf32>
      tpu.vector_store %arg8[%swap3A_277, %swap3A_278], %swap3A_281 {strides = array<i32>} : memref<1032x32xf32, #tpu.memory_space<vmem>>, vector<1x16xf32>,
      %swap3A_282 = arith.index_cast %add3A_271 : i32 to index
      %swap3A_283 = arith.constant 0 : index
      %swap3A_284 = tpu.vector_load %arg9[%swap3A_282, %swap3A_283] {strides = array<i32>} : memref<1032x16xf32, #tpu.memory_space<vmem>>, vector<1x16xf32>,
      %swap3A_285 = vector.shape_cast %swap3A_284 : vector<1x16xf32> to vector<16xf32>
      %swap3A_286 = vector.shape_cast %broadcast_in_dim3A_3 : vector<16xf32> to vector<1x16xf32>
      tpu.vector_store %arg9[%swap3A_282, %swap3A_283], %swap3A_286 {strides = array<i32>} : memref<1032x16xf32, #tpu.memory_space<vmem>>, vector<1x16xf32>,
      %mul3A_287 = arith.constant 8 : i32
      %mul3A_288 = arith.muli %scan3A_210, %mul3A_287 : i32
      %add3A_289 = arith.constant 4 : i32
      %add3A_290 = arith.addi %mul3A_288, %add3A_289 : i32
      %swap3A_291 = arith.index_cast %add3A_290 : i32 to index
      %swap3A_292 = arith.constant 0 : index
      %swap3A_293 = tpu.vector_load %arg8[%swap3A_291, %swap3A_292] {strides = array<i32>} : memref<1032x32xf32, #tpu.memory_space<vmem>>, vector<1x16xf32>,
      %swap3A_294 = vector.shape_cast %swap3A_293 : vector<1x16xf32> to vector<16xf32>
      %swap3A_295 = vector.shape_cast %broadcast_in_dim3A_3 : vector<16xf32> to vector<1x16xf32>
      tpu.vector_store %arg8[%swap3A_291, %swap3A_292], %swap3A_295 {strides = array<i32>} : memref<1032x32xf32, #tpu.memory_space<vmem>>, vector<1x16xf32>,
      %swap3A_296 = arith.index_cast %add3A_290 : i32 to index
      %swap3A_297 = arith.constant 16 : index
      %swap3A_298 = tpu.vector_load %arg8[%swap3A_296, %swap3A_297] {strides = array<i32>} : memref<1032x32xf32, #tpu.memory_space<vmem>>, vector<1x16xf32>,
      %swap3A_299 = vector.shape_cast %swap3A_298 : vector<1x16xf32> to vector<16xf32>
      %swap3A_300 = vector.shape_cast %broadcast_in_dim3A_3 : vector<16xf32> to vector<1x16xf32>
      tpu.vector_store %arg8[%swap3A_296, %swap3A_297], %swap3A_300 {strides = array<i32>} : memref<1032x32xf32, #tpu.memory_space<vmem>>, vector<1x16xf32>,
      %swap3A_301 = arith.index_cast %add3A_290 : i32 to index
      %swap3A_302 = arith.constant 0 : index
      %swap3A_303 = tpu.vector_load %arg9[%swap3A_301, %swap3A_302] {strides = array<i32>} : memref<1032x16xf32, #tpu.memory_space<vmem>>, vector<1x16xf32>,
      %swap3A_304 = vector.shape_cast %swap3A_303 : vector<1x16xf32> to vector<16xf32>
      %swap3A_305 = vector.shape_cast %broadcast_in_dim3A_3 : vector<16xf32> to vector<1x16xf32>
      tpu.vector_store %arg9[%swap3A_301, %swap3A_302], %swap3A_305 {strides = array<i32>} : memref<1032x16xf32, #tpu.memory_space<vmem>>, vector<1x16xf32>,
      %mul3A_306 = arith.constant 8 : i32
      %mul3A_307 = arith.muli %scan3A_210, %mul3A_306 : i32
      %add3A_308 = arith.constant 5 : i32
      %add3A_309 = arith.addi %mul3A_307, %add3A_308 : i32
      %swap3A_310 = arith.index_cast %add3A_309 : i32 to index
      %swap3A_311 = arith.constant 0 : index
      %swap3A_312 = tpu.vector_load %arg8[%swap3A_310, %swap3A_311] {strides = array<i32>} : memref<1032x32xf32, #tpu.memory_space<vmem>>, vector<1x16xf32>,
      %swap3A_313 = vector.shape_cast %swap3A_312 : vector<1x16xf32> to vector<16xf32>
      %swap3A_314 = vector.shape_cast %broadcast_in_dim3A_3 : vector<16xf32> to vector<1x16xf32>
      tpu.vector_store %arg8[%swap3A_310, %swap3A_311], %swap3A_314 {strides = array<i32>} : memref<1032x32xf32, #tpu.memory_space<vmem>>, vector<1x16xf32>,
      %swap3A_315 = arith.index_cast %add3A_309 : i32 to index
      %swap3A_316 = arith.constant 16 : index
      %swap3A_317 = tpu.vector_load %arg8[%swap3A_315, %swap3A_316] {strides = array<i32>} : memref<1032x32xf32, #tpu.memory_space<vmem>>, vector<1x16xf32>,
      %swap3A_318 = vector.shape_cast %swap3A_317 : vector<1x16xf32> to vector<16xf32>
      %swap3A_319 = vector.shape_cast %broadcast_in_dim3A_3 : vector<16xf32> to vector<1x16xf32>
      tpu.vector_store %arg8[%swap3A_315, %swap3A_316], %swap3A_319 {strides = array<i32>} : memref<1032x32xf32, #tpu.memory_space<vmem>>, vector<1x16xf32>,
      %swap3A_320 = arith.index_cast %add3A_309 : i32 to index
      %swap3A_321 = arith.constant 0 : index
      %swap3A_322 = tpu.vector_load %arg9[%swap3A_320, %swap3A_321] {strides = array<i32>} : memref<1032x16xf32, #tpu.memory_space<vmem>>, vector<1x16xf32>,
      %swap3A_323 = vector.shape_cast %swap3A_322 : vector<1x16xf32> to vector<16xf32>
      %swap3A_324 = vector.shape_cast %broadcast_in_dim3A_3 : vector<16xf32> to vector<1x16xf32>
      tpu.vector_store %arg9[%swap3A_320, %swap3A_321], %swap3A_324 {strides = array<i32>} : memref<1032x16xf32, #tpu.memory_space<vmem>>, vector<1x16xf32>,
      %mul3A_325 = arith.constant 8 : i32
      %mul3A_326 = arith.muli %scan3A_210, %mul3A_325 : i32
      %add3A_327 = arith.constant 6 : i32
      %add3A_328 = arith.addi %mul3A_326, %add3A_327 : i32
      %swap3A_329 = arith.index_cast %add3A_328 : i32 to index
      %swap3A_330 = arith.constant 0 : index
      %swap3A_331 = tpu.vector_load %arg8[%swap3A_329, %swap3A_330] {strides = array<i32>} : memref<1032x32xf32, #tpu.memory_space<vmem>>, vector<1x16xf32>,
      %swap3A_332 = vector.shape_cast %swap3A_331 : vector<1x16xf32> to vector<16xf32>
      %swap3A_333 = vector.shape_cast %broadcast_in_dim3A_3 : vector<16xf32> to vector<1x16xf32>
      tpu.vector_store %arg8[%swap3A_329, %swap3A_330], %swap3A_333 {strides = array<i32>} : memref<1032x32xf32, #tpu.memory_space<vmem>>, vector<1x16xf32>,
      %swap3A_334 = arith.index_cast %add3A_328 : i32 to index
      %swap3A_335 = arith.constant 16 : index
      %swap3A_336 = tpu.vector_load %arg8[%swap3A_334, %swap3A_335] {strides = array<i32>} : memref<1032x32xf32, #tpu.memory_space<vmem>>, vector<1x16xf32>,
      %swap3A_337 = vector.shape_cast %swap3A_336 : vector<1x16xf32> to vector<16xf32>
      %swap3A_338 = vector.shape_cast %broadcast_in_dim3A_3 : vector<16xf32> to vector<1x16xf32>
      tpu.vector_store %arg8[%swap3A_334, %swap3A_335], %swap3A_338 {strides = array<i32>} : memref<1032x32xf32, #tpu.memory_space<vmem>>, vector<1x16xf32>,
      %swap3A_339 = arith.index_cast %add3A_328 : i32 to index
      %swap3A_340 = arith.constant 0 : index
      %swap3A_341 = tpu.vector_load %arg9[%swap3A_339, %swap3A_340] {strides = array<i32>} : memref<1032x16xf32, #tpu.memory_space<vmem>>, vector<1x16xf32>,
      %swap3A_342 = vector.shape_cast %swap3A_341 : vector<1x16xf32> to vector<16xf32>
      %swap3A_343 = vector.shape_cast %broadcast_in_dim3A_3 : vector<16xf32> to vector<1x16xf32>
      tpu.vector_store %arg9[%swap3A_339, %swap3A_340], %swap3A_343 {strides = array<i32>} : memref<1032x16xf32, #tpu.memory_space<vmem>>, vector<1x16xf32>,
      %mul3A_344 = arith.constant 8 : i32
      %mul3A_345 = arith.muli %scan3A_210, %mul3A_344 : i32
      %add3A_346 = arith.constant 7 : i32
      %add3A_347 = arith.addi %mul3A_345, %add3A_346 : i32
      %swap3A_348 = arith.index_cast %add3A_347 : i32 to index
      %swap3A_349 = arith.constant 0 : index
      %swap3A_350 = tpu.vector_load %arg8[%swap3A_348, %swap3A_349] {strides = array<i32>} : memref<1032x32xf32, #tpu.memory_space<vmem>>, vector<1x16xf32>,
      %swap3A_351 = vector.shape_cast %swap3A_350 : vector<1x16xf32> to vector<16xf32>
      %swap3A_352 = vector.shape_cast %broadcast_in_dim3A_3 : vector<16xf32> to vector<1x16xf32>
      tpu.vector_store %arg8[%swap3A_348, %swap3A_349], %swap3A_352 {strides = array<i32>} : memref<1032x32xf32, #tpu.memory_space<vmem>>, vector<1x16xf32>,
      %swap3A_353 = arith.index_cast %add3A_347 : i32 to index
      %swap3A_354 = arith.constant 16 : index
      %swap3A_355 = tpu.vector_load %arg8[%swap3A_353, %swap3A_354] {strides = array<i32>} : memref<1032x32xf32, #tpu.memory_space<vmem>>, vector<1x16xf32>,
      %swap3A_356 = vector.shape_cast %swap3A_355 : vector<1x16xf32> to vector<16xf32>
      %swap3A_357 = vector.shape_cast %broadcast_in_dim3A_3 : vector<16xf32> to vector<1x16xf32>
      tpu.vector_store %arg8[%swap3A_353, %swap3A_354], %swap3A_357 {strides = array<i32>} : memref<1032x32xf32, #tpu.memory_space<vmem>>, vector<1x16xf32>,
      %swap3A_358 = arith.index_cast %add3A_347 : i32 to index
      %swap3A_359 = arith.constant 0 : index
      %swap3A_360 = tpu.vector_load %arg9[%swap3A_358, %swap3A_359] {strides = array<i32>} : memref<1032x16xf32, #tpu.memory_space<vmem>>, vector<1x16xf32>,
      %swap3A_361 = vector.shape_cast %swap3A_360 : vector<1x16xf32> to vector<16xf32>
      %swap3A_362 = vector.shape_cast %broadcast_in_dim3A_3 : vector<16xf32> to vector<1x16xf32>
      tpu.vector_store %arg9[%swap3A_358, %swap3A_359], %swap3A_362 {strides = array<i32>} : memref<1032x16xf32, #tpu.memory_space<vmem>>, vector<1x16xf32>,
      %scan3A_363 = arith.constant 0 : i32
      scf.yield %scan3A_363 : i32
    }
    %scan3A_11 = arith.constant 129 : i32
    %scan3A_12 = arith.constant 0 : i32
    %scan3A_13 = arith.constant 0 : i32
    %scan3A_14 = arith.constant 16 : i32
    %scan3A_15 = arith.addi %scan3A_13, %scan3A_14 : i32
    %scan3A_16 = arith.constant 1 : i32
    %scan3A_17 = scf.for %scan3A_210 = %scan3A_13 to %scan3A_15 step %scan3A_16 iter_args(%scan3A_211 = %scan3A_12) -> (i32)  : i32 {
      %mul3A_212 = arith.constant 8 : i32
      %mul3A_213 = arith.muli %scan3A_210, %mul3A_212 : i32
      %add3A_214 = arith.constant 0 : i32
      %add3A_215 = arith.addi %mul3A_213, %add3A_214 : i32
      %swap3A = arith.index_cast %add3A_215 : i32 to index
      %swap3A_216 = arith.constant 0 : index
      %swap3A_217 = tpu.vector_load %arg7[%swap3A, %swap3A_216] {strides = array<i32>} : memref<128x16xf32, #tpu.memory_space<vmem>>, vector<1x16xf32>,
      %swap3A_218 = vector.shape_cast %swap3A_217 : vector<1x16xf32> to vector<16xf32>
      %swap3A_219 = vector.shape_cast %broadcast_in_dim3A_5 : vector<16xf32> to vector<1x16xf32>
      tpu.vector_store %arg7[%swap3A, %swap3A_216], %swap3A_219 {strides = array<i32>} : memref<128x16xf32, #tpu.memory_space<vmem>>, vector<1x16xf32>,
      %mul3A_220 = arith.constant 8 : i32
      %mul3A_221 = arith.muli %scan3A_210, %mul3A_220 : i32
      %add3A_222 = arith.constant 1 : i32
      %add3A_223 = arith.addi %mul3A_221, %add3A_222 : i32
      %swap3A_224 = arith.index_cast %add3A_223 : i32 to index
      %swap3A_225 = arith.constant 0 : index
      %swap3A_226 = tpu.vector_load %arg7[%swap3A_224, %swap3A_225] {strides = array<i32>} : memref<128x16xf32, #tpu.memory_space<vmem>>, vector<1x16xf32>,
      %swap3A_227 = vector.shape_cast %swap3A_226 : vector<1x16xf32> to vector<16xf32>
      %swap3A_228 = vector.shape_cast %broadcast_in_dim3A_5 : vector<16xf32> to vector<1x16xf32>
      tpu.vector_store %arg7[%swap3A_224, %swap3A_225], %swap3A_228 {strides = array<i32>} : memref<128x16xf32, #tpu.memory_space<vmem>>, vector<1x16xf32>,
      %mul3A_229 = arith.constant 8 : i32
      %mul3A_230 = arith.muli %scan3A_210, %mul3A_229 : i32
      %add3A_231 = arith.constant 2 : i32
      %add3A_232 = arith.addi %mul3A_230, %add3A_231 : i32
      %swap3A_233 = arith.index_cast %add3A_232 : i32 to index
      %swap3A_234 = arith.constant 0 : index
      %swap3A_235 = tpu.vector_load %arg7[%swap3A_233, %swap3A_234] {strides = array<i32>} : memref<128x16xf32, #tpu.memory_space<vmem>>, vector<1x16xf32>,
      %swap3A_236 = vector.shape_cast %swap3A_235 : vector<1x16xf32> to vector<16xf32>
      %swap3A_237 = vector.shape_cast %broadcast_in_dim3A_5 : vector<16xf32> to vector<1x16xf32>
      tpu.vector_store %arg7[%swap3A_233, %swap3A_234], %swap3A_237 {strides = array<i32>} : memref<128x16xf32, #tpu.memory_space<vmem>>, vector<1x16xf32>,
      %mul3A_238 = arith.constant 8 : i32
      %mul3A_239 = arith.muli %scan3A_210, %mul3A_238 : i32
      %add3A_240 = arith.constant 3 : i32
      %add3A_241 = arith.addi %mul3A_239, %add3A_240 : i32
      %swap3A_242 = arith.index_cast %add3A_241 : i32 to index
      %swap3A_243 = arith.constant 0 : index
      %swap3A_244 = tpu.vector_load %arg7[%swap3A_242, %swap3A_243] {strides = array<i32>} : memref<128x16xf32, #tpu.memory_space<vmem>>, vector<1x16xf32>,
      %swap3A_245 = vector.shape_cast %swap3A_244 : vector<1x16xf32> to vector<16xf32>
      %swap3A_246 = vector.shape_cast %broadcast_in_dim3A_5 : vector<16xf32> to vector<1x16xf32>
      tpu.vector_store %arg7[%swap3A_242, %swap3A_243], %swap3A_246 {strides = array<i32>} : memref<128x16xf32, #tpu.memory_space<vmem>>, vector<1x16xf32>,
      %mul3A_247 = arith.constant 8 : i32
      %mul3A_248 = arith.muli %scan3A_210, %mul3A_247 : i32
      %add3A_249 = arith.constant 4 : i32
      %add3A_250 = arith.addi %mul3A_248, %add3A_249 : i32
      %swap3A_251 = arith.index_cast %add3A_250 : i32 to index
      %swap3A_252 = arith.constant 0 : index
      %swap3A_253 = tpu.vector_load %arg7[%swap3A_251, %swap3A_252] {strides = array<i32>} : memref<128x16xf32, #tpu.memory_space<vmem>>, vector<1x16xf32>,
      %swap3A_254 = vector.shape_cast %swap3A_253 : vector<1x16xf32> to vector<16xf32>
      %swap3A_255 = vector.shape_cast %broadcast_in_dim3A_5 : vector<16xf32> to vector<1x16xf32>
      tpu.vector_store %arg7[%swap3A_251, %swap3A_252], %swap3A_255 {strides = array<i32>} : memref<128x16xf32, #tpu.memory_space<vmem>>, vector<1x16xf32>,
      %mul3A_256 = arith.constant 8 : i32
      %mul3A_257 = arith.muli %scan3A_210, %mul3A_256 : i32
      %add3A_258 = arith.constant 5 : i32
      %add3A_259 = arith.addi %mul3A_257, %add3A_258 : i32
      %swap3A_260 = arith.index_cast %add3A_259 : i32 to index
      %swap3A_261 = arith.constant 0 : index
      %swap3A_262 = tpu.vector_load %arg7[%swap3A_260, %swap3A_261] {strides = array<i32>} : memref<128x16xf32, #tpu.memory_space<vmem>>, vector<1x16xf32>,
      %swap3A_263 = vector.shape_cast %swap3A_262 : vector<1x16xf32> to vector<16xf32>
      %swap3A_264 = vector.shape_cast %broadcast_in_dim3A_5 : vector<16xf32> to vector<1x16xf32>
      tpu.vector_store %arg7[%swap3A_260, %swap3A_261], %swap3A_264 {strides = array<i32>} : memref<128x16xf32, #tpu.memory_space<vmem>>, vector<1x16xf32>,
      %mul3A_265 = arith.constant 8 : i32
      %mul3A_266 = arith.muli %scan3A_210, %mul3A_265 : i32
      %add3A_267 = arith.constant 6 : i32
      %add3A_268 = arith.addi %mul3A_266, %add3A_267 : i32
      %swap3A_269 = arith.index_cast %add3A_268 : i32 to index
      %swap3A_270 = arith.constant 0 : index
      %swap3A_271 = tpu.vector_load %arg7[%swap3A_269, %swap3A_270] {strides = array<i32>} : memref<128x16xf32, #tpu.memory_space<vmem>>, vector<1x16xf32>,
      %swap3A_272 = vector.shape_cast %swap3A_271 : vector<1x16xf32> to vector<16xf32>
      %swap3A_273 = vector.shape_cast %broadcast_in_dim3A_5 : vector<16xf32> to vector<1x16xf32>
      tpu.vector_store %arg7[%swap3A_269, %swap3A_270], %swap3A_273 {strides = array<i32>} : memref<128x16xf32, #tpu.memory_space<vmem>>, vector<1x16xf32>,
      %mul3A_274 = arith.constant 8 : i32
      %mul3A_275 = arith.muli %scan3A_210, %mul3A_274 : i32
      %add3A_276 = arith.constant 7 : i32
      %add3A_277 = arith.addi %mul3A_275, %add3A_276 : i32
      %swap3A_278 = arith.index_cast %add3A_277 : i32 to index
      %swap3A_279 = arith.constant 0 : index
      %swap3A_280 = tpu.vector_load %arg7[%swap3A_278, %swap3A_279] {strides = array<i32>} : memref<128x16xf32, #tpu.memory_space<vmem>>, vector<1x16xf32>,
      %swap3A_281 = vector.shape_cast %swap3A_280 : vector<1x16xf32> to vector<16xf32>
      %swap3A_282 = vector.shape_cast %broadcast_in_dim3A_5 : vector<16xf32> to vector<1x16xf32>
      tpu.vector_store %arg7[%swap3A_278, %swap3A_279], %swap3A_282 {strides = array<i32>} : memref<128x16xf32, #tpu.memory_space<vmem>>, vector<1x16xf32>,
      %scan3A_283 = arith.constant 0 : i32
      scf.yield %scan3A_283 : i32
    }
    %scan3A_18 = arith.constant 16 : i32
    %sub3A = arith.constant 525 : i32
    %sub3A_19 = arith.subi %sub3A, %arg1 : i32
    %add3A = arith.constant 16 : i32
    %add3A_20 = arith.addi %sub3A_19, %add3A : i32
    %sub3A_21 = arith.constant 1 : i32
    %sub3A_22 = arith.subi %add3A_20, %sub3A_21 : i32
    %jit3A = arith.constant 16 : i32
    %div3A = arith.divsi %sub3A_22, %jit3A : i32
    %sign3A = arith.constant 0 : i32
    %sign3A_23 = arith.cmpi sgt, %sub3A_22, %sign3A : i32
    %sign3A_24 = arith.extui %sign3A_23 : i1 to i32
    %sign3A_25 = arith.constant 0 : i32
    %sign3A_26 = arith.cmpi slt, %sub3A_22, %sign3A_25 : i32
    %sign3A_27 = arith.extui %sign3A_26 : i1 to i32
    %sign3A_28 = arith.subi %sign3A_24, %sign3A_27 : i32
    %sign3A_29 = arith.constant 0 : i32
    %sign3A_30 = arith.cmpi sgt, %jit3A, %sign3A_29 : i32
    %sign3A_31 = arith.extui %sign3A_30 : i1 to i32
    %sign3A_32 = arith.constant 0 : i32
    %sign3A_33 = arith.cmpi slt, %jit3A, %sign3A_32 : i32
    %sign3A_34 = arith.extui %sign3A_33 : i1 to i32
    %sign3A_35 = arith.subi %sign3A_31, %sign3A_34 : i32
    %ne3A = arith.cmpi ne, %sign3A_28, %sign3A_35 : i32
    %rem3A = arith.remsi %sub3A_22, %jit3A : i32
    %ne3A_36 = arith.constant 0 : i32
    %ne3A_37 = arith.cmpi ne, %rem3A, %ne3A_36 : i32
    %and3A = arith.andi %ne3A, %ne3A_37 : i1
    %sub3A_38 = arith.constant 1 : i32
    %sub3A_39 = arith.subi %div3A, %sub3A_38 : i32
    %select_n3A = arith.select %and3A, %sub3A_39, %div3A : i32
    "tpu.region"() ({
      %run_scoped3A = tpu.sem_alloc : memref<!tpu.dma_semaphore, #tpu.memory_space<semaphore_mem>>
      %dma_start3A_210 = arith.constant 0 : i32
      %dma_start3A_211 = tpu.memref_slice %arg10[%mul3A_2, %dma_start3A_210] : memref<16512x32xf32, #tpu.memory_space<vmem_shared>> -> memref<1032x32xf32, #tpu.memory_space<vmem_shared>>
      %dma_start3A_212 = arith.constant 0 : i32
      %dma_start3A_213 = tpu.memref_slice %arg10[%mul3A_2, %dma_start3A_212] : memref<16512x32xf32, #tpu.memory_space<vmem_shared>> -> memref<1032x32xf32, #tpu.memory_space<vmem_shared>>
      tpu.enqueue_dma source(%arg8 : memref<1032x32xf32, #tpu.memory_space<vmem>>) target(%dma_start3A_213 : memref<1032x32xf32, #tpu.memory_space<vmem_shared>>) target_semaphore(%run_scoped3A : memref<!tpu.dma_semaphore, #tpu.memory_space<semaphore_mem>>)
      %dma_wait3A_214 = arith.constant 0 : i32
      %dma_wait3A_215 = tpu.memref_slice %arg10[%mul3A_2, %dma_wait3A_214] : memref<16512x32xf32, #tpu.memory_space<vmem_shared>> -> memref<1032x32xf32, #tpu.memory_space<vmem_shared>>
      %dma_wait3A_216 = arith.constant 0 : i32
      %dma_wait3A_217 = tpu.memref_slice %arg10[%mul3A_2, %dma_wait3A_216] : memref<16512x32xf32, #tpu.memory_space<vmem_shared>> -> memref<1032x32xf32, #tpu.memory_space<vmem_shared>>
      tpu.wait_dma2 semaphore(%run_scoped3A : memref<!tpu.dma_semaphore, #tpu.memory_space<semaphore_mem>>) src(%arg8 : memref<1032x32xf32, #tpu.memory_space<vmem>>) dst(%dma_wait3A_217 : memref<1032x32xf32, #tpu.memory_space<vmem_shared>>)
      tpu.yield
    }) : () -> ()
    "tpu.region"() ({
      %run_scoped3A = tpu.sem_alloc : memref<!tpu.dma_semaphore, #tpu.memory_space<semaphore_mem>>
      %dma_start3A_210 = arith.constant 0 : i32
      %dma_start3A_211 = tpu.memref_slice %arg11[%mul3A_2, %dma_start3A_210] : memref<16512x16xf32, #tpu.memory_space<vmem_shared>> -> memref<1032x16xf32, #tpu.memory_space<vmem_shared>>
      %dma_start3A_212 = arith.constant 0 : i32
      %dma_start3A_213 = tpu.memref_slice %arg11[%mul3A_2, %dma_start3A_212] : memref<16512x16xf32, #tpu.memory_space<vmem_shared>> -> memref<1032x16xf32, #tpu.memory_space<vmem_shared>>
      tpu.enqueue_dma source(%arg9 : memref<1032x16xf32, #tpu.memory_space<vmem>>) target(%dma_start3A_213 : memref<1032x16xf32, #tpu.memory_space<vmem_shared>>) target_semaphore(%run_scoped3A : memref<!tpu.dma_semaphore, #tpu.memory_space<semaphore_mem>>)
      %dma_wait3A_214 = arith.constant 0 : i32
      %dma_wait3A_215 = tpu.memref_slice %arg11[%mul3A_2, %dma_wait3A_214] : memref<16512x16xf32, #tpu.memory_space<vmem_shared>> -> memref<1032x16xf32, #tpu.memory_space<vmem_shared>>
      %dma_wait3A_216 = arith.constant 0 : i32
      %dma_wait3A_217 = tpu.memref_slice %arg11[%mul3A_2, %dma_wait3A_216] : memref<16512x16xf32, #tpu.memory_space<vmem_shared>> -> memref<1032x16xf32, #tpu.memory_space<vmem_shared>>
      tpu.wait_dma2 semaphore(%run_scoped3A : memref<!tpu.dma_semaphore, #tpu.memory_space<semaphore_mem>>) src(%arg9 : memref<1032x16xf32, #tpu.memory_space<vmem>>) dst(%dma_wait3A_217 : memref<1032x16xf32, #tpu.memory_space<vmem_shared>>)
      tpu.yield
    }) : () -> ()
    %barrier3A = arith.constant 0 : index
    tpu.barrier barrier_id(%barrier3A)
    %add3A_40 = arith.constant 0 : i32
    %add3A_41 = arith.addi %arg1, %add3A_40 : i32
    %dma_start3A = arith.constant 0 : i32
    %dma_start3A_42 = arith.constant 0 : i32
    %dma_start3A_43 = tpu.memref_slice %arg6[%dma_start3A, %dma_start3A_42] : memref<8x128xi32, #tpu.memory_space<vmem>> -> memref<4x128xi32, #tpu.memory_space<vmem>>
    %dma_start3A_44 = arith.constant 0 : i32
    %dma_start3A_45 = arith.constant 0 : i32
    %dma_start3A_46 = tpu.memref_slice %arg2[%add3A_41, %dma_start3A_44, %dma_start3A_45] : memref<525x4x128xi32, #tpu.memory_space<hbm>> -> memref<1x4x128xi32, #tpu.memory_space<hbm>>
    %dma_start3A_47 = tpu.memref_squeeze %dma_start3A_46 : memref<1x4x128xi32, #tpu.memory_space<hbm>> -> memref<4x128xi32, #tpu.memory_space<hbm>>
    %dma_start3A_48 = arith.constant 0 : i32
    %dma_start3A_49 = arith.constant 0 : i32
    %dma_start3A_50 = tpu.memref_slice %arg6[%dma_start3A_48, %dma_start3A_49] : memref<8x128xi32, #tpu.memory_space<vmem>> -> memref<4x128xi32, #tpu.memory_space<vmem>>
    %dma_start3A_51 = arith.constant 0 : i32
    %dma_start3A_52 = arith.constant 0 : i32
    %dma_start3A_53 = tpu.memref_slice %arg2[%add3A_41, %dma_start3A_51, %dma_start3A_52] : memref<525x4x128xi32, #tpu.memory_space<hbm>> -> memref<1x4x128xi32, #tpu.memory_space<hbm>>
    %dma_start3A_54 = tpu.memref_squeeze %dma_start3A_53 : memref<1x4x128xi32, #tpu.memory_space<hbm>> -> memref<4x128xi32, #tpu.memory_space<hbm>>
    tpu.enqueue_dma source(%dma_start3A_54 : memref<4x128xi32, #tpu.memory_space<hbm>>) target(%dma_start3A_50 : memref<4x128xi32, #tpu.memory_space<vmem>>) target_semaphore(%arg12 : memref<!tpu.dma_semaphore, #tpu.memory_space<semaphore_mem>>)
    %add3A_55 = arith.constant 0 : i32
    %add3A_56 = arith.addi %arg1, %add3A_55 : i32
    %mul3A_57 = arith.constant 512 : i32
    %mul3A_58 = arith.muli %add3A_56, %mul3A_57 : i32
    %min3A = arith.constant 267923 : i32
    %min3A_59 = arith.minsi %mul3A_58, %min3A : i32
    %dma_start3A_60 = arith.constant 0 : i32
    %dma_start3A_61 = arith.constant 0 : i32
    %dma_start3A_62 = tpu.memref_slice %arg8[%dma_start3A_60, %dma_start3A_61] : memref<1032x32xf32, #tpu.memory_space<vmem>> -> memref<512x32xf32, #tpu.memory_space<vmem>>
    %dma_start3A_63 = tpu.memref_slice %arg4[%min3A_59, %mul3A_0] : memref<268435x64xf32, #tpu.memory_space<hbm>> -> memref<512x32xf32, #tpu.memory_space<hbm>>
    %dma_start3A_64 = arith.constant 0 : i32
    %dma_start3A_65 = arith.constant 0 : i32
    %dma_start3A_66 = tpu.memref_slice %arg8[%dma_start3A_64, %dma_start3A_65] : memref<1032x32xf32, #tpu.memory_space<vmem>> -> memref<512x32xf32, #tpu.memory_space<vmem>>
    %dma_start3A_67 = tpu.memref_slice %arg4[%min3A_59, %mul3A_0] : memref<268435x64xf32, #tpu.memory_space<hbm>> -> memref<512x32xf32, #tpu.memory_space<hbm>>
    tpu.enqueue_dma source(%dma_start3A_67 : memref<512x32xf32, #tpu.memory_space<hbm>>) target(%dma_start3A_66 : memref<512x32xf32, #tpu.memory_space<vmem>>) target_semaphore(%arg13 : memref<!tpu.dma_semaphore, #tpu.memory_space<semaphore_mem>>)
    %while3A = arith.constant 0 : i32
    %while3A_68 = arith.constant 0 : i32
    %while3A_69 = arith.subi %select_n3A, %while3A : i32
    %while3A_70 = arith.addi %while3A, %while3A_69 : i32
    %while3A_71 = arith.constant 1 : i32
    %while3A_72 = arith.divsi %while3A_69, %while3A_71 : i32
    %while3A_73 = arith.muli %while3A_72, %while3A_71 : i32
    %while3A_74 = arith.addi %while3A, %while3A_73 : i32
    %while3A_75 = arith.constant 1 : i32
    %while3A_76 = scf.for %while3A_210 = %while3A to %while3A_74 step %while3A_75 iter_args(%while3A_211 = %while3A_68) -> (i32)  : i32 {
      %rem3A_212 = arith.constant 2 : i32
      %rem3A_213 = arith.remsi %while3A_210, %rem3A_212 : i32
      %mul3A_214 = arith.constant 4 : i32
      %mul3A_215 = arith.muli %rem3A_213, %mul3A_214 : i32
      %dma_wait3A_216 = arith.constant 0 : i32
      %dma_wait3A_217 = arith.constant 0 : i32
      %dma_wait3A_218 = tpu.memref_slice %arg6[%mul3A_215, %dma_wait3A_217] : memref<8x128xi32, #tpu.memory_space<vmem>> -> memref<4x128xi32, #tpu.memory_space<vmem>>
      %dma_wait3A_219 = arith.constant 0 : i32
      %dma_wait3A_220 = arith.constant 0 : i32
      %dma_wait3A_221 = tpu.memref_slice %arg2[%dma_wait3A_216, %dma_wait3A_219, %dma_wait3A_220] : memref<525x4x128xi32, #tpu.memory_space<hbm>> -> memref<1x4x128xi32, #tpu.memory_space<hbm>>
      %dma_wait3A_222 = tpu.memref_squeeze %dma_wait3A_221 : memref<1x4x128xi32, #tpu.memory_space<hbm>> -> memref<4x128xi32, #tpu.memory_space<hbm>>
      %dma_wait3A_223 = arith.constant 0 : i32
      %dma_wait3A_224 = tpu.memref_slice %arg6[%mul3A_215, %dma_wait3A_223] : memref<8x128xi32, #tpu.memory_space<vmem>> -> memref<4x128xi32, #tpu.memory_space<vmem>>
      %dma_wait3A_225 = arith.constant 0 : i32
      %dma_wait3A_226 = arith.constant 0 : i32
      %dma_wait3A_227 = tpu.memref_slice %arg2[%dma_wait3A_216, %dma_wait3A_225, %dma_wait3A_226] : memref<525x4x128xi32, #tpu.memory_space<hbm>> -> memref<1x4x128xi32, #tpu.memory_space<hbm>>
      %dma_wait3A_228 = tpu.memref_squeeze %dma_wait3A_227 : memref<1x4x128xi32, #tpu.memory_space<hbm>> -> memref<4x128xi32, #tpu.memory_space<hbm>>
      tpu.wait_dma2 semaphore(%arg12 : memref<!tpu.dma_semaphore, #tpu.memory_space<semaphore_mem>>) src(%dma_wait3A_228 : memref<4x128xi32, #tpu.memory_space<hbm>>) dst(%dma_wait3A_224 : memref<4x128xi32, #tpu.memory_space<vmem>>)
      %mul3A_229 = arith.constant 512 : i32
      %mul3A_230 = arith.muli %rem3A_213, %mul3A_229 : i32
      %dma_wait3A_231 = arith.constant 0 : i32
      %dma_wait3A_232 = tpu.memref_slice %arg8[%mul3A_230, %dma_wait3A_231] : memref<1032x32xf32, #tpu.memory_space<vmem>> -> memref<512x32xf32, #tpu.memory_space<vmem>>
      %dma_wait3A_233 = arith.constant 0 : i32
      %dma_wait3A_234 = arith.constant 0 : i32
      %dma_wait3A_235 = tpu.memref_slice %arg4[%dma_wait3A_233, %dma_wait3A_234] : memref<268435x64xf32, #tpu.memory_space<hbm>> -> memref<512x32xf32, #tpu.memory_space<hbm>>
      %dma_wait3A_236 = arith.constant 0 : i32
      %dma_wait3A_237 = tpu.memref_slice %arg8[%mul3A_230, %dma_wait3A_236] : memref<1032x32xf32, #tpu.memory_space<vmem>> -> memref<512x32xf32, #tpu.memory_space<vmem>>
      %dma_wait3A_238 = arith.constant 0 : i32
      %dma_wait3A_239 = arith.constant 0 : i32
      %dma_wait3A_240 = tpu.memref_slice %arg4[%dma_wait3A_238, %dma_wait3A_239] : memref<268435x64xf32, #tpu.memory_space<hbm>> -> memref<512x32xf32, #tpu.memory_space<hbm>>
      tpu.wait_dma2 semaphore(%arg13 : memref<!tpu.dma_semaphore, #tpu.memory_space<semaphore_mem>>) src(%dma_wait3A_240 : memref<512x32xf32, #tpu.memory_space<hbm>>) dst(%dma_wait3A_237 : memref<512x32xf32, #tpu.memory_space<vmem>>)
      %gt3A = arith.constant 0 : i32
      %gt3A_241 = arith.cmpi sgt, %while3A_210, %gt3A : i32
      %convert_element_type3A_242 = arith.extui %gt3A_241 : i1 to i32
      %cond3A_243 = arith.constant 0 : i32
      %cond3A_244 = arith.cmpi ne, %convert_element_type3A_242, %cond3A_243 : i32
      scf.if %cond3A_244 {
        %dma_wait3A_355 = arith.constant 0 : i32
        %dma_wait3A_356 = arith.constant 0 : i32
        %dma_wait3A_357 = tpu.memref_slice %arg8[%dma_wait3A_355, %dma_wait3A_356] : memref<1032x32xf32, #tpu.memory_space<vmem>> -> memref<128x32xf32, #tpu.memory_space<vmem>>
        %dma_wait3A_358 = arith.constant 0 : i32
        %dma_wait3A_359 = arith.constant 0 : i32
        %dma_wait3A_360 = tpu.memref_slice %arg10[%dma_wait3A_358, %dma_wait3A_359] : memref<16512x32xf32, #tpu.memory_space<vmem_shared>> -> memref<128x32xf32, #tpu.memory_space<vmem_shared>>
        %dma_wait3A_361 = arith.constant 0 : i32
        %dma_wait3A_362 = arith.constant 0 : i32
        %dma_wait3A_363 = tpu.memref_slice %arg10[%dma_wait3A_361, %dma_wait3A_362] : memref<16512x32xf32, #tpu.memory_space<vmem_shared>> -> memref<128x32xf32, #tpu.memory_space<vmem_shared>>
        %dma_wait3A_364 = arith.constant 0 : i32
        %dma_wait3A_365 = arith.constant 0 : i32
        %dma_wait3A_366 = tpu.memref_slice %arg8[%dma_wait3A_364, %dma_wait3A_365] : memref<1032x32xf32, #tpu.memory_space<vmem>> -> memref<128x32xf32, #tpu.memory_space<vmem>>
        tpu.wait_dma2 semaphore(%arg14 : memref<!tpu.dma_semaphore, #tpu.memory_space<semaphore_mem>>) src(%dma_wait3A_366 : memref<128x32xf32, #tpu.memory_space<vmem>>) dst(%dma_wait3A_363 : memref<128x32xf32, #tpu.memory_space<vmem_shared>>)
        %dma_wait3A_367 = arith.constant 0 : i32
        %dma_wait3A_368 = arith.constant 0 : i32
        %dma_wait3A_369 = tpu.memref_slice %arg11[%dma_wait3A_367, %dma_wait3A_368] : memref<16512x16xf32, #tpu.memory_space<vmem_shared>> -> memref<128x16xf32, #tpu.memory_space<vmem_shared>>
        %dma_wait3A_370 = arith.constant 0 : i32
        %dma_wait3A_371 = arith.constant 0 : i32
        %dma_wait3A_372 = tpu.memref_slice %arg11[%dma_wait3A_370, %dma_wait3A_371] : memref<16512x16xf32, #tpu.memory_space<vmem_shared>> -> memref<128x16xf32, #tpu.memory_space<vmem_shared>>
        tpu.wait_dma2 semaphore(%arg14 : memref<!tpu.dma_semaphore, #tpu.memory_space<semaphore_mem>>) src(%arg7 : memref<128x16xf32, #tpu.memory_space<vmem>>) dst(%dma_wait3A_372 : memref<128x16xf32, #tpu.memory_space<vmem_shared>>)
        %dma_wait3A_373 = arith.constant 128 : i32
        %dma_wait3A_374 = arith.constant 0 : i32
        %dma_wait3A_375 = tpu.memref_slice %arg8[%dma_wait3A_373, %dma_wait3A_374] : memref<1032x32xf32, #tpu.memory_space<vmem>> -> memref<128x32xf32, #tpu.memory_space<vmem>>
        %dma_wait3A_376 = arith.constant 0 : i32
        %dma_wait3A_377 = arith.constant 0 : i32
        %dma_wait3A_378 = tpu.memref_slice %arg10[%dma_wait3A_376, %dma_wait3A_377] : memref<16512x32xf32, #tpu.memory_space<vmem_shared>> -> memref<128x32xf32, #tpu.memory_space<vmem_shared>>
        %dma_wait3A_379 = arith.constant 0 : i32
        %dma_wait3A_380 = arith.constant 0 : i32
        %dma_wait3A_381 = tpu.memref_slice %arg10[%dma_wait3A_379, %dma_wait3A_380] : memref<16512x32xf32, #tpu.memory_space<vmem_shared>> -> memref<128x32xf32, #tpu.memory_space<vmem_shared>>
        %dma_wait3A_382 = arith.constant 128 : i32
        %dma_wait3A_383 = arith.constant 0 : i32
        %dma_wait3A_384 = tpu.memref_slice %arg8[%dma_wait3A_382, %dma_wait3A_383] : memref<1032x32xf32, #tpu.memory_space<vmem>> -> memref<128x32xf32, #tpu.memory_space<vmem>>
        tpu.wait_dma2 semaphore(%arg14 : memref<!tpu.dma_semaphore, #tpu.memory_space<semaphore_mem>>) src(%dma_wait3A_384 : memref<128x32xf32, #tpu.memory_space<vmem>>) dst(%dma_wait3A_381 : memref<128x32xf32, #tpu.memory_space<vmem_shared>>)
        %dma_wait3A_385 = arith.constant 0 : i32
        %dma_wait3A_386 = arith.constant 0 : i32
        %dma_wait3A_387 = tpu.memref_slice %arg11[%dma_wait3A_385, %dma_wait3A_386] : memref<16512x16xf32, #tpu.memory_space<vmem_shared>> -> memref<128x16xf32, #tpu.memory_space<vmem_shared>>
        %dma_wait3A_388 = arith.constant 0 : i32
        %dma_wait3A_389 = arith.constant 0 : i32
        %dma_wait3A_390 = tpu.memref_slice %arg11[%dma_wait3A_388, %dma_wait3A_389] : memref<16512x16xf32, #tpu.memory_space<vmem_shared>> -> memref<128x16xf32, #tpu.memory_space<vmem_shared>>
        tpu.wait_dma2 semaphore(%arg14 : memref<!tpu.dma_semaphore, #tpu.memory_space<semaphore_mem>>) src(%arg7 : memref<128x16xf32, #tpu.memory_space<vmem>>) dst(%dma_wait3A_390 : memref<128x16xf32, #tpu.memory_space<vmem_shared>>)
        %dma_wait3A_391 = arith.constant 256 : i32
        %dma_wait3A_392 = arith.constant 0 : i32
        %dma_wait3A_393 = tpu.memref_slice %arg8[%dma_wait3A_391, %dma_wait3A_392] : memref<1032x32xf32, #tpu.memory_space<vmem>> -> memref<128x32xf32, #tpu.memory_space<vmem>>
        %dma_wait3A_394 = arith.constant 0 : i32
        %dma_wait3A_395 = arith.constant 0 : i32
        %dma_wait3A_396 = tpu.memref_slice %arg10[%dma_wait3A_394, %dma_wait3A_395] : memref<16512x32xf32, #tpu.memory_space<vmem_shared>> -> memref<128x32xf32, #tpu.memory_space<vmem_shared>>
        %dma_wait3A_397 = arith.constant 0 : i32
        %dma_wait3A_398 = arith.constant 0 : i32
        %dma_wait3A_399 = tpu.memref_slice %arg10[%dma_wait3A_397, %dma_wait3A_398] : memref<16512x32xf32, #tpu.memory_space<vmem_shared>> -> memref<128x32xf32, #tpu.memory_space<vmem_shared>>
        %dma_wait3A_400 = arith.constant 256 : i32
        %dma_wait3A_401 = arith.constant 0 : i32
        %dma_wait3A_402 = tpu.memref_slice %arg8[%dma_wait3A_400, %dma_wait3A_401] : memref<1032x32xf32, #tpu.memory_space<vmem>> -> memref<128x32xf32, #tpu.memory_space<vmem>>
        tpu.wait_dma2 semaphore(%arg14 : memref<!tpu.dma_semaphore, #tpu.memory_space<semaphore_mem>>) src(%dma_wait3A_402 : memref<128x32xf32, #tpu.memory_space<vmem>>) dst(%dma_wait3A_399 : memref<128x32xf32, #tpu.memory_space<vmem_shared>>)
        %dma_wait3A_403 = arith.constant 0 : i32
        %dma_wait3A_404 = arith.constant 0 : i32
        %dma_wait3A_405 = tpu.memref_slice %arg11[%dma_wait3A_403, %dma_wait3A_404] : memref<16512x16xf32, #tpu.memory_space<vmem_shared>> -> memref<128x16xf32, #tpu.memory_space<vmem_shared>>
        %dma_wait3A_406 = arith.constant 0 : i32
        %dma_wait3A_407 = arith.constant 0 : i32
        %dma_wait3A_408 = tpu.memref_slice %arg11[%dma_wait3A_406, %dma_wait3A_407] : memref<16512x16xf32, #tpu.memory_space<vmem_shared>> -> memref<128x16xf32, #tpu.memory_space<vmem_shared>>
        tpu.wait_dma2 semaphore(%arg14 : memref<!tpu.dma_semaphore, #tpu.memory_space<semaphore_mem>>) src(%arg7 : memref<128x16xf32, #tpu.memory_space<vmem>>) dst(%dma_wait3A_408 : memref<128x16xf32, #tpu.memory_space<vmem_shared>>)
        %dma_wait3A_409 = arith.constant 384 : i32
        %dma_wait3A_410 = arith.constant 0 : i32
        %dma_wait3A_411 = tpu.memref_slice %arg8[%dma_wait3A_409, %dma_wait3A_410] : memref<1032x32xf32, #tpu.memory_space<vmem>> -> memref<128x32xf32, #tpu.memory_space<vmem>>
        %dma_wait3A_412 = arith.constant 0 : i32
        %dma_wait3A_413 = arith.constant 0 : i32
        %dma_wait3A_414 = tpu.memref_slice %arg10[%dma_wait3A_412, %dma_wait3A_413] : memref<16512x32xf32, #tpu.memory_space<vmem_shared>> -> memref<128x32xf32, #tpu.memory_space<vmem_shared>>
        %dma_wait3A_415 = arith.constant 0 : i32
        %dma_wait3A_416 = arith.constant 0 : i32
        %dma_wait3A_417 = tpu.memref_slice %arg10[%dma_wait3A_415, %dma_wait3A_416] : memref<16512x32xf32, #tpu.memory_space<vmem_shared>> -> memref<128x32xf32, #tpu.memory_space<vmem_shared>>
        %dma_wait3A_418 = arith.constant 384 : i32
        %dma_wait3A_419 = arith.constant 0 : i32
        %dma_wait3A_420 = tpu.memref_slice %arg8[%dma_wait3A_418, %dma_wait3A_419] : memref<1032x32xf32, #tpu.memory_space<vmem>> -> memref<128x32xf32, #tpu.memory_space<vmem>>
        tpu.wait_dma2 semaphore(%arg14 : memref<!tpu.dma_semaphore, #tpu.memory_space<semaphore_mem>>) src(%dma_wait3A_420 : memref<128x32xf32, #tpu.memory_space<vmem>>) dst(%dma_wait3A_417 : memref<128x32xf32, #tpu.memory_space<vmem_shared>>)
        %dma_wait3A_421 = arith.constant 0 : i32
        %dma_wait3A_422 = arith.constant 0 : i32
        %dma_wait3A_423 = tpu.memref_slice %arg11[%dma_wait3A_421, %dma_wait3A_422] : memref<16512x16xf32, #tpu.memory_space<vmem_shared>> -> memref<128x16xf32, #tpu.memory_space<vmem_shared>>
        %dma_wait3A_424 = arith.constant 0 : i32
        %dma_wait3A_425 = arith.constant 0 : i32
        %dma_wait3A_426 = tpu.memref_slice %arg11[%dma_wait3A_424, %dma_wait3A_425] : memref<16512x16xf32, #tpu.memory_space<vmem_shared>> -> memref<128x16xf32, #tpu.memory_space<vmem_shared>>
        tpu.wait_dma2 semaphore(%arg14 : memref<!tpu.dma_semaphore, #tpu.memory_space<semaphore_mem>>) src(%arg7 : memref<128x16xf32, #tpu.memory_space<vmem>>) dst(%dma_wait3A_426 : memref<128x16xf32, #tpu.memory_space<vmem_shared>>)
      } else {
      }
      %mul3A_245 = arith.constant 512 : i32
      %mul3A_246 = arith.muli %rem3A_213, %mul3A_245 : i32
      %add3A_247 = arith.constant 0 : i32
      %add3A_248 = arith.addi %mul3A_246, %add3A_247 : i32
      %mul3A_249 = arith.constant 4 : i32
      %mul3A_250 = arith.muli %rem3A_213, %mul3A_249 : i32
      %add3A_251 = arith.constant 0 : i32
      %add3A_252 = arith.addi %mul3A_250, %add3A_251 : i32
      %dma_start3A_253 = arith.constant 0 : i32
      %dma_start3A_254 = tpu.memref_slice %arg8[%add3A_248, %dma_start3A_253] : memref<1032x32xf32, #tpu.memory_space<vmem>> -> memref<128x32xf32, #tpu.memory_space<vmem>>
      %dma_start3A_255 = arith.constant 0 : i32
      %dma_start3A_256 = tpu.memref_slice %arg6[%add3A_252, %dma_start3A_255] : memref<8x128xi32, #tpu.memory_space<vmem>> -> memref<1x128xi32, #tpu.memory_space<vmem>>
      %dma_start3A_257 = tpu.memref_squeeze %dma_start3A_256 : memref<1x128xi32, #tpu.memory_space<vmem>> -> memref<128xi32, #tpu.memory_space<vmem>>
      %dma_start3A_258 = arith.constant 0 : i32
      %dma_start3A_259 = arith.constant 0 : i32
      %dma_start3A_260 = tpu.memref_slice %arg10[%dma_start3A_258, %dma_start3A_259] : memref<16512x32xf32, #tpu.memory_space<vmem_shared>> -> memref<16512x32xf32, #tpu.memory_space<vmem_shared>>
      tpu.enqueue_indirect_dma source(%dma_start3A_254 : memref<128x32xf32, #tpu.memory_space<vmem>>) target(%dma_start3A_260 : memref<16512x32xf32, #tpu.memory_space<vmem_shared>>) offsets(%dma_start3A_257 : memref<128xi32, #tpu.memory_space<vmem>>) semaphore(%arg14 : memref<!tpu.dma_semaphore, #tpu.memory_space<semaphore_mem>>) {add = true}
      %mul3A_261 = arith.constant 4 : i32
      %mul3A_262 = arith.muli %rem3A_213, %mul3A_261 : i32
      %add3A_263 = arith.constant 0 : i32
      %add3A_264 = arith.addi %mul3A_262, %add3A_263 : i32
      %dma_start3A_265 = arith.constant 0 : i32
      %dma_start3A_266 = tpu.memref_slice %arg6[%add3A_264, %dma_start3A_265] : memref<8x128xi32, #tpu.memory_space<vmem>> -> memref<1x128xi32, #tpu.memory_space<vmem>>
      %dma_start3A_267 = tpu.memref_squeeze %dma_start3A_266 : memref<1x128xi32, #tpu.memory_space<vmem>> -> memref<128xi32, #tpu.memory_space<vmem>>
      %dma_start3A_268 = arith.constant 0 : i32
      %dma_start3A_269 = arith.constant 0 : i32
      %dma_start3A_270 = tpu.memref_slice %arg11[%dma_start3A_268, %dma_start3A_269] : memref<16512x16xf32, #tpu.memory_space<vmem_shared>> -> memref<16512x16xf32, #tpu.memory_space<vmem_shared>>
      tpu.enqueue_indirect_dma source(%arg7 : memref<128x16xf32, #tpu.memory_space<vmem>>) target(%dma_start3A_270 : memref<16512x16xf32, #tpu.memory_space<vmem_shared>>) offsets(%dma_start3A_267 : memref<128xi32, #tpu.memory_space<vmem>>) semaphore(%arg14 : memref<!tpu.dma_semaphore, #tpu.memory_space<semaphore_mem>>) {add = true}
      %mul3A_271 = arith.constant 512 : i32
      %mul3A_272 = arith.muli %rem3A_213, %mul3A_271 : i32
      %add3A_273 = arith.constant 128 : i32
      %add3A_274 = arith.addi %mul3A_272, %add3A_273 : i32
      %mul3A_275 = arith.constant 4 : i32
      %mul3A_276 = arith.muli %rem3A_213, %mul3A_275 : i32
      %add3A_277 = arith.constant 1 : i32
      %add3A_278 = arith.addi %mul3A_276, %add3A_277 : i32
      %dma_start3A_279 = arith.constant 0 : i32
      %dma_start3A_280 = tpu.memref_slice %arg8[%add3A_274, %dma_start3A_279] : memref<1032x32xf32, #tpu.memory_space<vmem>> -> memref<128x32xf32, #tpu.memory_space<vmem>>
      %dma_start3A_281 = arith.constant 0 : i32
      %dma_start3A_282 = tpu.memref_slice %arg6[%add3A_278, %dma_start3A_281] : memref<8x128xi32, #tpu.memory_space<vmem>> -> memref<1x128xi32, #tpu.memory_space<vmem>>
      %dma_start3A_283 = tpu.memref_squeeze %dma_start3A_282 : memref<1x128xi32, #tpu.memory_space<vmem>> -> memref<128xi32, #tpu.memory_space<vmem>>
      %dma_start3A_284 = arith.constant 0 : i32
      %dma_start3A_285 = arith.constant 0 : i32
      %dma_start3A_286 = tpu.memref_slice %arg10[%dma_start3A_284, %dma_start3A_285] : memref<16512x32xf32, #tpu.memory_space<vmem_shared>> -> memref<16512x32xf32, #tpu.memory_space<vmem_shared>>
      tpu.enqueue_indirect_dma source(%dma_start3A_280 : memref<128x32xf32, #tpu.memory_space<vmem>>) target(%dma_start3A_286 : memref<16512x32xf32, #tpu.memory_space<vmem_shared>>) offsets(%dma_start3A_283 : memref<128xi32, #tpu.memory_space<vmem>>) semaphore(%arg14 : memref<!tpu.dma_semaphore, #tpu.memory_space<semaphore_mem>>) {add = true}
      %mul3A_287 = arith.constant 4 : i32
      %mul3A_288 = arith.muli %rem3A_213, %mul3A_287 : i32
      %add3A_289 = arith.constant 1 : i32
      %add3A_290 = arith.addi %mul3A_288, %add3A_289 : i32
      %dma_start3A_291 = arith.constant 0 : i32
      %dma_start3A_292 = tpu.memref_slice %arg6[%add3A_290, %dma_start3A_291] : memref<8x128xi32, #tpu.memory_space<vmem>> -> memref<1x128xi32, #tpu.memory_space<vmem>>
      %dma_start3A_293 = tpu.memref_squeeze %dma_start3A_292 : memref<1x128xi32, #tpu.memory_space<vmem>> -> memref<128xi32, #tpu.memory_space<vmem>>
      %dma_start3A_294 = arith.constant 0 : i32
      %dma_start3A_295 = arith.constant 0 : i32
      %dma_start3A_296 = tpu.memref_slice %arg11[%dma_start3A_294, %dma_start3A_295] : memref<16512x16xf32, #tpu.memory_space<vmem_shared>> -> memref<16512x16xf32, #tpu.memory_space<vmem_shared>>
      tpu.enqueue_indirect_dma source(%arg7 : memref<128x16xf32, #tpu.memory_space<vmem>>) target(%dma_start3A_296 : memref<16512x16xf32, #tpu.memory_space<vmem_shared>>) offsets(%dma_start3A_293 : memref<128xi32, #tpu.memory_space<vmem>>) semaphore(%arg14 : memref<!tpu.dma_semaphore, #tpu.memory_space<semaphore_mem>>) {add = true}
      %mul3A_297 = arith.constant 512 : i32
      %mul3A_298 = arith.muli %rem3A_213, %mul3A_297 : i32
      %add3A_299 = arith.constant 256 : i32
      %add3A_300 = arith.addi %mul3A_298, %add3A_299 : i32
      %mul3A_301 = arith.constant 4 : i32
      %mul3A_302 = arith.muli %rem3A_213, %mul3A_301 : i32
      %add3A_303 = arith.constant 2 : i32
      %add3A_304 = arith.addi %mul3A_302, %add3A_303 : i32
      %dma_start3A_305 = arith.constant 0 : i32
      %dma_start3A_306 = tpu.memref_slice %arg8[%add3A_300, %dma_start3A_305] : memref<1032x32xf32, #tpu.memory_space<vmem>> -> memref<128x32xf32, #tpu.memory_space<vmem>>
      %dma_start3A_307 = arith.constant 0 : i32
      %dma_start3A_308 = tpu.memref_slice %arg6[%add3A_304, %dma_start3A_307] : memref<8x128xi32, #tpu.memory_space<vmem>> -> memref<1x128xi32, #tpu.memory_space<vmem>>
      %dma_start3A_309 = tpu.memref_squeeze %dma_start3A_308 : memref<1x128xi32, #tpu.memory_space<vmem>> -> memref<128xi32, #tpu.memory_space<vmem>>
      %dma_start3A_310 = arith.constant 0 : i32
      %dma_start3A_311 = arith.constant 0 : i32
      %dma_start3A_312 = tpu.memref_slice %arg10[%dma_start3A_310, %dma_start3A_311] : memref<16512x32xf32, #tpu.memory_space<vmem_shared>> -> memref<16512x32xf32, #tpu.memory_space<vmem_shared>>
      tpu.enqueue_indirect_dma source(%dma_start3A_306 : memref<128x32xf32, #tpu.memory_space<vmem>>) target(%dma_start3A_312 : memref<16512x32xf32, #tpu.memory_space<vmem_shared>>) offsets(%dma_start3A_309 : memref<128xi32, #tpu.memory_space<vmem>>) semaphore(%arg14 : memref<!tpu.dma_semaphore, #tpu.memory_space<semaphore_mem>>) {add = true}
      %mul3A_313 = arith.constant 4 : i32
      %mul3A_314 = arith.muli %rem3A_213, %mul3A_313 : i32
      %add3A_315 = arith.constant 2 : i32
      %add3A_316 = arith.addi %mul3A_314, %add3A_315 : i32
      %dma_start3A_317 = arith.constant 0 : i32
      %dma_start3A_318 = tpu.memref_slice %arg6[%add3A_316, %dma_start3A_317] : memref<8x128xi32, #tpu.memory_space<vmem>> -> memref<1x128xi32, #tpu.memory_space<vmem>>
      %dma_start3A_319 = tpu.memref_squeeze %dma_start3A_318 : memref<1x128xi32, #tpu.memory_space<vmem>> -> memref<128xi32, #tpu.memory_space<vmem>>
      %dma_start3A_320 = arith.constant 0 : i32
      %dma_start3A_321 = arith.constant 0 : i32
      %dma_start3A_322 = tpu.memref_slice %arg11[%dma_start3A_320, %dma_start3A_321] : memref<16512x16xf32, #tpu.memory_space<vmem_shared>> -> memref<16512x16xf32, #tpu.memory_space<vmem_shared>>
      tpu.enqueue_indirect_dma source(%arg7 : memref<128x16xf32, #tpu.memory_space<vmem>>) target(%dma_start3A_322 : memref<16512x16xf32, #tpu.memory_space<vmem_shared>>) offsets(%dma_start3A_319 : memref<128xi32, #tpu.memory_space<vmem>>) semaphore(%arg14 : memref<!tpu.dma_semaphore, #tpu.memory_space<semaphore_mem>>) {add = true}
      %mul3A_323 = arith.constant 512 : i32
      %mul3A_324 = arith.muli %rem3A_213, %mul3A_323 : i32
      %add3A_325 = arith.constant 384 : i32
      %add3A_326 = arith.addi %mul3A_324, %add3A_325 : i32
      %mul3A_327 = arith.constant 4 : i32
      %mul3A_328 = arith.muli %rem3A_213, %mul3A_327 : i32
      %add3A_329 = arith.constant 3 : i32
      %add3A_330 = arith.addi %mul3A_328, %add3A_329 : i32
      %dma_start3A_331 = arith.constant 0 : i32
      %dma_start3A_332 = tpu.memref_slice %arg8[%add3A_326, %dma_start3A_331] : memref<1032x32xf32, #tpu.memory_space<vmem>> -> memref<128x32xf32, #tpu.memory_space<vmem>>
      %dma_start3A_333 = arith.constant 0 : i32
      %dma_start3A_334 = tpu.memref_slice %arg6[%add3A_330, %dma_start3A_333] : memref<8x128xi32, #tpu.memory_space<vmem>> -> memref<1x128xi32, #tpu.memory_space<vmem>>
      %dma_start3A_335 = tpu.memref_squeeze %dma_start3A_334 : memref<1x128xi32, #tpu.memory_space<vmem>> -> memref<128xi32, #tpu.memory_space<vmem>>
      %dma_start3A_336 = arith.constant 0 : i32
      %dma_start3A_337 = arith.constant 0 : i32
      %dma_start3A_338 = tpu.memref_slice %arg10[%dma_start3A_336, %dma_start3A_337] : memref<16512x32xf32, #tpu.memory_space<vmem_shared>> -> memref<16512x32xf32, #tpu.memory_space<vmem_shared>>
      tpu.enqueue_indirect_dma source(%dma_start3A_332 : memref<128x32xf32, #tpu.memory_space<vmem>>) target(%dma_start3A_338 : memref<16512x32xf32, #tpu.memory_space<vmem_shared>>) offsets(%dma_start3A_335 : memref<128xi32, #tpu.memory_space<vmem>>) semaphore(%arg14 : memref<!tpu.dma_semaphore, #tpu.memory_space<semaphore_mem>>) {add = true}
      %mul3A_339 = arith.constant 4 : i32
      %mul3A_340 = arith.muli %rem3A_213, %mul3A_339 : i32
      %add3A_341 = arith.constant 3 : i32
      %add3A_342 = arith.addi %mul3A_340, %add3A_341 : i32
      %dma_start3A_343 = arith.constant 0 : i32
      %dma_start3A_344 = tpu.memref_slice %arg6[%add3A_342, %dma_start3A_343] : memref<8x128xi32, #tpu.memory_space<vmem>> -> memref<1x128xi32, #tpu.memory_space<vmem>>
      %dma_start3A_345 = tpu.memref_squeeze %dma_start3A_344 : memref<1x128xi32, #tpu.memory_space<vmem>> -> memref<128xi32, #tpu.memory_space<vmem>>
      %dma_start3A_346 = arith.constant 0 : i32
      %dma_start3A_347 = arith.constant 0 : i32
      %dma_start3A_348 = tpu.memref_slice %arg11[%dma_start3A_346, %dma_start3A_347] : memref<16512x16xf32, #tpu.memory_space<vmem_shared>> -> memref<16512x16xf32, #tpu.memory_space<vmem_shared>>
      tpu.enqueue_indirect_dma source(%arg7 : memref<128x16xf32, #tpu.memory_space<vmem>>) target(%dma_start3A_348 : memref<16512x16xf32, #tpu.memory_space<vmem_shared>>) offsets(%dma_start3A_345 : memref<128xi32, #tpu.memory_space<vmem>>) semaphore(%arg14 : memref<!tpu.dma_semaphore, #tpu.memory_space<semaphore_mem>>) {add = true}
      %add3A_349 = arith.constant 1 : i32
      %add3A_350 = arith.addi %while3A_210, %add3A_349 : i32
      %lt3A = arith.cmpi slt, %add3A_350, %select_n3A : i32
      %convert_element_type3A_351 = arith.extui %lt3A : i1 to i32
      %cond3A_352 = arith.constant 0 : i32
      %cond3A_353 = arith.cmpi ne, %convert_element_type3A_351, %cond3A_352 : i32
      scf.if %cond3A_353 {
        %add3A_355 = arith.constant 1 : i32
        %add3A_356 = arith.addi %while3A_210, %add3A_355 : i32
        %sub3A_357 = arith.constant 1 : i32
        %sub3A_358 = arith.subi %sub3A_357, %rem3A_213 : i32
        %mul3A_359 = arith.constant 16 : i32
        %mul3A_360 = arith.muli %add3A_356, %mul3A_359 : i32
        %add3A_361 = arith.addi %arg1, %mul3A_360 : i32
        %mul3A_362 = arith.constant 4 : i32
        %mul3A_363 = arith.muli %sub3A_358, %mul3A_362 : i32
        %dma_start3A_364 = arith.constant 0 : i32
        %dma_start3A_365 = tpu.memref_slice %arg6[%mul3A_363, %dma_start3A_364] : memref<8x128xi32, #tpu.memory_space<vmem>> -> memref<4x128xi32, #tpu.memory_space<vmem>>
        %dma_start3A_366 = arith.constant 0 : i32
        %dma_start3A_367 = arith.constant 0 : i32
        %dma_start3A_368 = tpu.memref_slice %arg2[%add3A_361, %dma_start3A_366, %dma_start3A_367] : memref<525x4x128xi32, #tpu.memory_space<hbm>> -> memref<1x4x128xi32, #tpu.memory_space<hbm>>
        %dma_start3A_369 = tpu.memref_squeeze %dma_start3A_368 : memref<1x4x128xi32, #tpu.memory_space<hbm>> -> memref<4x128xi32, #tpu.memory_space<hbm>>
        %dma_start3A_370 = arith.constant 0 : i32
        %dma_start3A_371 = tpu.memref_slice %arg6[%mul3A_363, %dma_start3A_370] : memref<8x128xi32, #tpu.memory_space<vmem>> -> memref<4x128xi32, #tpu.memory_space<vmem>>
        %dma_start3A_372 = arith.constant 0 : i32
        %dma_start3A_373 = arith.constant 0 : i32
        %dma_start3A_374 = tpu.memref_slice %arg2[%add3A_361, %dma_start3A_372, %dma_start3A_373] : memref<525x4x128xi32, #tpu.memory_space<hbm>> -> memref<1x4x128xi32, #tpu.memory_space<hbm>>
        %dma_start3A_375 = tpu.memref_squeeze %dma_start3A_374 : memref<1x4x128xi32, #tpu.memory_space<hbm>> -> memref<4x128xi32, #tpu.memory_space<hbm>>
        tpu.enqueue_dma source(%dma_start3A_375 : memref<4x128xi32, #tpu.memory_space<hbm>>) target(%dma_start3A_371 : memref<4x128xi32, #tpu.memory_space<vmem>>) target_semaphore(%arg12 : memref<!tpu.dma_semaphore, #tpu.memory_space<semaphore_mem>>)
        %mul3A_376 = arith.constant 16 : i32
        %mul3A_377 = arith.muli %add3A_356, %mul3A_376 : i32
        %add3A_378 = arith.addi %arg1, %mul3A_377 : i32
        %mul3A_379 = arith.constant 512 : i32
        %mul3A_380 = arith.muli %add3A_378, %mul3A_379 : i32
        %min3A_381 = arith.constant 267923 : i32
        %min3A_382 = arith.minsi %mul3A_380, %min3A_381 : i32
        %mul3A_383 = arith.constant 512 : i32
        %mul3A_384 = arith.muli %sub3A_358, %mul3A_383 : i32
        %dma_start3A_385 = arith.constant 0 : i32
        %dma_start3A_386 = tpu.memref_slice %arg8[%mul3A_384, %dma_start3A_385] : memref<1032x32xf32, #tpu.memory_space<vmem>> -> memref<512x32xf32, #tpu.memory_space<vmem>>
        %dma_start3A_387 = tpu.memref_slice %arg4[%min3A_382, %mul3A_0] : memref<268435x64xf32, #tpu.memory_space<hbm>> -> memref<512x32xf32, #tpu.memory_space<hbm>>
        %dma_start3A_388 = arith.constant 0 : i32
        %dma_start3A_389 = tpu.memref_slice %arg8[%mul3A_384, %dma_start3A_388] : memref<1032x32xf32, #tpu.memory_space<vmem>> -> memref<512x32xf32, #tpu.memory_space<vmem>>
        %dma_start3A_390 = tpu.memref_slice %arg4[%min3A_382, %mul3A_0] : memref<268435x64xf32, #tpu.memory_space<hbm>> -> memref<512x32xf32, #tpu.memory_space<hbm>>
        tpu.enqueue_dma source(%dma_start3A_390 : memref<512x32xf32, #tpu.memory_space<hbm>>) target(%dma_start3A_389 : memref<512x32xf32, #tpu.memory_space<vmem>>) target_semaphore(%arg13 : memref<!tpu.dma_semaphore, #tpu.memory_space<semaphore_mem>>)
      } else {
      }
      %while3A_354 = arith.constant 0 : i32
      scf.yield %while3A_354 : i32
    }
    %while3A_77 = arith.constant 1 : i32
    %while3A_78 = scf.for %while3A_210 = %while3A_74 to %while3A_70 step %while3A_77 iter_args(%while3A_211 = %while3A_76) -> (i32)  : i32 {
      %rem3A_212 = arith.constant 2 : i32
      %rem3A_213 = arith.remsi %while3A_210, %rem3A_212 : i32
      %mul3A_214 = arith.constant 4 : i32
      %mul3A_215 = arith.muli %rem3A_213, %mul3A_214 : i32
      %dma_wait3A_216 = arith.constant 0 : i32
      %dma_wait3A_217 = arith.constant 0 : i32
      %dma_wait3A_218 = tpu.memref_slice %arg6[%mul3A_215, %dma_wait3A_217] : memref<8x128xi32, #tpu.memory_space<vmem>> -> memref<4x128xi32, #tpu.memory_space<vmem>>
      %dma_wait3A_219 = arith.constant 0 : i32
      %dma_wait3A_220 = arith.constant 0 : i32
      %dma_wait3A_221 = tpu.memref_slice %arg2[%dma_wait3A_216, %dma_wait3A_219, %dma_wait3A_220] : memref<525x4x128xi32, #tpu.memory_space<hbm>> -> memref<1x4x128xi32, #tpu.memory_space<hbm>>
      %dma_wait3A_222 = tpu.memref_squeeze %dma_wait3A_221 : memref<1x4x128xi32, #tpu.memory_space<hbm>> -> memref<4x128xi32, #tpu.memory_space<hbm>>
      %dma_wait3A_223 = arith.constant 0 : i32
      %dma_wait3A_224 = tpu.memref_slice %arg6[%mul3A_215, %dma_wait3A_223] : memref<8x128xi32, #tpu.memory_space<vmem>> -> memref<4x128xi32, #tpu.memory_space<vmem>>
      %dma_wait3A_225 = arith.constant 0 : i32
      %dma_wait3A_226 = arith.constant 0 : i32
      %dma_wait3A_227 = tpu.memref_slice %arg2[%dma_wait3A_216, %dma_wait3A_225, %dma_wait3A_226] : memref<525x4x128xi32, #tpu.memory_space<hbm>> -> memref<1x4x128xi32, #tpu.memory_space<hbm>>
      %dma_wait3A_228 = tpu.memref_squeeze %dma_wait3A_227 : memref<1x4x128xi32, #tpu.memory_space<hbm>> -> memref<4x128xi32, #tpu.memory_space<hbm>>
      tpu.wait_dma2 semaphore(%arg12 : memref<!tpu.dma_semaphore, #tpu.memory_space<semaphore_mem>>) src(%dma_wait3A_228 : memref<4x128xi32, #tpu.memory_space<hbm>>) dst(%dma_wait3A_224 : memref<4x128xi32, #tpu.memory_space<vmem>>)
      %mul3A_229 = arith.constant 512 : i32
      %mul3A_230 = arith.muli %rem3A_213, %mul3A_229 : i32
      %dma_wait3A_231 = arith.constant 0 : i32
      %dma_wait3A_232 = tpu.memref_slice %arg8[%mul3A_230, %dma_wait3A_231] : memref<1032x32xf32, #tpu.memory_space<vmem>> -> memref<512x32xf32, #tpu.memory_space<vmem>>
      %dma_wait3A_233 = arith.constant 0 : i32
      %dma_wait3A_234 = arith.constant 0 : i32
      %dma_wait3A_235 = tpu.memref_slice %arg4[%dma_wait3A_233, %dma_wait3A_234] : memref<268435x64xf32, #tpu.memory_space<hbm>> -> memref<512x32xf32, #tpu.memory_space<hbm>>
      %dma_wait3A_236 = arith.constant 0 : i32
      %dma_wait3A_237 = tpu.memref_slice %arg8[%mul3A_230, %dma_wait3A_236] : memref<1032x32xf32, #tpu.memory_space<vmem>> -> memref<512x32xf32, #tpu.memory_space<vmem>>
      %dma_wait3A_238 = arith.constant 0 : i32
      %dma_wait3A_239 = arith.constant 0 : i32
      %dma_wait3A_240 = tpu.memref_slice %arg4[%dma_wait3A_238, %dma_wait3A_239] : memref<268435x64xf32, #tpu.memory_space<hbm>> -> memref<512x32xf32, #tpu.memory_space<hbm>>
      tpu.wait_dma2 semaphore(%arg13 : memref<!tpu.dma_semaphore, #tpu.memory_space<semaphore_mem>>) src(%dma_wait3A_240 : memref<512x32xf32, #tpu.memory_space<hbm>>) dst(%dma_wait3A_237 : memref<512x32xf32, #tpu.memory_space<vmem>>)
      %gt3A = arith.constant 0 : i32
      %gt3A_241 = arith.cmpi sgt, %while3A_210, %gt3A : i32
      %convert_element_type3A_242 = arith.extui %gt3A_241 : i1 to i32
      %cond3A_243 = arith.constant 0 : i32
      %cond3A_244 = arith.cmpi ne, %convert_element_type3A_242, %cond3A_243 : i32
      scf.if %cond3A_244 {
        %dma_wait3A_355 = arith.constant 0 : i32
        %dma_wait3A_356 = arith.constant 0 : i32
        %dma_wait3A_357 = tpu.memref_slice %arg8[%dma_wait3A_355, %dma_wait3A_356] : memref<1032x32xf32, #tpu.memory_space<vmem>> -> memref<128x32xf32, #tpu.memory_space<vmem>>
        %dma_wait3A_358 = arith.constant 0 : i32
        %dma_wait3A_359 = arith.constant 0 : i32
        %dma_wait3A_360 = tpu.memref_slice %arg10[%dma_wait3A_358, %dma_wait3A_359] : memref<16512x32xf32, #tpu.memory_space<vmem_shared>> -> memref<128x32xf32, #tpu.memory_space<vmem_shared>>
        %dma_wait3A_361 = arith.constant 0 : i32
        %dma_wait3A_362 = arith.constant 0 : i32
        %dma_wait3A_363 = tpu.memref_slice %arg10[%dma_wait3A_361, %dma_wait3A_362] : memref<16512x32xf32, #tpu.memory_space<vmem_shared>> -> memref<128x32xf32, #tpu.memory_space<vmem_shared>>
        %dma_wait3A_364 = arith.constant 0 : i32
        %dma_wait3A_365 = arith.constant 0 : i32
        %dma_wait3A_366 = tpu.memref_slice %arg8[%dma_wait3A_364, %dma_wait3A_365] : memref<1032x32xf32, #tpu.memory_space<vmem>> -> memref<128x32xf32, #tpu.memory_space<vmem>>
        tpu.wait_dma2 semaphore(%arg14 : memref<!tpu.dma_semaphore, #tpu.memory_space<semaphore_mem>>) src(%dma_wait3A_366 : memref<128x32xf32, #tpu.memory_space<vmem>>) dst(%dma_wait3A_363 : memref<128x32xf32, #tpu.memory_space<vmem_shared>>)
        %dma_wait3A_367 = arith.constant 0 : i32
        %dma_wait3A_368 = arith.constant 0 : i32
        %dma_wait3A_369 = tpu.memref_slice %arg11[%dma_wait3A_367, %dma_wait3A_368] : memref<16512x16xf32, #tpu.memory_space<vmem_shared>> -> memref<128x16xf32, #tpu.memory_space<vmem_shared>>
        %dma_wait3A_370 = arith.constant 0 : i32
        %dma_wait3A_371 = arith.constant 0 : i32
        %dma_wait3A_372 = tpu.memref_slice %arg11[%dma_wait3A_370, %dma_wait3A_371] : memref<16512x16xf32, #tpu.memory_space<vmem_shared>> -> memref<128x16xf32, #tpu.memory_space<vmem_shared>>
        tpu.wait_dma2 semaphore(%arg14 : memref<!tpu.dma_semaphore, #tpu.memory_space<semaphore_mem>>) src(%arg7 : memref<128x16xf32, #tpu.memory_space<vmem>>) dst(%dma_wait3A_372 : memref<128x16xf32, #tpu.memory_space<vmem_shared>>)
        %dma_wait3A_373 = arith.constant 128 : i32
        %dma_wait3A_374 = arith.constant 0 : i32
        %dma_wait3A_375 = tpu.memref_slice %arg8[%dma_wait3A_373, %dma_wait3A_374] : memref<1032x32xf32, #tpu.memory_space<vmem>> -> memref<128x32xf32, #tpu.memory_space<vmem>>
        %dma_wait3A_376 = arith.constant 0 : i32
        %dma_wait3A_377 = arith.constant 0 : i32
        %dma_wait3A_378 = tpu.memref_slice %arg10[%dma_wait3A_376, %dma_wait3A_377] : memref<16512x32xf32, #tpu.memory_space<vmem_shared>> -> memref<128x32xf32, #tpu.memory_space<vmem_shared>>
        %dma_wait3A_379 = arith.constant 0 : i32
        %dma_wait3A_380 = arith.constant 0 : i32
        %dma_wait3A_381 = tpu.memref_slice %arg10[%dma_wait3A_379, %dma_wait3A_380] : memref<16512x32xf32, #tpu.memory_space<vmem_shared>> -> memref<128x32xf32, #tpu.memory_space<vmem_shared>>
        %dma_wait3A_382 = arith.constant 128 : i32
        %dma_wait3A_383 = arith.constant 0 : i32
        %dma_wait3A_384 = tpu.memref_slice %arg8[%dma_wait3A_382, %dma_wait3A_383] : memref<1032x32xf32, #tpu.memory_space<vmem>> -> memref<128x32xf32, #tpu.memory_space<vmem>>
        tpu.wait_dma2 semaphore(%arg14 : memref<!tpu.dma_semaphore, #tpu.memory_space<semaphore_mem>>) src(%dma_wait3A_384 : memref<128x32xf32, #tpu.memory_space<vmem>>) dst(%dma_wait3A_381 : memref<128x32xf32, #tpu.memory_space<vmem_shared>>)
        %dma_wait3A_385 = arith.constant 0 : i32
        %dma_wait3A_386 = arith.constant 0 : i32
        %dma_wait3A_387 = tpu.memref_slice %arg11[%dma_wait3A_385, %dma_wait3A_386] : memref<16512x16xf32, #tpu.memory_space<vmem_shared>> -> memref<128x16xf32, #tpu.memory_space<vmem_shared>>
        %dma_wait3A_388 = arith.constant 0 : i32
        %dma_wait3A_389 = arith.constant 0 : i32
        %dma_wait3A_390 = tpu.memref_slice %arg11[%dma_wait3A_388, %dma_wait3A_389] : memref<16512x16xf32, #tpu.memory_space<vmem_shared>> -> memref<128x16xf32, #tpu.memory_space<vmem_shared>>
        tpu.wait_dma2 semaphore(%arg14 : memref<!tpu.dma_semaphore, #tpu.memory_space<semaphore_mem>>) src(%arg7 : memref<128x16xf32, #tpu.memory_space<vmem>>) dst(%dma_wait3A_390 : memref<128x16xf32, #tpu.memory_space<vmem_shared>>)
        %dma_wait3A_391 = arith.constant 256 : i32
        %dma_wait3A_392 = arith.constant 0 : i32
        %dma_wait3A_393 = tpu.memref_slice %arg8[%dma_wait3A_391, %dma_wait3A_392] : memref<1032x32xf32, #tpu.memory_space<vmem>> -> memref<128x32xf32, #tpu.memory_space<vmem>>
        %dma_wait3A_394 = arith.constant 0 : i32
        %dma_wait3A_395 = arith.constant 0 : i32
        %dma_wait3A_396 = tpu.memref_slice %arg10[%dma_wait3A_394, %dma_wait3A_395] : memref<16512x32xf32, #tpu.memory_space<vmem_shared>> -> memref<128x32xf32, #tpu.memory_space<vmem_shared>>
        %dma_wait3A_397 = arith.constant 0 : i32
        %dma_wait3A_398 = arith.constant 0 : i32
        %dma_wait3A_399 = tpu.memref_slice %arg10[%dma_wait3A_397, %dma_wait3A_398] : memref<16512x32xf32, #tpu.memory_space<vmem_shared>> -> memref<128x32xf32, #tpu.memory_space<vmem_shared>>
        %dma_wait3A_400 = arith.constant 256 : i32
        %dma_wait3A_401 = arith.constant 0 : i32
        %dma_wait3A_402 = tpu.memref_slice %arg8[%dma_wait3A_400, %dma_wait3A_401] : memref<1032x32xf32, #tpu.memory_space<vmem>> -> memref<128x32xf32, #tpu.memory_space<vmem>>
        tpu.wait_dma2 semaphore(%arg14 : memref<!tpu.dma_semaphore, #tpu.memory_space<semaphore_mem>>) src(%dma_wait3A_402 : memref<128x32xf32, #tpu.memory_space<vmem>>) dst(%dma_wait3A_399 : memref<128x32xf32, #tpu.memory_space<vmem_shared>>)
        %dma_wait3A_403 = arith.constant 0 : i32
        %dma_wait3A_404 = arith.constant 0 : i32
        %dma_wait3A_405 = tpu.memref_slice %arg11[%dma_wait3A_403, %dma_wait3A_404] : memref<16512x16xf32, #tpu.memory_space<vmem_shared>> -> memref<128x16xf32, #tpu.memory_space<vmem_shared>>
        %dma_wait3A_406 = arith.constant 0 : i32
        %dma_wait3A_407 = arith.constant 0 : i32
        %dma_wait3A_408 = tpu.memref_slice %arg11[%dma_wait3A_406, %dma_wait3A_407] : memref<16512x16xf32, #tpu.memory_space<vmem_shared>> -> memref<128x16xf32, #tpu.memory_space<vmem_shared>>
        tpu.wait_dma2 semaphore(%arg14 : memref<!tpu.dma_semaphore, #tpu.memory_space<semaphore_mem>>) src(%arg7 : memref<128x16xf32, #tpu.memory_space<vmem>>) dst(%dma_wait3A_408 : memref<128x16xf32, #tpu.memory_space<vmem_shared>>)
        %dma_wait3A_409 = arith.constant 384 : i32
        %dma_wait3A_410 = arith.constant 0 : i32
        %dma_wait3A_411 = tpu.memref_slice %arg8[%dma_wait3A_409, %dma_wait3A_410] : memref<1032x32xf32, #tpu.memory_space<vmem>> -> memref<128x32xf32, #tpu.memory_space<vmem>>
        %dma_wait3A_412 = arith.constant 0 : i32
        %dma_wait3A_413 = arith.constant 0 : i32
        %dma_wait3A_414 = tpu.memref_slice %arg10[%dma_wait3A_412, %dma_wait3A_413] : memref<16512x32xf32, #tpu.memory_space<vmem_shared>> -> memref<128x32xf32, #tpu.memory_space<vmem_shared>>
        %dma_wait3A_415 = arith.constant 0 : i32
        %dma_wait3A_416 = arith.constant 0 : i32
        %dma_wait3A_417 = tpu.memref_slice %arg10[%dma_wait3A_415, %dma_wait3A_416] : memref<16512x32xf32, #tpu.memory_space<vmem_shared>> -> memref<128x32xf32, #tpu.memory_space<vmem_shared>>
        %dma_wait3A_418 = arith.constant 384 : i32
        %dma_wait3A_419 = arith.constant 0 : i32
        %dma_wait3A_420 = tpu.memref_slice %arg8[%dma_wait3A_418, %dma_wait3A_419] : memref<1032x32xf32, #tpu.memory_space<vmem>> -> memref<128x32xf32, #tpu.memory_space<vmem>>
        tpu.wait_dma2 semaphore(%arg14 : memref<!tpu.dma_semaphore, #tpu.memory_space<semaphore_mem>>) src(%dma_wait3A_420 : memref<128x32xf32, #tpu.memory_space<vmem>>) dst(%dma_wait3A_417 : memref<128x32xf32, #tpu.memory_space<vmem_shared>>)
        %dma_wait3A_421 = arith.constant 0 : i32
        %dma_wait3A_422 = arith.constant 0 : i32
        %dma_wait3A_423 = tpu.memref_slice %arg11[%dma_wait3A_421, %dma_wait3A_422] : memref<16512x16xf32, #tpu.memory_space<vmem_shared>> -> memref<128x16xf32, #tpu.memory_space<vmem_shared>>
        %dma_wait3A_424 = arith.constant 0 : i32
        %dma_wait3A_425 = arith.constant 0 : i32
        %dma_wait3A_426 = tpu.memref_slice %arg11[%dma_wait3A_424, %dma_wait3A_425] : memref<16512x16xf32, #tpu.memory_space<vmem_shared>> -> memref<128x16xf32, #tpu.memory_space<vmem_shared>>
        tpu.wait_dma2 semaphore(%arg14 : memref<!tpu.dma_semaphore, #tpu.memory_space<semaphore_mem>>) src(%arg7 : memref<128x16xf32, #tpu.memory_space<vmem>>) dst(%dma_wait3A_426 : memref<128x16xf32, #tpu.memory_space<vmem_shared>>)
      } else {
      }
      %mul3A_245 = arith.constant 512 : i32
      %mul3A_246 = arith.muli %rem3A_213, %mul3A_245 : i32
      %add3A_247 = arith.constant 0 : i32
      %add3A_248 = arith.addi %mul3A_246, %add3A_247 : i32
      %mul3A_249 = arith.constant 4 : i32
      %mul3A_250 = arith.muli %rem3A_213, %mul3A_249 : i32
      %add3A_251 = arith.constant 0 : i32
      %add3A_252 = arith.addi %mul3A_250, %add3A_251 : i32
      %dma_start3A_253 = arith.constant 0 : i32
      %dma_start3A_254 = tpu.memref_slice %arg8[%add3A_248, %dma_start3A_253] : memref<1032x32xf32, #tpu.memory_space<vmem>> -> memref<128x32xf32, #tpu.memory_space<vmem>>
      %dma_start3A_255 = arith.constant 0 : i32
      %dma_start3A_256 = tpu.memref_slice %arg6[%add3A_252, %dma_start3A_255] : memref<8x128xi32, #tpu.memory_space<vmem>> -> memref<1x128xi32, #tpu.memory_space<vmem>>
      %dma_start3A_257 = tpu.memref_squeeze %dma_start3A_256 : memref<1x128xi32, #tpu.memory_space<vmem>> -> memref<128xi32, #tpu.memory_space<vmem>>
      %dma_start3A_258 = arith.constant 0 : i32
      %dma_start3A_259 = arith.constant 0 : i32
      %dma_start3A_260 = tpu.memref_slice %arg10[%dma_start3A_258, %dma_start3A_259] : memref<16512x32xf32, #tpu.memory_space<vmem_shared>> -> memref<16512x32xf32, #tpu.memory_space<vmem_shared>>
      tpu.enqueue_indirect_dma source(%dma_start3A_254 : memref<128x32xf32, #tpu.memory_space<vmem>>) target(%dma_start3A_260 : memref<16512x32xf32, #tpu.memory_space<vmem_shared>>) offsets(%dma_start3A_257 : memref<128xi32, #tpu.memory_space<vmem>>) semaphore(%arg14 : memref<!tpu.dma_semaphore, #tpu.memory_space<semaphore_mem>>) {add = true}
      %mul3A_261 = arith.constant 4 : i32
      %mul3A_262 = arith.muli %rem3A_213, %mul3A_261 : i32
      %add3A_263 = arith.constant 0 : i32
      %add3A_264 = arith.addi %mul3A_262, %add3A_263 : i32
      %dma_start3A_265 = arith.constant 0 : i32
      %dma_start3A_266 = tpu.memref_slice %arg6[%add3A_264, %dma_start3A_265] : memref<8x128xi32, #tpu.memory_space<vmem>> -> memref<1x128xi32, #tpu.memory_space<vmem>>
      %dma_start3A_267 = tpu.memref_squeeze %dma_start3A_266 : memref<1x128xi32, #tpu.memory_space<vmem>> -> memref<128xi32, #tpu.memory_space<vmem>>
      %dma_start3A_268 = arith.constant 0 : i32
      %dma_start3A_269 = arith.constant 0 : i32
      %dma_start3A_270 = tpu.memref_slice %arg11[%dma_start3A_268, %dma_start3A_269] : memref<16512x16xf32, #tpu.memory_space<vmem_shared>> -> memref<16512x16xf32, #tpu.memory_space<vmem_shared>>
      tpu.enqueue_indirect_dma source(%arg7 : memref<128x16xf32, #tpu.memory_space<vmem>>) target(%dma_start3A_270 : memref<16512x16xf32, #tpu.memory_space<vmem_shared>>) offsets(%dma_start3A_267 : memref<128xi32, #tpu.memory_space<vmem>>) semaphore(%arg14 : memref<!tpu.dma_semaphore, #tpu.memory_space<semaphore_mem>>) {add = true}
      %mul3A_271 = arith.constant 512 : i32
      %mul3A_272 = arith.muli %rem3A_213, %mul3A_271 : i32
      %add3A_273 = arith.constant 128 : i32
      %add3A_274 = arith.addi %mul3A_272, %add3A_273 : i32
      %mul3A_275 = arith.constant 4 : i32
      %mul3A_276 = arith.muli %rem3A_213, %mul3A_275 : i32
      %add3A_277 = arith.constant 1 : i32
      %add3A_278 = arith.addi %mul3A_276, %add3A_277 : i32
      %dma_start3A_279 = arith.constant 0 : i32
      %dma_start3A_280 = tpu.memref_slice %arg8[%add3A_274, %dma_start3A_279] : memref<1032x32xf32, #tpu.memory_space<vmem>> -> memref<128x32xf32, #tpu.memory_space<vmem>>
      %dma_start3A_281 = arith.constant 0 : i32
      %dma_start3A_282 = tpu.memref_slice %arg6[%add3A_278, %dma_start3A_281] : memref<8x128xi32, #tpu.memory_space<vmem>> -> memref<1x128xi32, #tpu.memory_space<vmem>>
      %dma_start3A_283 = tpu.memref_squeeze %dma_start3A_282 : memref<1x128xi32, #tpu.memory_space<vmem>> -> memref<128xi32, #tpu.memory_space<vmem>>
      %dma_start3A_284 = arith.constant 0 : i32
      %dma_start3A_285 = arith.constant 0 : i32
      %dma_start3A_286 = tpu.memref_slice %arg10[%dma_start3A_284, %dma_start3A_285] : memref<16512x32xf32, #tpu.memory_space<vmem_shared>> -> memref<16512x32xf32, #tpu.memory_space<vmem_shared>>
      tpu.enqueue_indirect_dma source(%dma_start3A_280 : memref<128x32xf32, #tpu.memory_space<vmem>>) target(%dma_start3A_286 : memref<16512x32xf32, #tpu.memory_space<vmem_shared>>) offsets(%dma_start3A_283 : memref<128xi32, #tpu.memory_space<vmem>>) semaphore(%arg14 : memref<!tpu.dma_semaphore, #tpu.memory_space<semaphore_mem>>) {add = true}
      %mul3A_287 = arith.constant 4 : i32
      %mul3A_288 = arith.muli %rem3A_213, %mul3A_287 : i32
      %add3A_289 = arith.constant 1 : i32
      %add3A_290 = arith.addi %mul3A_288, %add3A_289 : i32
      %dma_start3A_291 = arith.constant 0 : i32
      %dma_start3A_292 = tpu.memref_slice %arg6[%add3A_290, %dma_start3A_291] : memref<8x128xi32, #tpu.memory_space<vmem>> -> memref<1x128xi32, #tpu.memory_space<vmem>>
      %dma_start3A_293 = tpu.memref_squeeze %dma_start3A_292 : memref<1x128xi32, #tpu.memory_space<vmem>> -> memref<128xi32, #tpu.memory_space<vmem>>
      %dma_start3A_294 = arith.constant 0 : i32
      %dma_start3A_295 = arith.constant 0 : i32
      %dma_start3A_296 = tpu.memref_slice %arg11[%dma_start3A_294, %dma_start3A_295] : memref<16512x16xf32, #tpu.memory_space<vmem_shared>> -> memref<16512x16xf32, #tpu.memory_space<vmem_shared>>
      tpu.enqueue_indirect_dma source(%arg7 : memref<128x16xf32, #tpu.memory_space<vmem>>) target(%dma_start3A_296 : memref<16512x16xf32, #tpu.memory_space<vmem_shared>>) offsets(%dma_start3A_293 : memref<128xi32, #tpu.memory_space<vmem>>) semaphore(%arg14 : memref<!tpu.dma_semaphore, #tpu.memory_space<semaphore_mem>>) {add = true}
      %mul3A_297 = arith.constant 512 : i32
      %mul3A_298 = arith.muli %rem3A_213, %mul3A_297 : i32
      %add3A_299 = arith.constant 256 : i32
      %add3A_300 = arith.addi %mul3A_298, %add3A_299 : i32
      %mul3A_301 = arith.constant 4 : i32
      %mul3A_302 = arith.muli %rem3A_213, %mul3A_301 : i32
      %add3A_303 = arith.constant 2 : i32
      %add3A_304 = arith.addi %mul3A_302, %add3A_303 : i32
      %dma_start3A_305 = arith.constant 0 : i32
      %dma_start3A_306 = tpu.memref_slice %arg8[%add3A_300, %dma_start3A_305] : memref<1032x32xf32, #tpu.memory_space<vmem>> -> memref<128x32xf32, #tpu.memory_space<vmem>>
      %dma_start3A_307 = arith.constant 0 : i32
      %dma_start3A_308 = tpu.memref_slice %arg6[%add3A_304, %dma_start3A_307] : memref<8x128xi32, #tpu.memory_space<vmem>> -> memref<1x128xi32, #tpu.memory_space<vmem>>
      %dma_start3A_309 = tpu.memref_squeeze %dma_start3A_308 : memref<1x128xi32, #tpu.memory_space<vmem>> -> memref<128xi32, #tpu.memory_space<vmem>>
      %dma_start3A_310 = arith.constant 0 : i32
      %dma_start3A_311 = arith.constant 0 : i32
      %dma_start3A_312 = tpu.memref_slice %arg10[%dma_start3A_310, %dma_start3A_311] : memref<16512x32xf32, #tpu.memory_space<vmem_shared>> -> memref<16512x32xf32, #tpu.memory_space<vmem_shared>>
      tpu.enqueue_indirect_dma source(%dma_start3A_306 : memref<128x32xf32, #tpu.memory_space<vmem>>) target(%dma_start3A_312 : memref<16512x32xf32, #tpu.memory_space<vmem_shared>>) offsets(%dma_start3A_309 : memref<128xi32, #tpu.memory_space<vmem>>) semaphore(%arg14 : memref<!tpu.dma_semaphore, #tpu.memory_space<semaphore_mem>>) {add = true}
      %mul3A_313 = arith.constant 4 : i32
      %mul3A_314 = arith.muli %rem3A_213, %mul3A_313 : i32
      %add3A_315 = arith.constant 2 : i32
      %add3A_316 = arith.addi %mul3A_314, %add3A_315 : i32
      %dma_start3A_317 = arith.constant 0 : i32
      %dma_start3A_318 = tpu.memref_slice %arg6[%add3A_316, %dma_start3A_317] : memref<8x128xi32, #tpu.memory_space<vmem>> -> memref<1x128xi32, #tpu.memory_space<vmem>>
      %dma_start3A_319 = tpu.memref_squeeze %dma_start3A_318 : memref<1x128xi32, #tpu.memory_space<vmem>> -> memref<128xi32, #tpu.memory_space<vmem>>
      %dma_start3A_320 = arith.constant 0 : i32
      %dma_start3A_321 = arith.constant 0 : i32
      %dma_start3A_322 = tpu.memref_slice %arg11[%dma_start3A_320, %dma_start3A_321] : memref<16512x16xf32, #tpu.memory_space<vmem_shared>> -> memref<16512x16xf32, #tpu.memory_space<vmem_shared>>
      tpu.enqueue_indirect_dma source(%arg7 : memref<128x16xf32, #tpu.memory_space<vmem>>) target(%dma_start3A_322 : memref<16512x16xf32, #tpu.memory_space<vmem_shared>>) offsets(%dma_start3A_319 : memref<128xi32, #tpu.memory_space<vmem>>) semaphore(%arg14 : memref<!tpu.dma_semaphore, #tpu.memory_space<semaphore_mem>>) {add = true}
      %mul3A_323 = arith.constant 512 : i32
      %mul3A_324 = arith.muli %rem3A_213, %mul3A_323 : i32
      %add3A_325 = arith.constant 384 : i32
      %add3A_326 = arith.addi %mul3A_324, %add3A_325 : i32
      %mul3A_327 = arith.constant 4 : i32
      %mul3A_328 = arith.muli %rem3A_213, %mul3A_327 : i32
      %add3A_329 = arith.constant 3 : i32
      %add3A_330 = arith.addi %mul3A_328, %add3A_329 : i32
      %dma_start3A_331 = arith.constant 0 : i32
      %dma_start3A_332 = tpu.memref_slice %arg8[%add3A_326, %dma_start3A_331] : memref<1032x32xf32, #tpu.memory_space<vmem>> -> memref<128x32xf32, #tpu.memory_space<vmem>>
      %dma_start3A_333 = arith.constant 0 : i32
      %dma_start3A_334 = tpu.memref_slice %arg6[%add3A_330, %dma_start3A_333] : memref<8x128xi32, #tpu.memory_space<vmem>> -> memref<1x128xi32, #tpu.memory_space<vmem>>
      %dma_start3A_335 = tpu.memref_squeeze %dma_start3A_334 : memref<1x128xi32, #tpu.memory_space<vmem>> -> memref<128xi32, #tpu.memory_space<vmem>>
      %dma_start3A_336 = arith.constant 0 : i32
      %dma_start3A_337 = arith.constant 0 : i32
      %dma_start3A_338 = tpu.memref_slice %arg10[%dma_start3A_336, %dma_start3A_337] : memref<16512x32xf32, #tpu.memory_space<vmem_shared>> -> memref<16512x32xf32, #tpu.memory_space<vmem_shared>>
      tpu.enqueue_indirect_dma source(%dma_start3A_332 : memref<128x32xf32, #tpu.memory_space<vmem>>) target(%dma_start3A_338 : memref<16512x32xf32, #tpu.memory_space<vmem_shared>>) offsets(%dma_start3A_335 : memref<128xi32, #tpu.memory_space<vmem>>) semaphore(%arg14 : memref<!tpu.dma_semaphore, #tpu.memory_space<semaphore_mem>>) {add = true}
      %mul3A_339 = arith.constant 4 : i32
      %mul3A_340 = arith.muli %rem3A_213, %mul3A_339 : i32
      %add3A_341 = arith.constant 3 : i32
      %add3A_342 = arith.addi %mul3A_340, %add3A_341 : i32
      %dma_start3A_343 = arith.constant 0 : i32
      %dma_start3A_344 = tpu.memref_slice %arg6[%add3A_342, %dma_start3A_343] : memref<8x128xi32, #tpu.memory_space<vmem>> -> memref<1x128xi32, #tpu.memory_space<vmem>>
      %dma_start3A_345 = tpu.memref_squeeze %dma_start3A_344 : memref<1x128xi32, #tpu.memory_space<vmem>> -> memref<128xi32, #tpu.memory_space<vmem>>
      %dma_start3A_346 = arith.constant 0 : i32
      %dma_start3A_347 = arith.constant 0 : i32
      %dma_start3A_348 = tpu.memref_slice %arg11[%dma_start3A_346, %dma_start3A_347] : memref<16512x16xf32, #tpu.memory_space<vmem_shared>> -> memref<16512x16xf32, #tpu.memory_space<vmem_shared>>
      tpu.enqueue_indirect_dma source(%arg7 : memref<128x16xf32, #tpu.memory_space<vmem>>) target(%dma_start3A_348 : memref<16512x16xf32, #tpu.memory_space<vmem_shared>>) offsets(%dma_start3A_345 : memref<128xi32, #tpu.memory_space<vmem>>) semaphore(%arg14 : memref<!tpu.dma_semaphore, #tpu.memory_space<semaphore_mem>>) {add = true}
      %add3A_349 = arith.constant 1 : i32
      %add3A_350 = arith.addi %while3A_210, %add3A_349 : i32
      %lt3A = arith.cmpi slt, %add3A_350, %select_n3A : i32
      %convert_element_type3A_351 = arith.extui %lt3A : i1 to i32
      %cond3A_352 = arith.constant 0 : i32
      %cond3A_353 = arith.cmpi ne, %convert_element_type3A_351, %cond3A_352 : i32
      scf.if %cond3A_353 {
        %add3A_355 = arith.constant 1 : i32
        %add3A_356 = arith.addi %while3A_210, %add3A_355 : i32
        %sub3A_357 = arith.constant 1 : i32
        %sub3A_358 = arith.subi %sub3A_357, %rem3A_213 : i32
        %mul3A_359 = arith.constant 16 : i32
        %mul3A_360 = arith.muli %add3A_356, %mul3A_359 : i32
        %add3A_361 = arith.addi %arg1, %mul3A_360 : i32
        %mul3A_362 = arith.constant 4 : i32
        %mul3A_363 = arith.muli %sub3A_358, %mul3A_362 : i32
        %dma_start3A_364 = arith.constant 0 : i32
        %dma_start3A_365 = tpu.memref_slice %arg6[%mul3A_363, %dma_start3A_364] : memref<8x128xi32, #tpu.memory_space<vmem>> -> memref<4x128xi32, #tpu.memory_space<vmem>>
        %dma_start3A_366 = arith.constant 0 : i32
        %dma_start3A_367 = arith.constant 0 : i32
        %dma_start3A_368 = tpu.memref_slice %arg2[%add3A_361, %dma_start3A_366, %dma_start3A_367] : memref<525x4x128xi32, #tpu.memory_space<hbm>> -> memref<1x4x128xi32, #tpu.memory_space<hbm>>
        %dma_start3A_369 = tpu.memref_squeeze %dma_start3A_368 : memref<1x4x128xi32, #tpu.memory_space<hbm>> -> memref<4x128xi32, #tpu.memory_space<hbm>>
        %dma_start3A_370 = arith.constant 0 : i32
        %dma_start3A_371 = tpu.memref_slice %arg6[%mul3A_363, %dma_start3A_370] : memref<8x128xi32, #tpu.memory_space<vmem>> -> memref<4x128xi32, #tpu.memory_space<vmem>>
        %dma_start3A_372 = arith.constant 0 : i32
        %dma_start3A_373 = arith.constant 0 : i32
        %dma_start3A_374 = tpu.memref_slice %arg2[%add3A_361, %dma_start3A_372, %dma_start3A_373] : memref<525x4x128xi32, #tpu.memory_space<hbm>> -> memref<1x4x128xi32, #tpu.memory_space<hbm>>
        %dma_start3A_375 = tpu.memref_squeeze %dma_start3A_374 : memref<1x4x128xi32, #tpu.memory_space<hbm>> -> memref<4x128xi32, #tpu.memory_space<hbm>>
        tpu.enqueue_dma source(%dma_start3A_375 : memref<4x128xi32, #tpu.memory_space<hbm>>) target(%dma_start3A_371 : memref<4x128xi32, #tpu.memory_space<vmem>>) target_semaphore(%arg12 : memref<!tpu.dma_semaphore, #tpu.memory_space<semaphore_mem>>)
        %mul3A_376 = arith.constant 16 : i32
        %mul3A_377 = arith.muli %add3A_356, %mul3A_376 : i32
        %add3A_378 = arith.addi %arg1, %mul3A_377 : i32
        %mul3A_379 = arith.constant 512 : i32
        %mul3A_380 = arith.muli %add3A_378, %mul3A_379 : i32
        %min3A_381 = arith.constant 267923 : i32
        %min3A_382 = arith.minsi %mul3A_380, %min3A_381 : i32
        %mul3A_383 = arith.constant 512 : i32
        %mul3A_384 = arith.muli %sub3A_358, %mul3A_383 : i32
        %dma_start3A_385 = arith.constant 0 : i32
        %dma_start3A_386 = tpu.memref_slice %arg8[%mul3A_384, %dma_start3A_385] : memref<1032x32xf32, #tpu.memory_space<vmem>> -> memref<512x32xf32, #tpu.memory_space<vmem>>
        %dma_start3A_387 = tpu.memref_slice %arg4[%min3A_382, %mul3A_0] : memref<268435x64xf32, #tpu.memory_space<hbm>> -> memref<512x32xf32, #tpu.memory_space<hbm>>
        %dma_start3A_388 = arith.constant 0 : i32
        %dma_start3A_389 = tpu.memref_slice %arg8[%mul3A_384, %dma_start3A_388] : memref<1032x32xf32, #tpu.memory_space<vmem>> -> memref<512x32xf32, #tpu.memory_space<vmem>>
        %dma_start3A_390 = tpu.memref_slice %arg4[%min3A_382, %mul3A_0] : memref<268435x64xf32, #tpu.memory_space<hbm>> -> memref<512x32xf32, #tpu.memory_space<hbm>>
        tpu.enqueue_dma source(%dma_start3A_390 : memref<512x32xf32, #tpu.memory_space<hbm>>) target(%dma_start3A_389 : memref<512x32xf32, #tpu.memory_space<vmem>>) target_semaphore(%arg13 : memref<!tpu.dma_semaphore, #tpu.memory_space<semaphore_mem>>)
      } else {
      }
      %while3A_354 = arith.constant 0 : i32
      scf.yield %while3A_354 : i32
    }
    %dma_wait3A = arith.constant 0 : i32
    %dma_wait3A_79 = arith.constant 0 : i32
    %dma_wait3A_80 = tpu.memref_slice %arg8[%dma_wait3A, %dma_wait3A_79] : memref<1032x32xf32, #tpu.memory_space<vmem>> -> memref<128x32xf32, #tpu.memory_space<vmem>>
    %dma_wait3A_81 = arith.constant 0 : i32
    %dma_wait3A_82 = arith.constant 0 : i32
    %dma_wait3A_83 = tpu.memref_slice %arg10[%dma_wait3A_81, %dma_wait3A_82] : memref<16512x32xf32, #tpu.memory_space<vmem_shared>> -> memref<128x32xf32, #tpu.memory_space<vmem_shared>>
    %dma_wait3A_84 = arith.constant 0 : i32
    %dma_wait3A_85 = arith.constant 0 : i32
    %dma_wait3A_86 = tpu.memref_slice %arg10[%dma_wait3A_84, %dma_wait3A_85] : memref<16512x32xf32, #tpu.memory_space<vmem_shared>> -> memref<128x32xf32, #tpu.memory_space<vmem_shared>>
    %dma_wait3A_87 = arith.constant 0 : i32
    %dma_wait3A_88 = arith.constant 0 : i32
    %dma_wait3A_89 = tpu.memref_slice %arg8[%dma_wait3A_87, %dma_wait3A_88] : memref<1032x32xf32, #tpu.memory_space<vmem>> -> memref<128x32xf32, #tpu.memory_space<vmem>>
    tpu.wait_dma2 semaphore(%arg14 : memref<!tpu.dma_semaphore, #tpu.memory_space<semaphore_mem>>) src(%dma_wait3A_89 : memref<128x32xf32, #tpu.memory_space<vmem>>) dst(%dma_wait3A_86 : memref<128x32xf32, #tpu.memory_space<vmem_shared>>)
    %dma_wait3A_90 = arith.constant 0 : i32
    %dma_wait3A_91 = arith.constant 0 : i32
    %dma_wait3A_92 = tpu.memref_slice %arg11[%dma_wait3A_90, %dma_wait3A_91] : memref<16512x16xf32, #tpu.memory_space<vmem_shared>> -> memref<128x16xf32, #tpu.memory_space<vmem_shared>>
    %dma_wait3A_93 = arith.constant 0 : i32
    %dma_wait3A_94 = arith.constant 0 : i32
    %dma_wait3A_95 = tpu.memref_slice %arg11[%dma_wait3A_93, %dma_wait3A_94] : memref<16512x16xf32, #tpu.memory_space<vmem_shared>> -> memref<128x16xf32, #tpu.memory_space<vmem_shared>>
    tpu.wait_dma2 semaphore(%arg14 : memref<!tpu.dma_semaphore, #tpu.memory_space<semaphore_mem>>) src(%arg7 : memref<128x16xf32, #tpu.memory_space<vmem>>) dst(%dma_wait3A_95 : memref<128x16xf32, #tpu.memory_space<vmem_shared>>)
    %dma_wait3A_96 = arith.constant 128 : i32
    %dma_wait3A_97 = arith.constant 0 : i32
    %dma_wait3A_98 = tpu.memref_slice %arg8[%dma_wait3A_96, %dma_wait3A_97] : memref<1032x32xf32, #tpu.memory_space<vmem>> -> memref<128x32xf32, #tpu.memory_space<vmem>>
    %dma_wait3A_99 = arith.constant 0 : i32
    %dma_wait3A_100 = arith.constant 0 : i32
    %dma_wait3A_101 = tpu.memref_slice %arg10[%dma_wait3A_99, %dma_wait3A_100] : memref<16512x32xf32, #tpu.memory_space<vmem_shared>> -> memref<128x32xf32, #tpu.memory_space<vmem_shared>>
    %dma_wait3A_102 = arith.constant 0 : i32
    %dma_wait3A_103 = arith.constant 0 : i32
    %dma_wait3A_104 = tpu.memref_slice %arg10[%dma_wait3A_102, %dma_wait3A_103] : memref<16512x32xf32, #tpu.memory_space<vmem_shared>> -> memref<128x32xf32, #tpu.memory_space<vmem_shared>>
    %dma_wait3A_105 = arith.constant 128 : i32
    %dma_wait3A_106 = arith.constant 0 : i32
    %dma_wait3A_107 = tpu.memref_slice %arg8[%dma_wait3A_105, %dma_wait3A_106] : memref<1032x32xf32, #tpu.memory_space<vmem>> -> memref<128x32xf32, #tpu.memory_space<vmem>>
    tpu.wait_dma2 semaphore(%arg14 : memref<!tpu.dma_semaphore, #tpu.memory_space<semaphore_mem>>) src(%dma_wait3A_107 : memref<128x32xf32, #tpu.memory_space<vmem>>) dst(%dma_wait3A_104 : memref<128x32xf32, #tpu.memory_space<vmem_shared>>)
    %dma_wait3A_108 = arith.constant 0 : i32
    %dma_wait3A_109 = arith.constant 0 : i32
    %dma_wait3A_110 = tpu.memref_slice %arg11[%dma_wait3A_108, %dma_wait3A_109] : memref<16512x16xf32, #tpu.memory_space<vmem_shared>> -> memref<128x16xf32, #tpu.memory_space<vmem_shared>>
    %dma_wait3A_111 = arith.constant 0 : i32
    %dma_wait3A_112 = arith.constant 0 : i32
    %dma_wait3A_113 = tpu.memref_slice %arg11[%dma_wait3A_111, %dma_wait3A_112] : memref<16512x16xf32, #tpu.memory_space<vmem_shared>> -> memref<128x16xf32, #tpu.memory_space<vmem_shared>>
    tpu.wait_dma2 semaphore(%arg14 : memref<!tpu.dma_semaphore, #tpu.memory_space<semaphore_mem>>) src(%arg7 : memref<128x16xf32, #tpu.memory_space<vmem>>) dst(%dma_wait3A_113 : memref<128x16xf32, #tpu.memory_space<vmem_shared>>)
    %dma_wait3A_114 = arith.constant 256 : i32
    %dma_wait3A_115 = arith.constant 0 : i32
    %dma_wait3A_116 = tpu.memref_slice %arg8[%dma_wait3A_114, %dma_wait3A_115] : memref<1032x32xf32, #tpu.memory_space<vmem>> -> memref<128x32xf32, #tpu.memory_space<vmem>>
    %dma_wait3A_117 = arith.constant 0 : i32
    %dma_wait3A_118 = arith.constant 0 : i32
    %dma_wait3A_119 = tpu.memref_slice %arg10[%dma_wait3A_117, %dma_wait3A_118] : memref<16512x32xf32, #tpu.memory_space<vmem_shared>> -> memref<128x32xf32, #tpu.memory_space<vmem_shared>>
    %dma_wait3A_120 = arith.constant 0 : i32
    %dma_wait3A_121 = arith.constant 0 : i32
    %dma_wait3A_122 = tpu.memref_slice %arg10[%dma_wait3A_120, %dma_wait3A_121] : memref<16512x32xf32, #tpu.memory_space<vmem_shared>> -> memref<128x32xf32, #tpu.memory_space<vmem_shared>>
    %dma_wait3A_123 = arith.constant 256 : i32
    %dma_wait3A_124 = arith.constant 0 : i32
    %dma_wait3A_125 = tpu.memref_slice %arg8[%dma_wait3A_123, %dma_wait3A_124] : memref<1032x32xf32, #tpu.memory_space<vmem>> -> memref<128x32xf32, #tpu.memory_space<vmem>>
    tpu.wait_dma2 semaphore(%arg14 : memref<!tpu.dma_semaphore, #tpu.memory_space<semaphore_mem>>) src(%dma_wait3A_125 : memref<128x32xf32, #tpu.memory_space<vmem>>) dst(%dma_wait3A_122 : memref<128x32xf32, #tpu.memory_space<vmem_shared>>)
    %dma_wait3A_126 = arith.constant 0 : i32
    %dma_wait3A_127 = arith.constant 0 : i32
    %dma_wait3A_128 = tpu.memref_slice %arg11[%dma_wait3A_126, %dma_wait3A_127] : memref<16512x16xf32, #tpu.memory_space<vmem_shared>> -> memref<128x16xf32, #tpu.memory_space<vmem_shared>>
    %dma_wait3A_129 = arith.constant 0 : i32
    %dma_wait3A_130 = arith.constant 0 : i32
    %dma_wait3A_131 = tpu.memref_slice %arg11[%dma_wait3A_129, %dma_wait3A_130] : memref<16512x16xf32, #tpu.memory_space<vmem_shared>> -> memref<128x16xf32, #tpu.memory_space<vmem_shared>>
    tpu.wait_dma2 semaphore(%arg14 : memref<!tpu.dma_semaphore, #tpu.memory_space<semaphore_mem>>) src(%arg7 : memref<128x16xf32, #tpu.memory_space<vmem>>) dst(%dma_wait3A_131 : memref<128x16xf32, #tpu.memory_space<vmem_shared>>)
    %dma_wait3A_132 = arith.constant 384 : i32
    %dma_wait3A_133 = arith.constant 0 : i32
    %dma_wait3A_134 = tpu.memref_slice %arg8[%dma_wait3A_132, %dma_wait3A_133] : memref<1032x32xf32, #tpu.memory_space<vmem>> -> memref<128x32xf32, #tpu.memory_space<vmem>>
    %dma_wait3A_135 = arith.constant 0 : i32
    %dma_wait3A_136 = arith.constant 0 : i32
    %dma_wait3A_137 = tpu.memref_slice %arg10[%dma_wait3A_135, %dma_wait3A_136] : memref<16512x32xf32, #tpu.memory_space<vmem_shared>> -> memref<128x32xf32, #tpu.memory_space<vmem_shared>>
    %dma_wait3A_138 = arith.constant 0 : i32
    %dma_wait3A_139 = arith.constant 0 : i32
    %dma_wait3A_140 = tpu.memref_slice %arg10[%dma_wait3A_138, %dma_wait3A_139] : memref<16512x32xf32, #tpu.memory_space<vmem_shared>> -> memref<128x32xf32, #tpu.memory_space<vmem_shared>>
    %dma_wait3A_141 = arith.constant 384 : i32
    %dma_wait3A_142 = arith.constant 0 : i32
    %dma_wait3A_143 = tpu.memref_slice %arg8[%dma_wait3A_141, %dma_wait3A_142] : memref<1032x32xf32, #tpu.memory_space<vmem>> -> memref<128x32xf32, #tpu.memory_space<vmem>>
    tpu.wait_dma2 semaphore(%arg14 : memref<!tpu.dma_semaphore, #tpu.memory_space<semaphore_mem>>) src(%dma_wait3A_143 : memref<128x32xf32, #tpu.memory_space<vmem>>) dst(%dma_wait3A_140 : memref<128x32xf32, #tpu.memory_space<vmem_shared>>)
    %dma_wait3A_144 = arith.constant 0 : i32
    %dma_wait3A_145 = arith.constant 0 : i32
    %dma_wait3A_146 = tpu.memref_slice %arg11[%dma_wait3A_144, %dma_wait3A_145] : memref<16512x16xf32, #tpu.memory_space<vmem_shared>> -> memref<128x16xf32, #tpu.memory_space<vmem_shared>>
    %dma_wait3A_147 = arith.constant 0 : i32
    %dma_wait3A_148 = arith.constant 0 : i32
    %dma_wait3A_149 = tpu.memref_slice %arg11[%dma_wait3A_147, %dma_wait3A_148] : memref<16512x16xf32, #tpu.memory_space<vmem_shared>> -> memref<128x16xf32, #tpu.memory_space<vmem_shared>>
    tpu.wait_dma2 semaphore(%arg14 : memref<!tpu.dma_semaphore, #tpu.memory_space<semaphore_mem>>) src(%arg7 : memref<128x16xf32, #tpu.memory_space<vmem>>) dst(%dma_wait3A_149 : memref<128x16xf32, #tpu.memory_space<vmem_shared>>)
    %barrier3A_150 = arith.constant 0 : index
    tpu.barrier barrier_id(%barrier3A_150)
    "tpu.region"() ({
      %run_scoped3A = tpu.sem_alloc : memref<!tpu.dma_semaphore, #tpu.memory_space<semaphore_mem>>
      %dma_start3A_210 = arith.constant 0 : i32
      %dma_start3A_211 = tpu.memref_slice %arg10[%mul3A_2, %dma_start3A_210] : memref<16512x32xf32, #tpu.memory_space<vmem_shared>> -> memref<1032x32xf32, #tpu.memory_space<vmem_shared>>
      %dma_start3A_212 = arith.constant 0 : i32
      %dma_start3A_213 = tpu.memref_slice %arg10[%mul3A_2, %dma_start3A_212] : memref<16512x32xf32, #tpu.memory_space<vmem_shared>> -> memref<1032x32xf32, #tpu.memory_space<vmem_shared>>
      tpu.enqueue_dma source(%dma_start3A_213 : memref<1032x32xf32, #tpu.memory_space<vmem_shared>>) target(%arg8 : memref<1032x32xf32, #tpu.memory_space<vmem>>) target_semaphore(%run_scoped3A : memref<!tpu.dma_semaphore, #tpu.memory_space<semaphore_mem>>)
      %dma_wait3A_214 = arith.constant 0 : i32
      %dma_wait3A_215 = tpu.memref_slice %arg10[%mul3A_2, %dma_wait3A_214] : memref<16512x32xf32, #tpu.memory_space<vmem_shared>> -> memref<1032x32xf32, #tpu.memory_space<vmem_shared>>
      %dma_wait3A_216 = arith.constant 0 : i32
      %dma_wait3A_217 = tpu.memref_slice %arg10[%mul3A_2, %dma_wait3A_216] : memref<16512x32xf32, #tpu.memory_space<vmem_shared>> -> memref<1032x32xf32, #tpu.memory_space<vmem_shared>>
      tpu.wait_dma2 semaphore(%run_scoped3A : memref<!tpu.dma_semaphore, #tpu.memory_space<semaphore_mem>>) src(%dma_wait3A_217 : memref<1032x32xf32, #tpu.memory_space<vmem_shared>>) dst(%arg8 : memref<1032x32xf32, #tpu.memory_space<vmem>>)
      tpu.yield
    }) : () -> ()
    "tpu.region"() ({
      %run_scoped3A = tpu.sem_alloc : memref<!tpu.dma_semaphore, #tpu.memory_space<semaphore_mem>>
      %dma_start3A_210 = arith.constant 0 : i32
      %dma_start3A_211 = tpu.memref_slice %arg11[%mul3A_2, %dma_start3A_210] : memref<16512x16xf32, #tpu.memory_space<vmem_shared>> -> memref<1032x16xf32, #tpu.memory_space<vmem_shared>>
      %dma_start3A_212 = arith.constant 0 : i32
      %dma_start3A_213 = tpu.memref_slice %arg11[%mul3A_2, %dma_start3A_212] : memref<16512x16xf32, #tpu.memory_space<vmem_shared>> -> memref<1032x16xf32, #tpu.memory_space<vmem_shared>>
      tpu.enqueue_dma source(%dma_start3A_213 : memref<1032x16xf32, #tpu.memory_space<vmem_shared>>) target(%arg9 : memref<1032x16xf32, #tpu.memory_space<vmem>>) target_semaphore(%run_scoped3A : memref<!tpu.dma_semaphore, #tpu.memory_space<semaphore_mem>>)
      %dma_wait3A_214 = arith.constant 0 : i32
      %dma_wait3A_215 = tpu.memref_slice %arg11[%mul3A_2, %dma_wait3A_214] : memref<16512x16xf32, #tpu.memory_space<vmem_shared>> -> memref<1032x16xf32, #tpu.memory_space<vmem_shared>>
      %dma_wait3A_216 = arith.constant 0 : i32
      %dma_wait3A_217 = tpu.memref_slice %arg11[%mul3A_2, %dma_wait3A_216] : memref<16512x16xf32, #tpu.memory_space<vmem_shared>> -> memref<1032x16xf32, #tpu.memory_space<vmem_shared>>
      tpu.wait_dma2 semaphore(%run_scoped3A : memref<!tpu.dma_semaphore, #tpu.memory_space<semaphore_mem>>) src(%dma_wait3A_217 : memref<1032x16xf32, #tpu.memory_space<vmem_shared>>) dst(%arg9 : memref<1032x16xf32, #tpu.memory_space<vmem>>)
      tpu.yield
    }) : () -> ()
    %scan3A_151 = arith.constant 0 : i32
    %scan3A_152 = arith.constant 0 : i32
    %scan3A_153 = arith.constant 129 : i32
    %scan3A_154 = arith.addi %scan3A_152, %scan3A_153 : i32
    %scan3A_155 = arith.constant 1 : i32
    %scan3A_156 = scf.for %scan3A_210 = %scan3A_152 to %scan3A_154 step %scan3A_155 iter_args(%scan3A_211 = %scan3A_151) -> (i32)  : i32 {
      %mul3A_212 = arith.constant 8 : i32
      %mul3A_213 = arith.muli %scan3A_210, %mul3A_212 : i32
      %add3A_214 = arith.constant 0 : i32
      %add3A_215 = arith.addi %mul3A_213, %add3A_214 : i32
      %get3A = arith.index_cast %add3A_215 : i32 to index
      %get3A_216 = arith.constant 0 : index
      %get3A_217 = tpu.vector_load %arg9[%get3A, %get3A_216] {strides = array<i32>} : memref<1032x16xf32, #tpu.memory_space<vmem>>, vector<1x16xf32>,
      %get3A_218 = vector.shape_cast %get3A_217 : vector<1x16xf32> to vector<16xf32>
      %add3A_219 = arith.constant 1.000000e-16 : f32
      %add3A_220 = vector.broadcast %add3A_219 : f32 to vector<16xf32>
      %add3A_221 = arith.addf %get3A_218, %add3A_220 : vector<16xf32>
      %div3A_222 = arith.constant 1.000000e+00 : f32
      %div3A_223 = vector.broadcast %div3A_222 : f32 to vector<16xf32>
      %div3A_224 = arith.divf %div3A_223, %add3A_221 : vector<16xf32>
      %get3A_225 = arith.index_cast %add3A_215 : i32 to index
      %get3A_226 = arith.constant 0 : index
      %get3A_227 = tpu.vector_load %arg8[%get3A_225, %get3A_226] {strides = array<i32>} : memref<1032x32xf32, #tpu.memory_space<vmem>>, vector<1x16xf32>,
      %get3A_228 = vector.shape_cast %get3A_227 : vector<1x16xf32> to vector<16xf32>
      %mul3A_229 = arith.mulf %get3A_228, %div3A_224 : vector<16xf32>
      %swap3A = arith.index_cast %add3A_215 : i32 to index
      %swap3A_230 = arith.constant 0 : index
      %swap3A_231 = tpu.vector_load %arg8[%swap3A, %swap3A_230] {strides = array<i32>} : memref<1032x32xf32, #tpu.memory_space<vmem>>, vector<1x16xf32>,
      %swap3A_232 = vector.shape_cast %swap3A_231 : vector<1x16xf32> to vector<16xf32>
      %swap3A_233 = vector.shape_cast %mul3A_229 : vector<16xf32> to vector<1x16xf32>
      tpu.vector_store %arg8[%swap3A, %swap3A_230], %swap3A_233 {strides = array<i32>} : memref<1032x32xf32, #tpu.memory_space<vmem>>, vector<1x16xf32>,
      %get3A_234 = arith.index_cast %add3A_215 : i32 to index
      %get3A_235 = arith.constant 16 : index
      %get3A_236 = tpu.vector_load %arg8[%get3A_234, %get3A_235] {strides = array<i32>} : memref<1032x32xf32, #tpu.memory_space<vmem>>, vector<1x16xf32>,
      %get3A_237 = vector.shape_cast %get3A_236 : vector<1x16xf32> to vector<16xf32>
      %mul3A_238 = arith.mulf %get3A_237, %div3A_224 : vector<16xf32>
      %swap3A_239 = arith.index_cast %add3A_215 : i32 to index
      %swap3A_240 = arith.constant 16 : index
      %swap3A_241 = tpu.vector_load %arg8[%swap3A_239, %swap3A_240] {strides = array<i32>} : memref<1032x32xf32, #tpu.memory_space<vmem>>, vector<1x16xf32>,
      %swap3A_242 = vector.shape_cast %swap3A_241 : vector<1x16xf32> to vector<16xf32>
      %swap3A_243 = vector.shape_cast %mul3A_238 : vector<16xf32> to vector<1x16xf32>
      tpu.vector_store %arg8[%swap3A_239, %swap3A_240], %swap3A_243 {strides = array<i32>} : memref<1032x32xf32, #tpu.memory_space<vmem>>, vector<1x16xf32>,
      %mul3A_244 = arith.constant 8 : i32
      %mul3A_245 = arith.muli %scan3A_210, %mul3A_244 : i32
      %add3A_246 = arith.constant 1 : i32
      %add3A_247 = arith.addi %mul3A_245, %add3A_246 : i32
      %get3A_248 = arith.index_cast %add3A_247 : i32 to index
      %get3A_249 = arith.constant 0 : index
      %get3A_250 = tpu.vector_load %arg9[%get3A_248, %get3A_249] {strides = array<i32>} : memref<1032x16xf32, #tpu.memory_space<vmem>>, vector<1x16xf32>,
      %get3A_251 = vector.shape_cast %get3A_250 : vector<1x16xf32> to vector<16xf32>
      %add3A_252 = arith.constant 1.000000e-16 : f32
      %add3A_253 = vector.broadcast %add3A_252 : f32 to vector<16xf32>
      %add3A_254 = arith.addf %get3A_251, %add3A_253 : vector<16xf32>
      %div3A_255 = arith.constant 1.000000e+00 : f32
      %div3A_256 = vector.broadcast %div3A_255 : f32 to vector<16xf32>
      %div3A_257 = arith.divf %div3A_256, %add3A_254 : vector<16xf32>
      %get3A_258 = arith.index_cast %add3A_247 : i32 to index
      %get3A_259 = arith.constant 0 : index
      %get3A_260 = tpu.vector_load %arg8[%get3A_258, %get3A_259] {strides = array<i32>} : memref<1032x32xf32, #tpu.memory_space<vmem>>, vector<1x16xf32>,
      %get3A_261 = vector.shape_cast %get3A_260 : vector<1x16xf32> to vector<16xf32>
      %mul3A_262 = arith.mulf %get3A_261, %div3A_257 : vector<16xf32>
      %swap3A_263 = arith.index_cast %add3A_247 : i32 to index
      %swap3A_264 = arith.constant 0 : index
      %swap3A_265 = tpu.vector_load %arg8[%swap3A_263, %swap3A_264] {strides = array<i32>} : memref<1032x32xf32, #tpu.memory_space<vmem>>, vector<1x16xf32>,
      %swap3A_266 = vector.shape_cast %swap3A_265 : vector<1x16xf32> to vector<16xf32>
      %swap3A_267 = vector.shape_cast %mul3A_262 : vector<16xf32> to vector<1x16xf32>
      tpu.vector_store %arg8[%swap3A_263, %swap3A_264], %swap3A_267 {strides = array<i32>} : memref<1032x32xf32, #tpu.memory_space<vmem>>, vector<1x16xf32>,
      %get3A_268 = arith.index_cast %add3A_247 : i32 to index
      %get3A_269 = arith.constant 16 : index
      %get3A_270 = tpu.vector_load %arg8[%get3A_268, %get3A_269] {strides = array<i32>} : memref<1032x32xf32, #tpu.memory_space<vmem>>, vector<1x16xf32>,
      %get3A_271 = vector.shape_cast %get3A_270 : vector<1x16xf32> to vector<16xf32>
      %mul3A_272 = arith.mulf %get3A_271, %div3A_257 : vector<16xf32>
      %swap3A_273 = arith.index_cast %add3A_247 : i32 to index
      %swap3A_274 = arith.constant 16 : index
      %swap3A_275 = tpu.vector_load %arg8[%swap3A_273, %swap3A_274] {strides = array<i32>} : memref<1032x32xf32, #tpu.memory_space<vmem>>, vector<1x16xf32>,
      %swap3A_276 = vector.shape_cast %swap3A_275 : vector<1x16xf32> to vector<16xf32>
      %swap3A_277 = vector.shape_cast %mul3A_272 : vector<16xf32> to vector<1x16xf32>
      tpu.vector_store %arg8[%swap3A_273, %swap3A_274], %swap3A_277 {strides = array<i32>} : memref<1032x32xf32, #tpu.memory_space<vmem>>, vector<1x16xf32>,
      %mul3A_278 = arith.constant 8 : i32
      %mul3A_279 = arith.muli %scan3A_210, %mul3A_278 : i32
      %add3A_280 = arith.constant 2 : i32
      %add3A_281 = arith.addi %mul3A_279, %add3A_280 : i32
      %get3A_282 = arith.index_cast %add3A_281 : i32 to index
      %get3A_283 = arith.constant 0 : index
      %get3A_284 = tpu.vector_load %arg9[%get3A_282, %get3A_283] {strides = array<i32>} : memref<1032x16xf32, #tpu.memory_space<vmem>>, vector<1x16xf32>,
      %get3A_285 = vector.shape_cast %get3A_284 : vector<1x16xf32> to vector<16xf32>
      %add3A_286 = arith.constant 1.000000e-16 : f32
      %add3A_287 = vector.broadcast %add3A_286 : f32 to vector<16xf32>
      %add3A_288 = arith.addf %get3A_285, %add3A_287 : vector<16xf32>
      %div3A_289 = arith.constant 1.000000e+00 : f32
      %div3A_290 = vector.broadcast %div3A_289 : f32 to vector<16xf32>
      %div3A_291 = arith.divf %div3A_290, %add3A_288 : vector<16xf32>
      %get3A_292 = arith.index_cast %add3A_281 : i32 to index
      %get3A_293 = arith.constant 0 : index
      %get3A_294 = tpu.vector_load %arg8[%get3A_292, %get3A_293] {strides = array<i32>} : memref<1032x32xf32, #tpu.memory_space<vmem>>, vector<1x16xf32>,
      %get3A_295 = vector.shape_cast %get3A_294 : vector<1x16xf32> to vector<16xf32>
      %mul3A_296 = arith.mulf %get3A_295, %div3A_291 : vector<16xf32>
      %swap3A_297 = arith.index_cast %add3A_281 : i32 to index
      %swap3A_298 = arith.constant 0 : index
      %swap3A_299 = tpu.vector_load %arg8[%swap3A_297, %swap3A_298] {strides = array<i32>} : memref<1032x32xf32, #tpu.memory_space<vmem>>, vector<1x16xf32>,
      %swap3A_300 = vector.shape_cast %swap3A_299 : vector<1x16xf32> to vector<16xf32>
      %swap3A_301 = vector.shape_cast %mul3A_296 : vector<16xf32> to vector<1x16xf32>
      tpu.vector_store %arg8[%swap3A_297, %swap3A_298], %swap3A_301 {strides = array<i32>} : memref<1032x32xf32, #tpu.memory_space<vmem>>, vector<1x16xf32>,
      %get3A_302 = arith.index_cast %add3A_281 : i32 to index
      %get3A_303 = arith.constant 16 : index
      %get3A_304 = tpu.vector_load %arg8[%get3A_302, %get3A_303] {strides = array<i32>} : memref<1032x32xf32, #tpu.memory_space<vmem>>, vector<1x16xf32>,
      %get3A_305 = vector.shape_cast %get3A_304 : vector<1x16xf32> to vector<16xf32>
      %mul3A_306 = arith.mulf %get3A_305, %div3A_291 : vector<16xf32>
      %swap3A_307 = arith.index_cast %add3A_281 : i32 to index
      %swap3A_308 = arith.constant 16 : index
      %swap3A_309 = tpu.vector_load %arg8[%swap3A_307, %swap3A_308] {strides = array<i32>} : memref<1032x32xf32, #tpu.memory_space<vmem>>, vector<1x16xf32>,
      %swap3A_310 = vector.shape_cast %swap3A_309 : vector<1x16xf32> to vector<16xf32>
      %swap3A_311 = vector.shape_cast %mul3A_306 : vector<16xf32> to vector<1x16xf32>
      tpu.vector_store %arg8[%swap3A_307, %swap3A_308], %swap3A_311 {strides = array<i32>} : memref<1032x32xf32, #tpu.memory_space<vmem>>, vector<1x16xf32>,
      %mul3A_312 = arith.constant 8 : i32
      %mul3A_313 = arith.muli %scan3A_210, %mul3A_312 : i32
      %add3A_314 = arith.constant 3 : i32
      %add3A_315 = arith.addi %mul3A_313, %add3A_314 : i32
      %get3A_316 = arith.index_cast %add3A_315 : i32 to index
      %get3A_317 = arith.constant 0 : index
      %get3A_318 = tpu.vector_load %arg9[%get3A_316, %get3A_317] {strides = array<i32>} : memref<1032x16xf32, #tpu.memory_space<vmem>>, vector<1x16xf32>,
      %get3A_319 = vector.shape_cast %get3A_318 : vector<1x16xf32> to vector<16xf32>
      %add3A_320 = arith.constant 1.000000e-16 : f32
      %add3A_321 = vector.broadcast %add3A_320 : f32 to vector<16xf32>
      %add3A_322 = arith.addf %get3A_319, %add3A_321 : vector<16xf32>
      %div3A_323 = arith.constant 1.000000e+00 : f32
      %div3A_324 = vector.broadcast %div3A_323 : f32 to vector<16xf32>
      %div3A_325 = arith.divf %div3A_324, %add3A_322 : vector<16xf32>
      %get3A_326 = arith.index_cast %add3A_315 : i32 to index
      %get3A_327 = arith.constant 0 : index
      %get3A_328 = tpu.vector_load %arg8[%get3A_326, %get3A_327] {strides = array<i32>} : memref<1032x32xf32, #tpu.memory_space<vmem>>, vector<1x16xf32>,
      %get3A_329 = vector.shape_cast %get3A_328 : vector<1x16xf32> to vector<16xf32>
      %mul3A_330 = arith.mulf %get3A_329, %div3A_325 : vector<16xf32>
      %swap3A_331 = arith.index_cast %add3A_315 : i32 to index
      %swap3A_332 = arith.constant 0 : index
      %swap3A_333 = tpu.vector_load %arg8[%swap3A_331, %swap3A_332] {strides = array<i32>} : memref<1032x32xf32, #tpu.memory_space<vmem>>, vector<1x16xf32>,
      %swap3A_334 = vector.shape_cast %swap3A_333 : vector<1x16xf32> to vector<16xf32>
      %swap3A_335 = vector.shape_cast %mul3A_330 : vector<16xf32> to vector<1x16xf32>
      tpu.vector_store %arg8[%swap3A_331, %swap3A_332], %swap3A_335 {strides = array<i32>} : memref<1032x32xf32, #tpu.memory_space<vmem>>, vector<1x16xf32>,
      %get3A_336 = arith.index_cast %add3A_315 : i32 to index
      %get3A_337 = arith.constant 16 : index
      %get3A_338 = tpu.vector_load %arg8[%get3A_336, %get3A_337] {strides = array<i32>} : memref<1032x32xf32, #tpu.memory_space<vmem>>, vector<1x16xf32>,
      %get3A_339 = vector.shape_cast %get3A_338 : vector<1x16xf32> to vector<16xf32>
      %mul3A_340 = arith.mulf %get3A_339, %div3A_325 : vector<16xf32>
      %swap3A_341 = arith.index_cast %add3A_315 : i32 to index
      %swap3A_342 = arith.constant 16 : index
      %swap3A_343 = tpu.vector_load %arg8[%swap3A_341, %swap3A_342] {strides = array<i32>} : memref<1032x32xf32, #tpu.memory_space<vmem>>, vector<1x16xf32>,
      %swap3A_344 = vector.shape_cast %swap3A_343 : vector<1x16xf32> to vector<16xf32>
      %swap3A_345 = vector.shape_cast %mul3A_340 : vector<16xf32> to vector<1x16xf32>
      tpu.vector_store %arg8[%swap3A_341, %swap3A_342], %swap3A_345 {strides = array<i32>} : memref<1032x32xf32, #tpu.memory_space<vmem>>, vector<1x16xf32>,
      %mul3A_346 = arith.constant 8 : i32
      %mul3A_347 = arith.muli %scan3A_210, %mul3A_346 : i32
      %add3A_348 = arith.constant 4 : i32
      %add3A_349 = arith.addi %mul3A_347, %add3A_348 : i32
      %get3A_350 = arith.index_cast %add3A_349 : i32 to index
      %get3A_351 = arith.constant 0 : index
      %get3A_352 = tpu.vector_load %arg9[%get3A_350, %get3A_351] {strides = array<i32>} : memref<1032x16xf32, #tpu.memory_space<vmem>>, vector<1x16xf32>,
      %get3A_353 = vector.shape_cast %get3A_352 : vector<1x16xf32> to vector<16xf32>
      %add3A_354 = arith.constant 1.000000e-16 : f32
      %add3A_355 = vector.broadcast %add3A_354 : f32 to vector<16xf32>
      %add3A_356 = arith.addf %get3A_353, %add3A_355 : vector<16xf32>
      %div3A_357 = arith.constant 1.000000e+00 : f32
      %div3A_358 = vector.broadcast %div3A_357 : f32 to vector<16xf32>
      %div3A_359 = arith.divf %div3A_358, %add3A_356 : vector<16xf32>
      %get3A_360 = arith.index_cast %add3A_349 : i32 to index
      %get3A_361 = arith.constant 0 : index
      %get3A_362 = tpu.vector_load %arg8[%get3A_360, %get3A_361] {strides = array<i32>} : memref<1032x32xf32, #tpu.memory_space<vmem>>, vector<1x16xf32>,
      %get3A_363 = vector.shape_cast %get3A_362 : vector<1x16xf32> to vector<16xf32>
      %mul3A_364 = arith.mulf %get3A_363, %div3A_359 : vector<16xf32>
      %swap3A_365 = arith.index_cast %add3A_349 : i32 to index
      %swap3A_366 = arith.constant 0 : index
      %swap3A_367 = tpu.vector_load %arg8[%swap3A_365, %swap3A_366] {strides = array<i32>} : memref<1032x32xf32, #tpu.memory_space<vmem>>, vector<1x16xf32>,
      %swap3A_368 = vector.shape_cast %swap3A_367 : vector<1x16xf32> to vector<16xf32>
      %swap3A_369 = vector.shape_cast %mul3A_364 : vector<16xf32> to vector<1x16xf32>
      tpu.vector_store %arg8[%swap3A_365, %swap3A_366], %swap3A_369 {strides = array<i32>} : memref<1032x32xf32, #tpu.memory_space<vmem>>, vector<1x16xf32>,
      %get3A_370 = arith.index_cast %add3A_349 : i32 to index
      %get3A_371 = arith.constant 16 : index
      %get3A_372 = tpu.vector_load %arg8[%get3A_370, %get3A_371] {strides = array<i32>} : memref<1032x32xf32, #tpu.memory_space<vmem>>, vector<1x16xf32>,
      %get3A_373 = vector.shape_cast %get3A_372 : vector<1x16xf32> to vector<16xf32>
      %mul3A_374 = arith.mulf %get3A_373, %div3A_359 : vector<16xf32>
      %swap3A_375 = arith.index_cast %add3A_349 : i32 to index
      %swap3A_376 = arith.constant 16 : index
      %swap3A_377 = tpu.vector_load %arg8[%swap3A_375, %swap3A_376] {strides = array<i32>} : memref<1032x32xf32, #tpu.memory_space<vmem>>, vector<1x16xf32>,
      %swap3A_378 = vector.shape_cast %swap3A_377 : vector<1x16xf32> to vector<16xf32>
      %swap3A_379 = vector.shape_cast %mul3A_374 : vector<16xf32> to vector<1x16xf32>
      tpu.vector_store %arg8[%swap3A_375, %swap3A_376], %swap3A_379 {strides = array<i32>} : memref<1032x32xf32, #tpu.memory_space<vmem>>, vector<1x16xf32>,
      %mul3A_380 = arith.constant 8 : i32
      %mul3A_381 = arith.muli %scan3A_210, %mul3A_380 : i32
      %add3A_382 = arith.constant 5 : i32
      %add3A_383 = arith.addi %mul3A_381, %add3A_382 : i32
      %get3A_384 = arith.index_cast %add3A_383 : i32 to index
      %get3A_385 = arith.constant 0 : index
      %get3A_386 = tpu.vector_load %arg9[%get3A_384, %get3A_385] {strides = array<i32>} : memref<1032x16xf32, #tpu.memory_space<vmem>>, vector<1x16xf32>,
      %get3A_387 = vector.shape_cast %get3A_386 : vector<1x16xf32> to vector<16xf32>
      %add3A_388 = arith.constant 1.000000e-16 : f32
      %add3A_389 = vector.broadcast %add3A_388 : f32 to vector<16xf32>
      %add3A_390 = arith.addf %get3A_387, %add3A_389 : vector<16xf32>
      %div3A_391 = arith.constant 1.000000e+00 : f32
      %div3A_392 = vector.broadcast %div3A_391 : f32 to vector<16xf32>
      %div3A_393 = arith.divf %div3A_392, %add3A_390 : vector<16xf32>
      %get3A_394 = arith.index_cast %add3A_383 : i32 to index
      %get3A_395 = arith.constant 0 : index
      %get3A_396 = tpu.vector_load %arg8[%get3A_394, %get3A_395] {strides = array<i32>} : memref<1032x32xf32, #tpu.memory_space<vmem>>, vector<1x16xf32>,
      %get3A_397 = vector.shape_cast %get3A_396 : vector<1x16xf32> to vector<16xf32>
      %mul3A_398 = arith.mulf %get3A_397, %div3A_393 : vector<16xf32>
      %swap3A_399 = arith.index_cast %add3A_383 : i32 to index
      %swap3A_400 = arith.constant 0 : index
      %swap3A_401 = tpu.vector_load %arg8[%swap3A_399, %swap3A_400] {strides = array<i32>} : memref<1032x32xf32, #tpu.memory_space<vmem>>, vector<1x16xf32>,
      %swap3A_402 = vector.shape_cast %swap3A_401 : vector<1x16xf32> to vector<16xf32>
      %swap3A_403 = vector.shape_cast %mul3A_398 : vector<16xf32> to vector<1x16xf32>
      tpu.vector_store %arg8[%swap3A_399, %swap3A_400], %swap3A_403 {strides = array<i32>} : memref<1032x32xf32, #tpu.memory_space<vmem>>, vector<1x16xf32>,
      %get3A_404 = arith.index_cast %add3A_383 : i32 to index
      %get3A_405 = arith.constant 16 : index
      %get3A_406 = tpu.vector_load %arg8[%get3A_404, %get3A_405] {strides = array<i32>} : memref<1032x32xf32, #tpu.memory_space<vmem>>, vector<1x16xf32>,
      %get3A_407 = vector.shape_cast %get3A_406 : vector<1x16xf32> to vector<16xf32>
      %mul3A_408 = arith.mulf %get3A_407, %div3A_393 : vector<16xf32>
      %swap3A_409 = arith.index_cast %add3A_383 : i32 to index
      %swap3A_410 = arith.constant 16 : index
      %swap3A_411 = tpu.vector_load %arg8[%swap3A_409, %swap3A_410] {strides = array<i32>} : memref<1032x32xf32, #tpu.memory_space<vmem>>, vector<1x16xf32>,
      %swap3A_412 = vector.shape_cast %swap3A_411 : vector<1x16xf32> to vector<16xf32>
      %swap3A_413 = vector.shape_cast %mul3A_408 : vector<16xf32> to vector<1x16xf32>
      tpu.vector_store %arg8[%swap3A_409, %swap3A_410], %swap3A_413 {strides = array<i32>} : memref<1032x32xf32, #tpu.memory_space<vmem>>, vector<1x16xf32>,
      %mul3A_414 = arith.constant 8 : i32
      %mul3A_415 = arith.muli %scan3A_210, %mul3A_414 : i32
      %add3A_416 = arith.constant 6 : i32
      %add3A_417 = arith.addi %mul3A_415, %add3A_416 : i32
      %get3A_418 = arith.index_cast %add3A_417 : i32 to index
      %get3A_419 = arith.constant 0 : index
      %get3A_420 = tpu.vector_load %arg9[%get3A_418, %get3A_419] {strides = array<i32>} : memref<1032x16xf32, #tpu.memory_space<vmem>>, vector<1x16xf32>,
      %get3A_421 = vector.shape_cast %get3A_420 : vector<1x16xf32> to vector<16xf32>
      %add3A_422 = arith.constant 1.000000e-16 : f32
      %add3A_423 = vector.broadcast %add3A_422 : f32 to vector<16xf32>
      %add3A_424 = arith.addf %get3A_421, %add3A_423 : vector<16xf32>
      %div3A_425 = arith.constant 1.000000e+00 : f32
      %div3A_426 = vector.broadcast %div3A_425 : f32 to vector<16xf32>
      %div3A_427 = arith.divf %div3A_426, %add3A_424 : vector<16xf32>
      %get3A_428 = arith.index_cast %add3A_417 : i32 to index
      %get3A_429 = arith.constant 0 : index
      %get3A_430 = tpu.vector_load %arg8[%get3A_428, %get3A_429] {strides = array<i32>} : memref<1032x32xf32, #tpu.memory_space<vmem>>, vector<1x16xf32>,
      %get3A_431 = vector.shape_cast %get3A_430 : vector<1x16xf32> to vector<16xf32>
      %mul3A_432 = arith.mulf %get3A_431, %div3A_427 : vector<16xf32>
      %swap3A_433 = arith.index_cast %add3A_417 : i32 to index
      %swap3A_434 = arith.constant 0 : index
      %swap3A_435 = tpu.vector_load %arg8[%swap3A_433, %swap3A_434] {strides = array<i32>} : memref<1032x32xf32, #tpu.memory_space<vmem>>, vector<1x16xf32>,
      %swap3A_436 = vector.shape_cast %swap3A_435 : vector<1x16xf32> to vector<16xf32>
      %swap3A_437 = vector.shape_cast %mul3A_432 : vector<16xf32> to vector<1x16xf32>
      tpu.vector_store %arg8[%swap3A_433, %swap3A_434], %swap3A_437 {strides = array<i32>} : memref<1032x32xf32, #tpu.memory_space<vmem>>, vector<1x16xf32>,
      %get3A_438 = arith.index_cast %add3A_417 : i32 to index
      %get3A_439 = arith.constant 16 : index
      %get3A_440 = tpu.vector_load %arg8[%get3A_438, %get3A_439] {strides = array<i32>} : memref<1032x32xf32, #tpu.memory_space<vmem>>, vector<1x16xf32>,
      %get3A_441 = vector.shape_cast %get3A_440 : vector<1x16xf32> to vector<16xf32>
      %mul3A_442 = arith.mulf %get3A_441, %div3A_427 : vector<16xf32>
      %swap3A_443 = arith.index_cast %add3A_417 : i32 to index
      %swap3A_444 = arith.constant 16 : index
      %swap3A_445 = tpu.vector_load %arg8[%swap3A_443, %swap3A_444] {strides = array<i32>} : memref<1032x32xf32, #tpu.memory_space<vmem>>, vector<1x16xf32>,
      %swap3A_446 = vector.shape_cast %swap3A_445 : vector<1x16xf32> to vector<16xf32>
      %swap3A_447 = vector.shape_cast %mul3A_442 : vector<16xf32> to vector<1x16xf32>
      tpu.vector_store %arg8[%swap3A_443, %swap3A_444], %swap3A_447 {strides = array<i32>} : memref<1032x32xf32, #tpu.memory_space<vmem>>, vector<1x16xf32>,
      %mul3A_448 = arith.constant 8 : i32
      %mul3A_449 = arith.muli %scan3A_210, %mul3A_448 : i32
      %add3A_450 = arith.constant 7 : i32
      %add3A_451 = arith.addi %mul3A_449, %add3A_450 : i32
      %get3A_452 = arith.index_cast %add3A_451 : i32 to index
      %get3A_453 = arith.constant 0 : index
      %get3A_454 = tpu.vector_load %arg9[%get3A_452, %get3A_453] {strides = array<i32>} : memref<1032x16xf32, #tpu.memory_space<vmem>>, vector<1x16xf32>,
      %get3A_455 = vector.shape_cast %get3A_454 : vector<1x16xf32> to vector<16xf32>
      %add3A_456 = arith.constant 1.000000e-16 : f32
      %add3A_457 = vector.broadcast %add3A_456 : f32 to vector<16xf32>
      %add3A_458 = arith.addf %get3A_455, %add3A_457 : vector<16xf32>
      %div3A_459 = arith.constant 1.000000e+00 : f32
      %div3A_460 = vector.broadcast %div3A_459 : f32 to vector<16xf32>
      %div3A_461 = arith.divf %div3A_460, %add3A_458 : vector<16xf32>
      %get3A_462 = arith.index_cast %add3A_451 : i32 to index
      %get3A_463 = arith.constant 0 : index
      %get3A_464 = tpu.vector_load %arg8[%get3A_462, %get3A_463] {strides = array<i32>} : memref<1032x32xf32, #tpu.memory_space<vmem>>, vector<1x16xf32>,
      %get3A_465 = vector.shape_cast %get3A_464 : vector<1x16xf32> to vector<16xf32>
      %mul3A_466 = arith.mulf %get3A_465, %div3A_461 : vector<16xf32>
      %swap3A_467 = arith.index_cast %add3A_451 : i32 to index
      %swap3A_468 = arith.constant 0 : index
      %swap3A_469 = tpu.vector_load %arg8[%swap3A_467, %swap3A_468] {strides = array<i32>} : memref<1032x32xf32, #tpu.memory_space<vmem>>, vector<1x16xf32>,
      %swap3A_470 = vector.shape_cast %swap3A_469 : vector<1x16xf32> to vector<16xf32>
      %swap3A_471 = vector.shape_cast %mul3A_466 : vector<16xf32> to vector<1x16xf32>
      tpu.vector_store %arg8[%swap3A_467, %swap3A_468], %swap3A_471 {strides = array<i32>} : memref<1032x32xf32, #tpu.memory_space<vmem>>, vector<1x16xf32>,
      %get3A_472 = arith.index_cast %add3A_451 : i32 to index
      %get3A_473 = arith.constant 16 : index
      %get3A_474 = tpu.vector_load %arg8[%get3A_472, %get3A_473] {strides = array<i32>} : memref<1032x32xf32, #tpu.memory_space<vmem>>, vector<1x16xf32>,
      %get3A_475 = vector.shape_cast %get3A_474 : vector<1x16xf32> to vector<16xf32>
      %mul3A_476 = arith.mulf %get3A_475, %div3A_461 : vector<16xf32>
      %swap3A_477 = arith.index_cast %add3A_451 : i32 to index
      %swap3A_478 = arith.constant 16 : index
      %swap3A_479 = tpu.vector_load %arg8[%swap3A_477, %swap3A_478] {strides = array<i32>} : memref<1032x32xf32, #tpu.memory_space<vmem>>, vector<1x16xf32>,
      %swap3A_480 = vector.shape_cast %swap3A_479 : vector<1x16xf32> to vector<16xf32>
      %swap3A_481 = vector.shape_cast %mul3A_476 : vector<16xf32> to vector<1x16xf32>
      tpu.vector_store %arg8[%swap3A_477, %swap3A_478], %swap3A_481 {strides = array<i32>} : memref<1032x32xf32, #tpu.memory_space<vmem>>, vector<1x16xf32>,
      %scan3A_482 = arith.constant 0 : i32
      scf.yield %scan3A_482 : i32
    }
    %scan3A_157 = arith.constant 129 : i32
    "tpu.region"() ({
      %run_scoped3A = tpu.sem_alloc : memref<!tpu.dma_semaphore, #tpu.memory_space<semaphore_mem>>
      %dma_start3A_210 = arith.constant 0 : i32
      %dma_start3A_211 = tpu.memref_slice %arg10[%mul3A_2, %dma_start3A_210] : memref<16512x32xf32, #tpu.memory_space<vmem_shared>> -> memref<1032x32xf32, #tpu.memory_space<vmem_shared>>
      %dma_start3A_212 = arith.constant 0 : i32
      %dma_start3A_213 = tpu.memref_slice %arg10[%mul3A_2, %dma_start3A_212] : memref<16512x32xf32, #tpu.memory_space<vmem_shared>> -> memref<1032x32xf32, #tpu.memory_space<vmem_shared>>
      tpu.enqueue_dma source(%arg8 : memref<1032x32xf32, #tpu.memory_space<vmem>>) target(%dma_start3A_213 : memref<1032x32xf32, #tpu.memory_space<vmem_shared>>) target_semaphore(%run_scoped3A : memref<!tpu.dma_semaphore, #tpu.memory_space<semaphore_mem>>)
      %dma_wait3A_214 = arith.constant 0 : i32
      %dma_wait3A_215 = tpu.memref_slice %arg10[%mul3A_2, %dma_wait3A_214] : memref<16512x32xf32, #tpu.memory_space<vmem_shared>> -> memref<1032x32xf32, #tpu.memory_space<vmem_shared>>
      %dma_wait3A_216 = arith.constant 0 : i32
      %dma_wait3A_217 = tpu.memref_slice %arg10[%mul3A_2, %dma_wait3A_216] : memref<16512x32xf32, #tpu.memory_space<vmem_shared>> -> memref<1032x32xf32, #tpu.memory_space<vmem_shared>>
      tpu.wait_dma2 semaphore(%run_scoped3A : memref<!tpu.dma_semaphore, #tpu.memory_space<semaphore_mem>>) src(%arg8 : memref<1032x32xf32, #tpu.memory_space<vmem>>) dst(%dma_wait3A_217 : memref<1032x32xf32, #tpu.memory_space<vmem_shared>>)
      tpu.yield
    }) : () -> ()
    %barrier3A_158 = arith.constant 0 : index
    tpu.barrier barrier_id(%barrier3A_158)
    %add3A_159 = arith.constant 0 : i32
    %add3A_160 = arith.addi %arg1, %add3A_159 : i32
    %dma_start3A_161 = arith.constant 0 : i32
    %dma_start3A_162 = arith.constant 0 : i32
    %dma_start3A_163 = tpu.memref_slice %arg6[%dma_start3A_161, %dma_start3A_162] : memref<8x128xi32, #tpu.memory_space<vmem>> -> memref<4x128xi32, #tpu.memory_space<vmem>>
    %dma_start3A_164 = arith.constant 0 : i32
    %dma_start3A_165 = arith.constant 0 : i32
    %dma_start3A_166 = tpu.memref_slice %arg3[%add3A_160, %dma_start3A_164, %dma_start3A_165] : memref<525x4x128xi32, #tpu.memory_space<hbm>> -> memref<1x4x128xi32, #tpu.memory_space<hbm>>
    %dma_start3A_167 = tpu.memref_squeeze %dma_start3A_166 : memref<1x4x128xi32, #tpu.memory_space<hbm>> -> memref<4x128xi32, #tpu.memory_space<hbm>>
    %dma_start3A_168 = arith.constant 0 : i32
    %dma_start3A_169 = arith.constant 0 : i32
    %dma_start3A_170 = tpu.memref_slice %arg6[%dma_start3A_168, %dma_start3A_169] : memref<8x128xi32, #tpu.memory_space<vmem>> -> memref<4x128xi32, #tpu.memory_space<vmem>>
    %dma_start3A_171 = arith.constant 0 : i32
    %dma_start3A_172 = arith.constant 0 : i32
    %dma_start3A_173 = tpu.memref_slice %arg3[%add3A_160, %dma_start3A_171, %dma_start3A_172] : memref<525x4x128xi32, #tpu.memory_space<hbm>> -> memref<1x4x128xi32, #tpu.memory_space<hbm>>
    %dma_start3A_174 = tpu.memref_squeeze %dma_start3A_173 : memref<1x4x128xi32, #tpu.memory_space<hbm>> -> memref<4x128xi32, #tpu.memory_space<hbm>>
    tpu.enqueue_dma source(%dma_start3A_174 : memref<4x128xi32, #tpu.memory_space<hbm>>) target(%dma_start3A_170 : memref<4x128xi32, #tpu.memory_space<vmem>>) target_semaphore(%arg12 : memref<!tpu.dma_semaphore, #tpu.memory_space<semaphore_mem>>)
    %while3A_175 = arith.constant 0 : i32
    %while3A_176 = arith.constant 0 : i32
    %while3A_177 = arith.subi %select_n3A, %while3A_175 : i32
    %while3A_178 = arith.addi %while3A_175, %while3A_177 : i32
    %while3A_179 = arith.constant 1 : i32
    %while3A_180 = arith.divsi %while3A_177, %while3A_179 : i32
    %while3A_181 = arith.muli %while3A_180, %while3A_179 : i32
    %while3A_182 = arith.addi %while3A_175, %while3A_181 : i32
    %while3A_183 = arith.constant 1 : i32
    %while3A_184 = scf.for %while3A_210 = %while3A_175 to %while3A_182 step %while3A_183 iter_args(%while3A_211 = %while3A_176) -> (i32)  : i32 {
      %rem3A_212 = arith.constant 2 : i32
      %rem3A_213 = arith.remsi %while3A_210, %rem3A_212 : i32
      %mul3A_214 = arith.constant 4 : i32
      %mul3A_215 = arith.muli %rem3A_213, %mul3A_214 : i32
      %dma_wait3A_216 = arith.constant 0 : i32
      %dma_wait3A_217 = arith.constant 0 : i32
      %dma_wait3A_218 = tpu.memref_slice %arg6[%mul3A_215, %dma_wait3A_217] : memref<8x128xi32, #tpu.memory_space<vmem>> -> memref<4x128xi32, #tpu.memory_space<vmem>>
      %dma_wait3A_219 = arith.constant 0 : i32
      %dma_wait3A_220 = arith.constant 0 : i32
      %dma_wait3A_221 = tpu.memref_slice %arg3[%dma_wait3A_216, %dma_wait3A_219, %dma_wait3A_220] : memref<525x4x128xi32, #tpu.memory_space<hbm>> -> memref<1x4x128xi32, #tpu.memory_space<hbm>>
      %dma_wait3A_222 = tpu.memref_squeeze %dma_wait3A_221 : memref<1x4x128xi32, #tpu.memory_space<hbm>> -> memref<4x128xi32, #tpu.memory_space<hbm>>
      %dma_wait3A_223 = arith.constant 0 : i32
      %dma_wait3A_224 = tpu.memref_slice %arg6[%mul3A_215, %dma_wait3A_223] : memref<8x128xi32, #tpu.memory_space<vmem>> -> memref<4x128xi32, #tpu.memory_space<vmem>>
      %dma_wait3A_225 = arith.constant 0 : i32
      %dma_wait3A_226 = arith.constant 0 : i32
      %dma_wait3A_227 = tpu.memref_slice %arg3[%dma_wait3A_216, %dma_wait3A_225, %dma_wait3A_226] : memref<525x4x128xi32, #tpu.memory_space<hbm>> -> memref<1x4x128xi32, #tpu.memory_space<hbm>>
      %dma_wait3A_228 = tpu.memref_squeeze %dma_wait3A_227 : memref<1x4x128xi32, #tpu.memory_space<hbm>> -> memref<4x128xi32, #tpu.memory_space<hbm>>
      tpu.wait_dma2 semaphore(%arg12 : memref<!tpu.dma_semaphore, #tpu.memory_space<semaphore_mem>>) src(%dma_wait3A_228 : memref<4x128xi32, #tpu.memory_space<hbm>>) dst(%dma_wait3A_224 : memref<4x128xi32, #tpu.memory_space<vmem>>)
      %add3A_229 = arith.constant 1 : i32
      %add3A_230 = arith.addi %while3A_210, %add3A_229 : i32
      %lt3A = arith.cmpi slt, %add3A_230, %select_n3A : i32
      %convert_element_type3A_231 = arith.extui %lt3A : i1 to i32
      %cond3A_232 = arith.constant 0 : i32
      %cond3A_233 = arith.cmpi ne, %convert_element_type3A_231, %cond3A_232 : i32
      scf.if %cond3A_233 {
        %add3A_345 = arith.constant 1 : i32
        %add3A_346 = arith.addi %while3A_210, %add3A_345 : i32
        %sub3A_347 = arith.constant 1 : i32
        %sub3A_348 = arith.subi %sub3A_347, %rem3A_213 : i32
        %mul3A_349 = arith.constant 16 : i32
        %mul3A_350 = arith.muli %add3A_346, %mul3A_349 : i32
        %add3A_351 = arith.addi %arg1, %mul3A_350 : i32
        %mul3A_352 = arith.constant 4 : i32
        %mul3A_353 = arith.muli %sub3A_348, %mul3A_352 : i32
        %dma_start3A_354 = arith.constant 0 : i32
        %dma_start3A_355 = tpu.memref_slice %arg6[%mul3A_353, %dma_start3A_354] : memref<8x128xi32, #tpu.memory_space<vmem>> -> memref<4x128xi32, #tpu.memory_space<vmem>>
        %dma_start3A_356 = arith.constant 0 : i32
        %dma_start3A_357 = arith.constant 0 : i32
        %dma_start3A_358 = tpu.memref_slice %arg3[%add3A_351, %dma_start3A_356, %dma_start3A_357] : memref<525x4x128xi32, #tpu.memory_space<hbm>> -> memref<1x4x128xi32, #tpu.memory_space<hbm>>
        %dma_start3A_359 = tpu.memref_squeeze %dma_start3A_358 : memref<1x4x128xi32, #tpu.memory_space<hbm>> -> memref<4x128xi32, #tpu.memory_space<hbm>>
        %dma_start3A_360 = arith.constant 0 : i32
        %dma_start3A_361 = tpu.memref_slice %arg6[%mul3A_353, %dma_start3A_360] : memref<8x128xi32, #tpu.memory_space<vmem>> -> memref<4x128xi32, #tpu.memory_space<vmem>>
        %dma_start3A_362 = arith.constant 0 : i32
        %dma_start3A_363 = arith.constant 0 : i32
        %dma_start3A_364 = tpu.memref_slice %arg3[%add3A_351, %dma_start3A_362, %dma_start3A_363] : memref<525x4x128xi32, #tpu.memory_space<hbm>> -> memref<1x4x128xi32, #tpu.memory_space<hbm>>
        %dma_start3A_365 = tpu.memref_squeeze %dma_start3A_364 : memref<1x4x128xi32, #tpu.memory_space<hbm>> -> memref<4x128xi32, #tpu.memory_space<hbm>>
        tpu.enqueue_dma source(%dma_start3A_365 : memref<4x128xi32, #tpu.memory_space<hbm>>) target(%dma_start3A_361 : memref<4x128xi32, #tpu.memory_space<vmem>>) target_semaphore(%arg12 : memref<!tpu.dma_semaphore, #tpu.memory_space<semaphore_mem>>)
      } else {
      }
      %gt3A = arith.constant 1 : i32
      %gt3A_234 = arith.cmpi sgt, %while3A_210, %gt3A : i32
      %convert_element_type3A_235 = arith.extui %gt3A_234 : i1 to i32
      %cond3A_236 = arith.constant 0 : i32
      %cond3A_237 = arith.cmpi ne, %convert_element_type3A_235, %cond3A_236 : i32
      scf.if %cond3A_237 {
        %eq3A_345 = arith.constant 0 : i32
        %eq3A_346 = arith.cmpi eq, %rem3A_213, %eq3A_345 : i32
        %convert_element_type3A_347 = arith.extui %eq3A_346 : i1 to i32
        %cond3A_348 = arith.constant 0 : i32
        %cond3A_349 = arith.cmpi ne, %convert_element_type3A_347, %cond3A_348 : i32
        scf.if %cond3A_349 {
          %dma_wait3A_355 = arith.constant 0 : i32
          %dma_wait3A_356 = arith.constant 0 : i32
          %dma_wait3A_357 = tpu.memref_slice %arg8[%dma_wait3A_355, %dma_wait3A_356] : memref<1032x32xf32, #tpu.memory_space<vmem>> -> memref<512x32xf32, #tpu.memory_space<vmem>>
          %dma_wait3A_358 = arith.constant 0 : i32
          %dma_wait3A_359 = arith.constant 0 : i32
          %dma_wait3A_360 = tpu.memref_slice %arg5[%dma_wait3A_358, %dma_wait3A_359] : memref<268435x64xf32, #tpu.memory_space<hbm>> -> memref<512x32xf32, #tpu.memory_space<hbm>>
          %dma_wait3A_361 = arith.constant 0 : i32
          %dma_wait3A_362 = arith.constant 0 : i32
          %dma_wait3A_363 = tpu.memref_slice %arg5[%dma_wait3A_361, %dma_wait3A_362] : memref<268435x64xf32, #tpu.memory_space<hbm>> -> memref<512x32xf32, #tpu.memory_space<hbm>>
          %dma_wait3A_364 = arith.constant 0 : i32
          %dma_wait3A_365 = arith.constant 0 : i32
          %dma_wait3A_366 = tpu.memref_slice %arg8[%dma_wait3A_364, %dma_wait3A_365] : memref<1032x32xf32, #tpu.memory_space<vmem>> -> memref<512x32xf32, #tpu.memory_space<vmem>>
          tpu.wait_dma2 semaphore(%arg16 : memref<!tpu.dma_semaphore, #tpu.memory_space<semaphore_mem>>) src(%dma_wait3A_366 : memref<512x32xf32, #tpu.memory_space<vmem>>) dst(%dma_wait3A_363 : memref<512x32xf32, #tpu.memory_space<hbm>>)
        } else {
        }
        %eq3A_350 = arith.constant 1 : i32
        %eq3A_351 = arith.cmpi eq, %rem3A_213, %eq3A_350 : i32
        %convert_element_type3A_352 = arith.extui %eq3A_351 : i1 to i32
        %cond3A_353 = arith.constant 0 : i32
        %cond3A_354 = arith.cmpi ne, %convert_element_type3A_352, %cond3A_353 : i32
        scf.if %cond3A_354 {
          %dma_wait3A_355 = arith.constant 0 : i32
          %dma_wait3A_356 = arith.constant 0 : i32
          %dma_wait3A_357 = tpu.memref_slice %arg8[%dma_wait3A_355, %dma_wait3A_356] : memref<1032x32xf32, #tpu.memory_space<vmem>> -> memref<512x32xf32, #tpu.memory_space<vmem>>
          %dma_wait3A_358 = arith.constant 0 : i32
          %dma_wait3A_359 = arith.constant 0 : i32
          %dma_wait3A_360 = tpu.memref_slice %arg5[%dma_wait3A_358, %dma_wait3A_359] : memref<268435x64xf32, #tpu.memory_space<hbm>> -> memref<512x32xf32, #tpu.memory_space<hbm>>
          %dma_wait3A_361 = arith.constant 0 : i32
          %dma_wait3A_362 = arith.constant 0 : i32
          %dma_wait3A_363 = tpu.memref_slice %arg5[%dma_wait3A_361, %dma_wait3A_362] : memref<268435x64xf32, #tpu.memory_space<hbm>> -> memref<512x32xf32, #tpu.memory_space<hbm>>
          %dma_wait3A_364 = arith.constant 0 : i32
          %dma_wait3A_365 = arith.constant 0 : i32
          %dma_wait3A_366 = tpu.memref_slice %arg8[%dma_wait3A_364, %dma_wait3A_365] : memref<1032x32xf32, #tpu.memory_space<vmem>> -> memref<512x32xf32, #tpu.memory_space<vmem>>
          tpu.wait_dma2 semaphore(%arg17 : memref<!tpu.dma_semaphore, #tpu.memory_space<semaphore_mem>>) src(%dma_wait3A_366 : memref<512x32xf32, #tpu.memory_space<vmem>>) dst(%dma_wait3A_363 : memref<512x32xf32, #tpu.memory_space<hbm>>)
        } else {
        }
      } else {
      }
      %mul3A_238 = arith.constant 4 : i32
      %mul3A_239 = arith.muli %rem3A_213, %mul3A_238 : i32
      %add3A_240 = arith.constant 0 : i32
      %add3A_241 = arith.addi %mul3A_239, %add3A_240 : i32
      %mul3A_242 = arith.constant 512 : i32
      %mul3A_243 = arith.muli %rem3A_213, %mul3A_242 : i32
      %add3A_244 = arith.constant 0 : i32
      %add3A_245 = arith.addi %mul3A_243, %add3A_244 : i32
      %dma_start3A_246 = arith.constant 0 : i32
      %dma_start3A_247 = tpu.memref_slice %arg8[%add3A_245, %dma_start3A_246] : memref<1032x32xf32, #tpu.memory_space<vmem>> -> memref<128x32xf32, #tpu.memory_space<vmem>>
      %dma_start3A_248 = arith.constant 0 : i32
      %dma_start3A_249 = tpu.memref_slice %arg6[%add3A_241, %dma_start3A_248] : memref<8x128xi32, #tpu.memory_space<vmem>> -> memref<1x128xi32, #tpu.memory_space<vmem>>
      %dma_start3A_250 = tpu.memref_squeeze %dma_start3A_249 : memref<1x128xi32, #tpu.memory_space<vmem>> -> memref<128xi32, #tpu.memory_space<vmem>>
      %dma_start3A_251 = arith.constant 0 : i32
      %dma_start3A_252 = arith.constant 0 : i32
      %dma_start3A_253 = tpu.memref_slice %arg10[%dma_start3A_251, %dma_start3A_252] : memref<16512x32xf32, #tpu.memory_space<vmem_shared>> -> memref<16512x32xf32, #tpu.memory_space<vmem_shared>>
      tpu.enqueue_indirect_dma source(%dma_start3A_253 : memref<16512x32xf32, #tpu.memory_space<vmem_shared>>) target(%dma_start3A_247 : memref<128x32xf32, #tpu.memory_space<vmem>>) offsets(%dma_start3A_250 : memref<128xi32, #tpu.memory_space<vmem>>) semaphore(%arg15 : memref<!tpu.dma_semaphore, #tpu.memory_space<semaphore_mem>>)
      %mul3A_254 = arith.constant 4 : i32
      %mul3A_255 = arith.muli %rem3A_213, %mul3A_254 : i32
      %add3A_256 = arith.constant 1 : i32
      %add3A_257 = arith.addi %mul3A_255, %add3A_256 : i32
      %mul3A_258 = arith.constant 512 : i32
      %mul3A_259 = arith.muli %rem3A_213, %mul3A_258 : i32
      %add3A_260 = arith.constant 128 : i32
      %add3A_261 = arith.addi %mul3A_259, %add3A_260 : i32
      %dma_start3A_262 = arith.constant 0 : i32
      %dma_start3A_263 = tpu.memref_slice %arg8[%add3A_261, %dma_start3A_262] : memref<1032x32xf32, #tpu.memory_space<vmem>> -> memref<128x32xf32, #tpu.memory_space<vmem>>
      %dma_start3A_264 = arith.constant 0 : i32
      %dma_start3A_265 = tpu.memref_slice %arg6[%add3A_257, %dma_start3A_264] : memref<8x128xi32, #tpu.memory_space<vmem>> -> memref<1x128xi32, #tpu.memory_space<vmem>>
      %dma_start3A_266 = tpu.memref_squeeze %dma_start3A_265 : memref<1x128xi32, #tpu.memory_space<vmem>> -> memref<128xi32, #tpu.memory_space<vmem>>
      %dma_start3A_267 = arith.constant 0 : i32
      %dma_start3A_268 = arith.constant 0 : i32
      %dma_start3A_269 = tpu.memref_slice %arg10[%dma_start3A_267, %dma_start3A_268] : memref<16512x32xf32, #tpu.memory_space<vmem_shared>> -> memref<16512x32xf32, #tpu.memory_space<vmem_shared>>
      tpu.enqueue_indirect_dma source(%dma_start3A_269 : memref<16512x32xf32, #tpu.memory_space<vmem_shared>>) target(%dma_start3A_263 : memref<128x32xf32, #tpu.memory_space<vmem>>) offsets(%dma_start3A_266 : memref<128xi32, #tpu.memory_space<vmem>>) semaphore(%arg15 : memref<!tpu.dma_semaphore, #tpu.memory_space<semaphore_mem>>)
      %mul3A_270 = arith.constant 4 : i32
      %mul3A_271 = arith.muli %rem3A_213, %mul3A_270 : i32
      %add3A_272 = arith.constant 2 : i32
      %add3A_273 = arith.addi %mul3A_271, %add3A_272 : i32
      %mul3A_274 = arith.constant 512 : i32
      %mul3A_275 = arith.muli %rem3A_213, %mul3A_274 : i32
      %add3A_276 = arith.constant 256 : i32
      %add3A_277 = arith.addi %mul3A_275, %add3A_276 : i32
      %dma_start3A_278 = arith.constant 0 : i32
      %dma_start3A_279 = tpu.memref_slice %arg8[%add3A_277, %dma_start3A_278] : memref<1032x32xf32, #tpu.memory_space<vmem>> -> memref<128x32xf32, #tpu.memory_space<vmem>>
      %dma_start3A_280 = arith.constant 0 : i32
      %dma_start3A_281 = tpu.memref_slice %arg6[%add3A_273, %dma_start3A_280] : memref<8x128xi32, #tpu.memory_space<vmem>> -> memref<1x128xi32, #tpu.memory_space<vmem>>
      %dma_start3A_282 = tpu.memref_squeeze %dma_start3A_281 : memref<1x128xi32, #tpu.memory_space<vmem>> -> memref<128xi32, #tpu.memory_space<vmem>>
      %dma_start3A_283 = arith.constant 0 : i32
      %dma_start3A_284 = arith.constant 0 : i32
      %dma_start3A_285 = tpu.memref_slice %arg10[%dma_start3A_283, %dma_start3A_284] : memref<16512x32xf32, #tpu.memory_space<vmem_shared>> -> memref<16512x32xf32, #tpu.memory_space<vmem_shared>>
      tpu.enqueue_indirect_dma source(%dma_start3A_285 : memref<16512x32xf32, #tpu.memory_space<vmem_shared>>) target(%dma_start3A_279 : memref<128x32xf32, #tpu.memory_space<vmem>>) offsets(%dma_start3A_282 : memref<128xi32, #tpu.memory_space<vmem>>) semaphore(%arg15 : memref<!tpu.dma_semaphore, #tpu.memory_space<semaphore_mem>>)
      %mul3A_286 = arith.constant 4 : i32
      %mul3A_287 = arith.muli %rem3A_213, %mul3A_286 : i32
      %add3A_288 = arith.constant 3 : i32
      %add3A_289 = arith.addi %mul3A_287, %add3A_288 : i32
      %mul3A_290 = arith.constant 512 : i32
      %mul3A_291 = arith.muli %rem3A_213, %mul3A_290 : i32
      %add3A_292 = arith.constant 384 : i32
      %add3A_293 = arith.addi %mul3A_291, %add3A_292 : i32
      %dma_start3A_294 = arith.constant 0 : i32
      %dma_start3A_295 = tpu.memref_slice %arg8[%add3A_293, %dma_start3A_294] : memref<1032x32xf32, #tpu.memory_space<vmem>> -> memref<128x32xf32, #tpu.memory_space<vmem>>
      %dma_start3A_296 = arith.constant 0 : i32
      %dma_start3A_297 = tpu.memref_slice %arg6[%add3A_289, %dma_start3A_296] : memref<8x128xi32, #tpu.memory_space<vmem>> -> memref<1x128xi32, #tpu.memory_space<vmem>>
      %dma_start3A_298 = tpu.memref_squeeze %dma_start3A_297 : memref<1x128xi32, #tpu.memory_space<vmem>> -> memref<128xi32, #tpu.memory_space<vmem>>
      %dma_start3A_299 = arith.constant 0 : i32
      %dma_start3A_300 = arith.constant 0 : i32
      %dma_start3A_301 = tpu.memref_slice %arg10[%dma_start3A_299, %dma_start3A_300] : memref<16512x32xf32, #tpu.memory_space<vmem_shared>> -> memref<16512x32xf32, #tpu.memory_space<vmem_shared>>
      tpu.enqueue_indirect_dma source(%dma_start3A_301 : memref<16512x32xf32, #tpu.memory_space<vmem_shared>>) target(%dma_start3A_295 : memref<128x32xf32, #tpu.memory_space<vmem>>) offsets(%dma_start3A_298 : memref<128xi32, #tpu.memory_space<vmem>>) semaphore(%arg15 : memref<!tpu.dma_semaphore, #tpu.memory_space<semaphore_mem>>)
      %dma_wait3A_302 = arith.constant 0 : i32
      %dma_wait3A_303 = tpu.memref_slice %arg8[%add3A_245, %dma_wait3A_302] : memref<1032x32xf32, #tpu.memory_space<vmem>> -> memref<128x32xf32, #tpu.memory_space<vmem>>
      %dma_wait3A_304 = arith.constant 0 : i32
      %dma_wait3A_305 = tpu.memref_slice %arg6[%add3A_241, %dma_wait3A_304] : memref<8x128xi32, #tpu.memory_space<vmem>> -> memref<1x128xi32, #tpu.memory_space<vmem>>
      %dma_wait3A_306 = tpu.memref_squeeze %dma_wait3A_305 : memref<1x128xi32, #tpu.memory_space<vmem>> -> memref<128xi32, #tpu.memory_space<vmem>>
      %dma_wait3A_307 = arith.constant 0 : i32
      %dma_wait3A_308 = arith.constant 0 : i32
      %dma_wait3A_309 = tpu.memref_slice %arg10[%dma_wait3A_307, %dma_wait3A_308] : memref<16512x32xf32, #tpu.memory_space<vmem_shared>> -> memref<16512x32xf32, #tpu.memory_space<vmem_shared>>
      tpu.wait_indirect_dma semaphore(%arg15 : memref<!tpu.dma_semaphore, #tpu.memory_space<semaphore_mem>>) src(%dma_wait3A_309 : memref<16512x32xf32, #tpu.memory_space<vmem_shared>>) dst(%dma_wait3A_303 : memref<128x32xf32, #tpu.memory_space<vmem>>)
      %dma_wait3A_310 = arith.constant 0 : i32
      %dma_wait3A_311 = tpu.memref_slice %arg8[%add3A_261, %dma_wait3A_310] : memref<1032x32xf32, #tpu.memory_space<vmem>> -> memref<128x32xf32, #tpu.memory_space<vmem>>
      %dma_wait3A_312 = arith.constant 0 : i32
      %dma_wait3A_313 = tpu.memref_slice %arg6[%add3A_257, %dma_wait3A_312] : memref<8x128xi32, #tpu.memory_space<vmem>> -> memref<1x128xi32, #tpu.memory_space<vmem>>
      %dma_wait3A_314 = tpu.memref_squeeze %dma_wait3A_313 : memref<1x128xi32, #tpu.memory_space<vmem>> -> memref<128xi32, #tpu.memory_space<vmem>>
      %dma_wait3A_315 = arith.constant 0 : i32
      %dma_wait3A_316 = arith.constant 0 : i32
      %dma_wait3A_317 = tpu.memref_slice %arg10[%dma_wait3A_315, %dma_wait3A_316] : memref<16512x32xf32, #tpu.memory_space<vmem_shared>> -> memref<16512x32xf32, #tpu.memory_space<vmem_shared>>
      tpu.wait_indirect_dma semaphore(%arg15 : memref<!tpu.dma_semaphore, #tpu.memory_space<semaphore_mem>>) src(%dma_wait3A_317 : memref<16512x32xf32, #tpu.memory_space<vmem_shared>>) dst(%dma_wait3A_311 : memref<128x32xf32, #tpu.memory_space<vmem>>)
      %dma_wait3A_318 = arith.constant 0 : i32
      %dma_wait3A_319 = tpu.memref_slice %arg8[%add3A_277, %dma_wait3A_318] : memref<1032x32xf32, #tpu.memory_space<vmem>> -> memref<128x32xf32, #tpu.memory_space<vmem>>
      %dma_wait3A_320 = arith.constant 0 : i32
      %dma_wait3A_321 = tpu.memref_slice %arg6[%add3A_273, %dma_wait3A_320] : memref<8x128xi32, #tpu.memory_space<vmem>> -> memref<1x128xi32, #tpu.memory_space<vmem>>
      %dma_wait3A_322 = tpu.memref_squeeze %dma_wait3A_321 : memref<1x128xi32, #tpu.memory_space<vmem>> -> memref<128xi32, #tpu.memory_space<vmem>>
      %dma_wait3A_323 = arith.constant 0 : i32
      %dma_wait3A_324 = arith.constant 0 : i32
      %dma_wait3A_325 = tpu.memref_slice %arg10[%dma_wait3A_323, %dma_wait3A_324] : memref<16512x32xf32, #tpu.memory_space<vmem_shared>> -> memref<16512x32xf32, #tpu.memory_space<vmem_shared>>
      tpu.wait_indirect_dma semaphore(%arg15 : memref<!tpu.dma_semaphore, #tpu.memory_space<semaphore_mem>>) src(%dma_wait3A_325 : memref<16512x32xf32, #tpu.memory_space<vmem_shared>>) dst(%dma_wait3A_319 : memref<128x32xf32, #tpu.memory_space<vmem>>)
      %dma_wait3A_326 = arith.constant 0 : i32
      %dma_wait3A_327 = tpu.memref_slice %arg8[%add3A_293, %dma_wait3A_326] : memref<1032x32xf32, #tpu.memory_space<vmem>> -> memref<128x32xf32, #tpu.memory_space<vmem>>
      %dma_wait3A_328 = arith.constant 0 : i32
      %dma_wait3A_329 = tpu.memref_slice %arg6[%add3A_289, %dma_wait3A_328] : memref<8x128xi32, #tpu.memory_space<vmem>> -> memref<1x128xi32, #tpu.memory_space<vmem>>
      %dma_wait3A_330 = tpu.memref_squeeze %dma_wait3A_329 : memref<1x128xi32, #tpu.memory_space<vmem>> -> memref<128xi32, #tpu.memory_space<vmem>>
      %dma_wait3A_331 = arith.constant 0 : i32
      %dma_wait3A_332 = arith.constant 0 : i32
      %dma_wait3A_333 = tpu.memref_slice %arg10[%dma_wait3A_331, %dma_wait3A_332] : memref<16512x32xf32, #tpu.memory_space<vmem_shared>> -> memref<16512x32xf32, #tpu.memory_space<vmem_shared>>
      tpu.wait_indirect_dma semaphore(%arg15 : memref<!tpu.dma_semaphore, #tpu.memory_space<semaphore_mem>>) src(%dma_wait3A_333 : memref<16512x32xf32, #tpu.memory_space<vmem_shared>>) dst(%dma_wait3A_327 : memref<128x32xf32, #tpu.memory_space<vmem>>)
      %eq3A_334 = arith.constant 0 : i32
      %eq3A_335 = arith.cmpi eq, %rem3A_213, %eq3A_334 : i32
      %convert_element_type3A_336 = arith.extui %eq3A_335 : i1 to i32
      %cond3A_337 = arith.constant 0 : i32
      %cond3A_338 = arith.cmpi ne, %convert_element_type3A_336, %cond3A_337 : i32
      scf.if %cond3A_338 {
        %mul3A_345 = arith.constant 512 : i32
        %mul3A_346 = arith.muli %rem3A_213, %mul3A_345 : i32
        %mul3A_347 = arith.constant 16 : i32
        %mul3A_348 = arith.muli %while3A_210, %mul3A_347 : i32
        %add3A_349 = arith.addi %arg1, %mul3A_348 : i32
        %mul3A_350 = arith.constant 512 : i32
        %mul3A_351 = arith.muli %add3A_349, %mul3A_350 : i32
        %min3A_352 = arith.constant 267923 : i32
        %min3A_353 = arith.minsi %mul3A_351, %min3A_352 : i32
        %dma_start3A_354 = arith.constant 0 : i32
        %dma_start3A_355 = tpu.memref_slice %arg8[%mul3A_346, %dma_start3A_354] : memref<1032x32xf32, #tpu.memory_space<vmem>> -> memref<512x32xf32, #tpu.memory_space<vmem>>
        %dma_start3A_356 = tpu.memref_slice %arg5[%min3A_353, %mul3A_0] : memref<268435x64xf32, #tpu.memory_space<hbm>> -> memref<512x32xf32, #tpu.memory_space<hbm>>
        %dma_start3A_357 = tpu.memref_slice %arg5[%min3A_353, %mul3A_0] : memref<268435x64xf32, #tpu.memory_space<hbm>> -> memref<512x32xf32, #tpu.memory_space<hbm>>
        %dma_start3A_358 = arith.constant 0 : i32
        %dma_start3A_359 = tpu.memref_slice %arg8[%mul3A_346, %dma_start3A_358] : memref<1032x32xf32, #tpu.memory_space<vmem>> -> memref<512x32xf32, #tpu.memory_space<vmem>>
        tpu.enqueue_dma source(%dma_start3A_359 : memref<512x32xf32, #tpu.memory_space<vmem>>) target(%dma_start3A_357 : memref<512x32xf32, #tpu.memory_space<hbm>>) target_semaphore(%arg16 : memref<!tpu.dma_semaphore, #tpu.memory_space<semaphore_mem>>)
      } else {
      }
      %eq3A_339 = arith.constant 1 : i32
      %eq3A_340 = arith.cmpi eq, %rem3A_213, %eq3A_339 : i32
      %convert_element_type3A_341 = arith.extui %eq3A_340 : i1 to i32
      %cond3A_342 = arith.constant 0 : i32
      %cond3A_343 = arith.cmpi ne, %convert_element_type3A_341, %cond3A_342 : i32
      scf.if %cond3A_343 {
        %mul3A_345 = arith.constant 512 : i32
        %mul3A_346 = arith.muli %rem3A_213, %mul3A_345 : i32
        %mul3A_347 = arith.constant 16 : i32
        %mul3A_348 = arith.muli %while3A_210, %mul3A_347 : i32
        %add3A_349 = arith.addi %arg1, %mul3A_348 : i32
        %mul3A_350 = arith.constant 512 : i32
        %mul3A_351 = arith.muli %add3A_349, %mul3A_350 : i32
        %min3A_352 = arith.constant 267923 : i32
        %min3A_353 = arith.minsi %mul3A_351, %min3A_352 : i32
        %dma_start3A_354 = arith.constant 0 : i32
        %dma_start3A_355 = tpu.memref_slice %arg8[%mul3A_346, %dma_start3A_354] : memref<1032x32xf32, #tpu.memory_space<vmem>> -> memref<512x32xf32, #tpu.memory_space<vmem>>
        %dma_start3A_356 = tpu.memref_slice %arg5[%min3A_353, %mul3A_0] : memref<268435x64xf32, #tpu.memory_space<hbm>> -> memref<512x32xf32, #tpu.memory_space<hbm>>
        %dma_start3A_357 = tpu.memref_slice %arg5[%min3A_353, %mul3A_0] : memref<268435x64xf32, #tpu.memory_space<hbm>> -> memref<512x32xf32, #tpu.memory_space<hbm>>
        %dma_start3A_358 = arith.constant 0 : i32
        %dma_start3A_359 = tpu.memref_slice %arg8[%mul3A_346, %dma_start3A_358] : memref<1032x32xf32, #tpu.memory_space<vmem>> -> memref<512x32xf32, #tpu.memory_space<vmem>>
        tpu.enqueue_dma source(%dma_start3A_359 : memref<512x32xf32, #tpu.memory_space<vmem>>) target(%dma_start3A_357 : memref<512x32xf32, #tpu.memory_space<hbm>>) target_semaphore(%arg17 : memref<!tpu.dma_semaphore, #tpu.memory_space<semaphore_mem>>)
      } else {
      }
      %while3A_344 = arith.constant 0 : i32
      scf.yield %while3A_344 : i32
    }
    %while3A_185 = arith.constant 1 : i32
    %while3A_186 = scf.for %while3A_210 = %while3A_182 to %while3A_178 step %while3A_185 iter_args(%while3A_211 = %while3A_184) -> (i32)  : i32 {
      %rem3A_212 = arith.constant 2 : i32
      %rem3A_213 = arith.remsi %while3A_210, %rem3A_212 : i32
      %mul3A_214 = arith.constant 4 : i32
      %mul3A_215 = arith.muli %rem3A_213, %mul3A_214 : i32
      %dma_wait3A_216 = arith.constant 0 : i32
      %dma_wait3A_217 = arith.constant 0 : i32
      %dma_wait3A_218 = tpu.memref_slice %arg6[%mul3A_215, %dma_wait3A_217] : memref<8x128xi32, #tpu.memory_space<vmem>> -> memref<4x128xi32, #tpu.memory_space<vmem>>
      %dma_wait3A_219 = arith.constant 0 : i32
      %dma_wait3A_220 = arith.constant 0 : i32
      %dma_wait3A_221 = tpu.memref_slice %arg3[%dma_wait3A_216, %dma_wait3A_219, %dma_wait3A_220] : memref<525x4x128xi32, #tpu.memory_space<hbm>> -> memref<1x4x128xi32, #tpu.memory_space<hbm>>
      %dma_wait3A_222 = tpu.memref_squeeze %dma_wait3A_221 : memref<1x4x128xi32, #tpu.memory_space<hbm>> -> memref<4x128xi32, #tpu.memory_space<hbm>>
      %dma_wait3A_223 = arith.constant 0 : i32
      %dma_wait3A_224 = tpu.memref_slice %arg6[%mul3A_215, %dma_wait3A_223] : memref<8x128xi32, #tpu.memory_space<vmem>> -> memref<4x128xi32, #tpu.memory_space<vmem>>
      %dma_wait3A_225 = arith.constant 0 : i32
      %dma_wait3A_226 = arith.constant 0 : i32
      %dma_wait3A_227 = tpu.memref_slice %arg3[%dma_wait3A_216, %dma_wait3A_225, %dma_wait3A_226] : memref<525x4x128xi32, #tpu.memory_space<hbm>> -> memref<1x4x128xi32, #tpu.memory_space<hbm>>
      %dma_wait3A_228 = tpu.memref_squeeze %dma_wait3A_227 : memref<1x4x128xi32, #tpu.memory_space<hbm>> -> memref<4x128xi32, #tpu.memory_space<hbm>>
      tpu.wait_dma2 semaphore(%arg12 : memref<!tpu.dma_semaphore, #tpu.memory_space<semaphore_mem>>) src(%dma_wait3A_228 : memref<4x128xi32, #tpu.memory_space<hbm>>) dst(%dma_wait3A_224 : memref<4x128xi32, #tpu.memory_space<vmem>>)
      %add3A_229 = arith.constant 1 : i32
      %add3A_230 = arith.addi %while3A_210, %add3A_229 : i32
      %lt3A = arith.cmpi slt, %add3A_230, %select_n3A : i32
      %convert_element_type3A_231 = arith.extui %lt3A : i1 to i32
      %cond3A_232 = arith.constant 0 : i32
      %cond3A_233 = arith.cmpi ne, %convert_element_type3A_231, %cond3A_232 : i32
      scf.if %cond3A_233 {
        %add3A_345 = arith.constant 1 : i32
        %add3A_346 = arith.addi %while3A_210, %add3A_345 : i32
        %sub3A_347 = arith.constant 1 : i32
        %sub3A_348 = arith.subi %sub3A_347, %rem3A_213 : i32
        %mul3A_349 = arith.constant 16 : i32
        %mul3A_350 = arith.muli %add3A_346, %mul3A_349 : i32
        %add3A_351 = arith.addi %arg1, %mul3A_350 : i32
        %mul3A_352 = arith.constant 4 : i32
        %mul3A_353 = arith.muli %sub3A_348, %mul3A_352 : i32
        %dma_start3A_354 = arith.constant 0 : i32
        %dma_start3A_355 = tpu.memref_slice %arg6[%mul3A_353, %dma_start3A_354] : memref<8x128xi32, #tpu.memory_space<vmem>> -> memref<4x128xi32, #tpu.memory_space<vmem>>
        %dma_start3A_356 = arith.constant 0 : i32
        %dma_start3A_357 = arith.constant 0 : i32
        %dma_start3A_358 = tpu.memref_slice %arg3[%add3A_351, %dma_start3A_356, %dma_start3A_357] : memref<525x4x128xi32, #tpu.memory_space<hbm>> -> memref<1x4x128xi32, #tpu.memory_space<hbm>>
        %dma_start3A_359 = tpu.memref_squeeze %dma_start3A_358 : memref<1x4x128xi32, #tpu.memory_space<hbm>> -> memref<4x128xi32, #tpu.memory_space<hbm>>
        %dma_start3A_360 = arith.constant 0 : i32
        %dma_start3A_361 = tpu.memref_slice %arg6[%mul3A_353, %dma_start3A_360] : memref<8x128xi32, #tpu.memory_space<vmem>> -> memref<4x128xi32, #tpu.memory_space<vmem>>
        %dma_start3A_362 = arith.constant 0 : i32
        %dma_start3A_363 = arith.constant 0 : i32
        %dma_start3A_364 = tpu.memref_slice %arg3[%add3A_351, %dma_start3A_362, %dma_start3A_363] : memref<525x4x128xi32, #tpu.memory_space<hbm>> -> memref<1x4x128xi32, #tpu.memory_space<hbm>>
        %dma_start3A_365 = tpu.memref_squeeze %dma_start3A_364 : memref<1x4x128xi32, #tpu.memory_space<hbm>> -> memref<4x128xi32, #tpu.memory_space<hbm>>
        tpu.enqueue_dma source(%dma_start3A_365 : memref<4x128xi32, #tpu.memory_space<hbm>>) target(%dma_start3A_361 : memref<4x128xi32, #tpu.memory_space<vmem>>) target_semaphore(%arg12 : memref<!tpu.dma_semaphore, #tpu.memory_space<semaphore_mem>>)
      } else {
      }
      %gt3A = arith.constant 1 : i32
      %gt3A_234 = arith.cmpi sgt, %while3A_210, %gt3A : i32
      %convert_element_type3A_235 = arith.extui %gt3A_234 : i1 to i32
      %cond3A_236 = arith.constant 0 : i32
      %cond3A_237 = arith.cmpi ne, %convert_element_type3A_235, %cond3A_236 : i32
      scf.if %cond3A_237 {
        %eq3A_345 = arith.constant 0 : i32
        %eq3A_346 = arith.cmpi eq, %rem3A_213, %eq3A_345 : i32
        %convert_element_type3A_347 = arith.extui %eq3A_346 : i1 to i32
        %cond3A_348 = arith.constant 0 : i32
        %cond3A_349 = arith.cmpi ne, %convert_element_type3A_347, %cond3A_348 : i32
        scf.if %cond3A_349 {
          %dma_wait3A_355 = arith.constant 0 : i32
          %dma_wait3A_356 = arith.constant 0 : i32
          %dma_wait3A_357 = tpu.memref_slice %arg8[%dma_wait3A_355, %dma_wait3A_356] : memref<1032x32xf32, #tpu.memory_space<vmem>> -> memref<512x32xf32, #tpu.memory_space<vmem>>
          %dma_wait3A_358 = arith.constant 0 : i32
          %dma_wait3A_359 = arith.constant 0 : i32
          %dma_wait3A_360 = tpu.memref_slice %arg5[%dma_wait3A_358, %dma_wait3A_359] : memref<268435x64xf32, #tpu.memory_space<hbm>> -> memref<512x32xf32, #tpu.memory_space<hbm>>
          %dma_wait3A_361 = arith.constant 0 : i32
          %dma_wait3A_362 = arith.constant 0 : i32
          %dma_wait3A_363 = tpu.memref_slice %arg5[%dma_wait3A_361, %dma_wait3A_362] : memref<268435x64xf32, #tpu.memory_space<hbm>> -> memref<512x32xf32, #tpu.memory_space<hbm>>
          %dma_wait3A_364 = arith.constant 0 : i32
          %dma_wait3A_365 = arith.constant 0 : i32
          %dma_wait3A_366 = tpu.memref_slice %arg8[%dma_wait3A_364, %dma_wait3A_365] : memref<1032x32xf32, #tpu.memory_space<vmem>> -> memref<512x32xf32, #tpu.memory_space<vmem>>
          tpu.wait_dma2 semaphore(%arg16 : memref<!tpu.dma_semaphore, #tpu.memory_space<semaphore_mem>>) src(%dma_wait3A_366 : memref<512x32xf32, #tpu.memory_space<vmem>>) dst(%dma_wait3A_363 : memref<512x32xf32, #tpu.memory_space<hbm>>)
        } else {
        }
        %eq3A_350 = arith.constant 1 : i32
        %eq3A_351 = arith.cmpi eq, %rem3A_213, %eq3A_350 : i32
        %convert_element_type3A_352 = arith.extui %eq3A_351 : i1 to i32
        %cond3A_353 = arith.constant 0 : i32
        %cond3A_354 = arith.cmpi ne, %convert_element_type3A_352, %cond3A_353 : i32
        scf.if %cond3A_354 {
          %dma_wait3A_355 = arith.constant 0 : i32
          %dma_wait3A_356 = arith.constant 0 : i32
          %dma_wait3A_357 = tpu.memref_slice %arg8[%dma_wait3A_355, %dma_wait3A_356] : memref<1032x32xf32, #tpu.memory_space<vmem>> -> memref<512x32xf32, #tpu.memory_space<vmem>>
          %dma_wait3A_358 = arith.constant 0 : i32
          %dma_wait3A_359 = arith.constant 0 : i32
          %dma_wait3A_360 = tpu.memref_slice %arg5[%dma_wait3A_358, %dma_wait3A_359] : memref<268435x64xf32, #tpu.memory_space<hbm>> -> memref<512x32xf32, #tpu.memory_space<hbm>>
          %dma_wait3A_361 = arith.constant 0 : i32
          %dma_wait3A_362 = arith.constant 0 : i32
          %dma_wait3A_363 = tpu.memref_slice %arg5[%dma_wait3A_361, %dma_wait3A_362] : memref<268435x64xf32, #tpu.memory_space<hbm>> -> memref<512x32xf32, #tpu.memory_space<hbm>>
          %dma_wait3A_364 = arith.constant 0 : i32
          %dma_wait3A_365 = arith.constant 0 : i32
          %dma_wait3A_366 = tpu.memref_slice %arg8[%dma_wait3A_364, %dma_wait3A_365] : memref<1032x32xf32, #tpu.memory_space<vmem>> -> memref<512x32xf32, #tpu.memory_space<vmem>>
          tpu.wait_dma2 semaphore(%arg17 : memref<!tpu.dma_semaphore, #tpu.memory_space<semaphore_mem>>) src(%dma_wait3A_366 : memref<512x32xf32, #tpu.memory_space<vmem>>) dst(%dma_wait3A_363 : memref<512x32xf32, #tpu.memory_space<hbm>>)
        } else {
        }
      } else {
      }
      %mul3A_238 = arith.constant 4 : i32
      %mul3A_239 = arith.muli %rem3A_213, %mul3A_238 : i32
      %add3A_240 = arith.constant 0 : i32
      %add3A_241 = arith.addi %mul3A_239, %add3A_240 : i32
      %mul3A_242 = arith.constant 512 : i32
      %mul3A_243 = arith.muli %rem3A_213, %mul3A_242 : i32
      %add3A_244 = arith.constant 0 : i32
      %add3A_245 = arith.addi %mul3A_243, %add3A_244 : i32
      %dma_start3A_246 = arith.constant 0 : i32
      %dma_start3A_247 = tpu.memref_slice %arg8[%add3A_245, %dma_start3A_246] : memref<1032x32xf32, #tpu.memory_space<vmem>> -> memref<128x32xf32, #tpu.memory_space<vmem>>
      %dma_start3A_248 = arith.constant 0 : i32
      %dma_start3A_249 = tpu.memref_slice %arg6[%add3A_241, %dma_start3A_248] : memref<8x128xi32, #tpu.memory_space<vmem>> -> memref<1x128xi32, #tpu.memory_space<vmem>>
      %dma_start3A_250 = tpu.memref_squeeze %dma_start3A_249 : memref<1x128xi32, #tpu.memory_space<vmem>> -> memref<128xi32, #tpu.memory_space<vmem>>
      %dma_start3A_251 = arith.constant 0 : i32
      %dma_start3A_252 = arith.constant 0 : i32
      %dma_start3A_253 = tpu.memref_slice %arg10[%dma_start3A_251, %dma_start3A_252] : memref<16512x32xf32, #tpu.memory_space<vmem_shared>> -> memref<16512x32xf32, #tpu.memory_space<vmem_shared>>
      tpu.enqueue_indirect_dma source(%dma_start3A_253 : memref<16512x32xf32, #tpu.memory_space<vmem_shared>>) target(%dma_start3A_247 : memref<128x32xf32, #tpu.memory_space<vmem>>) offsets(%dma_start3A_250 : memref<128xi32, #tpu.memory_space<vmem>>) semaphore(%arg15 : memref<!tpu.dma_semaphore, #tpu.memory_space<semaphore_mem>>)
      %mul3A_254 = arith.constant 4 : i32
      %mul3A_255 = arith.muli %rem3A_213, %mul3A_254 : i32
      %add3A_256 = arith.constant 1 : i32
      %add3A_257 = arith.addi %mul3A_255, %add3A_256 : i32
      %mul3A_258 = arith.constant 512 : i32
      %mul3A_259 = arith.muli %rem3A_213, %mul3A_258 : i32
      %add3A_260 = arith.constant 128 : i32
      %add3A_261 = arith.addi %mul3A_259, %add3A_260 : i32
      %dma_start3A_262 = arith.constant 0 : i32
      %dma_start3A_263 = tpu.memref_slice %arg8[%add3A_261, %dma_start3A_262] : memref<1032x32xf32, #tpu.memory_space<vmem>> -> memref<128x32xf32, #tpu.memory_space<vmem>>
      %dma_start3A_264 = arith.constant 0 : i32
      %dma_start3A_265 = tpu.memref_slice %arg6[%add3A_257, %dma_start3A_264] : memref<8x128xi32, #tpu.memory_space<vmem>> -> memref<1x128xi32, #tpu.memory_space<vmem>>
      %dma_start3A_266 = tpu.memref_squeeze %dma_start3A_265 : memref<1x128xi32, #tpu.memory_space<vmem>> -> memref<128xi32, #tpu.memory_space<vmem>>
      %dma_start3A_267 = arith.constant 0 : i32
      %dma_start3A_268 = arith.constant 0 : i32
      %dma_start3A_269 = tpu.memref_slice %arg10[%dma_start3A_267, %dma_start3A_268] : memref<16512x32xf32, #tpu.memory_space<vmem_shared>> -> memref<16512x32xf32, #tpu.memory_space<vmem_shared>>
      tpu.enqueue_indirect_dma source(%dma_start3A_269 : memref<16512x32xf32, #tpu.memory_space<vmem_shared>>) target(%dma_start3A_263 : memref<128x32xf32, #tpu.memory_space<vmem>>) offsets(%dma_start3A_266 : memref<128xi32, #tpu.memory_space<vmem>>) semaphore(%arg15 : memref<!tpu.dma_semaphore, #tpu.memory_space<semaphore_mem>>)
      %mul3A_270 = arith.constant 4 : i32
      %mul3A_271 = arith.muli %rem3A_213, %mul3A_270 : i32
      %add3A_272 = arith.constant 2 : i32
      %add3A_273 = arith.addi %mul3A_271, %add3A_272 : i32
      %mul3A_274 = arith.constant 512 : i32
      %mul3A_275 = arith.muli %rem3A_213, %mul3A_274 : i32
      %add3A_276 = arith.constant 256 : i32
      %add3A_277 = arith.addi %mul3A_275, %add3A_276 : i32
      %dma_start3A_278 = arith.constant 0 : i32
      %dma_start3A_279 = tpu.memref_slice %arg8[%add3A_277, %dma_start3A_278] : memref<1032x32xf32, #tpu.memory_space<vmem>> -> memref<128x32xf32, #tpu.memory_space<vmem>>
      %dma_start3A_280 = arith.constant 0 : i32
      %dma_start3A_281 = tpu.memref_slice %arg6[%add3A_273, %dma_start3A_280] : memref<8x128xi32, #tpu.memory_space<vmem>> -> memref<1x128xi32, #tpu.memory_space<vmem>>
      %dma_start3A_282 = tpu.memref_squeeze %dma_start3A_281 : memref<1x128xi32, #tpu.memory_space<vmem>> -> memref<128xi32, #tpu.memory_space<vmem>>
      %dma_start3A_283 = arith.constant 0 : i32
      %dma_start3A_284 = arith.constant 0 : i32
      %dma_start3A_285 = tpu.memref_slice %arg10[%dma_start3A_283, %dma_start3A_284] : memref<16512x32xf32, #tpu.memory_space<vmem_shared>> -> memref<16512x32xf32, #tpu.memory_space<vmem_shared>>
      tpu.enqueue_indirect_dma source(%dma_start3A_285 : memref<16512x32xf32, #tpu.memory_space<vmem_shared>>) target(%dma_start3A_279 : memref<128x32xf32, #tpu.memory_space<vmem>>) offsets(%dma_start3A_282 : memref<128xi32, #tpu.memory_space<vmem>>) semaphore(%arg15 : memref<!tpu.dma_semaphore, #tpu.memory_space<semaphore_mem>>)
      %mul3A_286 = arith.constant 4 : i32
      %mul3A_287 = arith.muli %rem3A_213, %mul3A_286 : i32
      %add3A_288 = arith.constant 3 : i32
      %add3A_289 = arith.addi %mul3A_287, %add3A_288 : i32
      %mul3A_290 = arith.constant 512 : i32
      %mul3A_291 = arith.muli %rem3A_213, %mul3A_290 : i32
      %add3A_292 = arith.constant 384 : i32
      %add3A_293 = arith.addi %mul3A_291, %add3A_292 : i32
      %dma_start3A_294 = arith.constant 0 : i32
      %dma_start3A_295 = tpu.memref_slice %arg8[%add3A_293, %dma_start3A_294] : memref<1032x32xf32, #tpu.memory_space<vmem>> -> memref<128x32xf32, #tpu.memory_space<vmem>>
      %dma_start3A_296 = arith.constant 0 : i32
      %dma_start3A_297 = tpu.memref_slice %arg6[%add3A_289, %dma_start3A_296] : memref<8x128xi32, #tpu.memory_space<vmem>> -> memref<1x128xi32, #tpu.memory_space<vmem>>
      %dma_start3A_298 = tpu.memref_squeeze %dma_start3A_297 : memref<1x128xi32, #tpu.memory_space<vmem>> -> memref<128xi32, #tpu.memory_space<vmem>>
      %dma_start3A_299 = arith.constant 0 : i32
      %dma_start3A_300 = arith.constant 0 : i32
      %dma_start3A_301 = tpu.memref_slice %arg10[%dma_start3A_299, %dma_start3A_300] : memref<16512x32xf32, #tpu.memory_space<vmem_shared>> -> memref<16512x32xf32, #tpu.memory_space<vmem_shared>>
      tpu.enqueue_indirect_dma source(%dma_start3A_301 : memref<16512x32xf32, #tpu.memory_space<vmem_shared>>) target(%dma_start3A_295 : memref<128x32xf32, #tpu.memory_space<vmem>>) offsets(%dma_start3A_298 : memref<128xi32, #tpu.memory_space<vmem>>) semaphore(%arg15 : memref<!tpu.dma_semaphore, #tpu.memory_space<semaphore_mem>>)
      %dma_wait3A_302 = arith.constant 0 : i32
      %dma_wait3A_303 = tpu.memref_slice %arg8[%add3A_245, %dma_wait3A_302] : memref<1032x32xf32, #tpu.memory_space<vmem>> -> memref<128x32xf32, #tpu.memory_space<vmem>>
      %dma_wait3A_304 = arith.constant 0 : i32
      %dma_wait3A_305 = tpu.memref_slice %arg6[%add3A_241, %dma_wait3A_304] : memref<8x128xi32, #tpu.memory_space<vmem>> -> memref<1x128xi32, #tpu.memory_space<vmem>>
      %dma_wait3A_306 = tpu.memref_squeeze %dma_wait3A_305 : memref<1x128xi32, #tpu.memory_space<vmem>> -> memref<128xi32, #tpu.memory_space<vmem>>
      %dma_wait3A_307 = arith.constant 0 : i32
      %dma_wait3A_308 = arith.constant 0 : i32
      %dma_wait3A_309 = tpu.memref_slice %arg10[%dma_wait3A_307, %dma_wait3A_308] : memref<16512x32xf32, #tpu.memory_space<vmem_shared>> -> memref<16512x32xf32, #tpu.memory_space<vmem_shared>>
      tpu.wait_indirect_dma semaphore(%arg15 : memref<!tpu.dma_semaphore, #tpu.memory_space<semaphore_mem>>) src(%dma_wait3A_309 : memref<16512x32xf32, #tpu.memory_space<vmem_shared>>) dst(%dma_wait3A_303 : memref<128x32xf32, #tpu.memory_space<vmem>>)
      %dma_wait3A_310 = arith.constant 0 : i32
      %dma_wait3A_311 = tpu.memref_slice %arg8[%add3A_261, %dma_wait3A_310] : memref<1032x32xf32, #tpu.memory_space<vmem>> -> memref<128x32xf32, #tpu.memory_space<vmem>>
      %dma_wait3A_312 = arith.constant 0 : i32
      %dma_wait3A_313 = tpu.memref_slice %arg6[%add3A_257, %dma_wait3A_312] : memref<8x128xi32, #tpu.memory_space<vmem>> -> memref<1x128xi32, #tpu.memory_space<vmem>>
      %dma_wait3A_314 = tpu.memref_squeeze %dma_wait3A_313 : memref<1x128xi32, #tpu.memory_space<vmem>> -> memref<128xi32, #tpu.memory_space<vmem>>
      %dma_wait3A_315 = arith.constant 0 : i32
      %dma_wait3A_316 = arith.constant 0 : i32
      %dma_wait3A_317 = tpu.memref_slice %arg10[%dma_wait3A_315, %dma_wait3A_316] : memref<16512x32xf32, #tpu.memory_space<vmem_shared>> -> memref<16512x32xf32, #tpu.memory_space<vmem_shared>>
      tpu.wait_indirect_dma semaphore(%arg15 : memref<!tpu.dma_semaphore, #tpu.memory_space<semaphore_mem>>) src(%dma_wait3A_317 : memref<16512x32xf32, #tpu.memory_space<vmem_shared>>) dst(%dma_wait3A_311 : memref<128x32xf32, #tpu.memory_space<vmem>>)
      %dma_wait3A_318 = arith.constant 0 : i32
      %dma_wait3A_319 = tpu.memref_slice %arg8[%add3A_277, %dma_wait3A_318] : memref<1032x32xf32, #tpu.memory_space<vmem>> -> memref<128x32xf32, #tpu.memory_space<vmem>>
      %dma_wait3A_320 = arith.constant 0 : i32
      %dma_wait3A_321 = tpu.memref_slice %arg6[%add3A_273, %dma_wait3A_320] : memref<8x128xi32, #tpu.memory_space<vmem>> -> memref<1x128xi32, #tpu.memory_space<vmem>>
      %dma_wait3A_322 = tpu.memref_squeeze %dma_wait3A_321 : memref<1x128xi32, #tpu.memory_space<vmem>> -> memref<128xi32, #tpu.memory_space<vmem>>
      %dma_wait3A_323 = arith.constant 0 : i32
      %dma_wait3A_324 = arith.constant 0 : i32
      %dma_wait3A_325 = tpu.memref_slice %arg10[%dma_wait3A_323, %dma_wait3A_324] : memref<16512x32xf32, #tpu.memory_space<vmem_shared>> -> memref<16512x32xf32, #tpu.memory_space<vmem_shared>>
      tpu.wait_indirect_dma semaphore(%arg15 : memref<!tpu.dma_semaphore, #tpu.memory_space<semaphore_mem>>) src(%dma_wait3A_325 : memref<16512x32xf32, #tpu.memory_space<vmem_shared>>) dst(%dma_wait3A_319 : memref<128x32xf32, #tpu.memory_space<vmem>>)
      %dma_wait3A_326 = arith.constant 0 : i32
      %dma_wait3A_327 = tpu.memref_slice %arg8[%add3A_293, %dma_wait3A_326] : memref<1032x32xf32, #tpu.memory_space<vmem>> -> memref<128x32xf32, #tpu.memory_space<vmem>>
      %dma_wait3A_328 = arith.constant 0 : i32
      %dma_wait3A_329 = tpu.memref_slice %arg6[%add3A_289, %dma_wait3A_328] : memref<8x128xi32, #tpu.memory_space<vmem>> -> memref<1x128xi32, #tpu.memory_space<vmem>>
      %dma_wait3A_330 = tpu.memref_squeeze %dma_wait3A_329 : memref<1x128xi32, #tpu.memory_space<vmem>> -> memref<128xi32, #tpu.memory_space<vmem>>
      %dma_wait3A_331 = arith.constant 0 : i32
      %dma_wait3A_332 = arith.constant 0 : i32
      %dma_wait3A_333 = tpu.memref_slice %arg10[%dma_wait3A_331, %dma_wait3A_332] : memref<16512x32xf32, #tpu.memory_space<vmem_shared>> -> memref<16512x32xf32, #tpu.memory_space<vmem_shared>>
      tpu.wait_indirect_dma semaphore(%arg15 : memref<!tpu.dma_semaphore, #tpu.memory_space<semaphore_mem>>) src(%dma_wait3A_333 : memref<16512x32xf32, #tpu.memory_space<vmem_shared>>) dst(%dma_wait3A_327 : memref<128x32xf32, #tpu.memory_space<vmem>>)
      %eq3A_334 = arith.constant 0 : i32
      %eq3A_335 = arith.cmpi eq, %rem3A_213, %eq3A_334 : i32
      %convert_element_type3A_336 = arith.extui %eq3A_335 : i1 to i32
      %cond3A_337 = arith.constant 0 : i32
      %cond3A_338 = arith.cmpi ne, %convert_element_type3A_336, %cond3A_337 : i32
      scf.if %cond3A_338 {
        %mul3A_345 = arith.constant 512 : i32
        %mul3A_346 = arith.muli %rem3A_213, %mul3A_345 : i32
        %mul3A_347 = arith.constant 16 : i32
        %mul3A_348 = arith.muli %while3A_210, %mul3A_347 : i32
        %add3A_349 = arith.addi %arg1, %mul3A_348 : i32
        %mul3A_350 = arith.constant 512 : i32
        %mul3A_351 = arith.muli %add3A_349, %mul3A_350 : i32
        %min3A_352 = arith.constant 267923 : i32
        %min3A_353 = arith.minsi %mul3A_351, %min3A_352 : i32
        %dma_start3A_354 = arith.constant 0 : i32
        %dma_start3A_355 = tpu.memref_slice %arg8[%mul3A_346, %dma_start3A_354] : memref<1032x32xf32, #tpu.memory_space<vmem>> -> memref<512x32xf32, #tpu.memory_space<vmem>>
        %dma_start3A_356 = tpu.memref_slice %arg5[%min3A_353, %mul3A_0] : memref<268435x64xf32, #tpu.memory_space<hbm>> -> memref<512x32xf32, #tpu.memory_space<hbm>>
        %dma_start3A_357 = tpu.memref_slice %arg5[%min3A_353, %mul3A_0] : memref<268435x64xf32, #tpu.memory_space<hbm>> -> memref<512x32xf32, #tpu.memory_space<hbm>>
        %dma_start3A_358 = arith.constant 0 : i32
        %dma_start3A_359 = tpu.memref_slice %arg8[%mul3A_346, %dma_start3A_358] : memref<1032x32xf32, #tpu.memory_space<vmem>> -> memref<512x32xf32, #tpu.memory_space<vmem>>
        tpu.enqueue_dma source(%dma_start3A_359 : memref<512x32xf32, #tpu.memory_space<vmem>>) target(%dma_start3A_357 : memref<512x32xf32, #tpu.memory_space<hbm>>) target_semaphore(%arg16 : memref<!tpu.dma_semaphore, #tpu.memory_space<semaphore_mem>>)
      } else {
      }
      %eq3A_339 = arith.constant 1 : i32
      %eq3A_340 = arith.cmpi eq, %rem3A_213, %eq3A_339 : i32
      %convert_element_type3A_341 = arith.extui %eq3A_340 : i1 to i32
      %cond3A_342 = arith.constant 0 : i32
      %cond3A_343 = arith.cmpi ne, %convert_element_type3A_341, %cond3A_342 : i32
      scf.if %cond3A_343 {
        %mul3A_345 = arith.constant 512 : i32
        %mul3A_346 = arith.muli %rem3A_213, %mul3A_345 : i32
        %mul3A_347 = arith.constant 16 : i32
        %mul3A_348 = arith.muli %while3A_210, %mul3A_347 : i32
        %add3A_349 = arith.addi %arg1, %mul3A_348 : i32
        %mul3A_350 = arith.constant 512 : i32
        %mul3A_351 = arith.muli %add3A_349, %mul3A_350 : i32
        %min3A_352 = arith.constant 267923 : i32
        %min3A_353 = arith.minsi %mul3A_351, %min3A_352 : i32
        %dma_start3A_354 = arith.constant 0 : i32
        %dma_start3A_355 = tpu.memref_slice %arg8[%mul3A_346, %dma_start3A_354] : memref<1032x32xf32, #tpu.memory_space<vmem>> -> memref<512x32xf32, #tpu.memory_space<vmem>>
        %dma_start3A_356 = tpu.memref_slice %arg5[%min3A_353, %mul3A_0] : memref<268435x64xf32, #tpu.memory_space<hbm>> -> memref<512x32xf32, #tpu.memory_space<hbm>>
        %dma_start3A_357 = tpu.memref_slice %arg5[%min3A_353, %mul3A_0] : memref<268435x64xf32, #tpu.memory_space<hbm>> -> memref<512x32xf32, #tpu.memory_space<hbm>>
        %dma_start3A_358 = arith.constant 0 : i32
        %dma_start3A_359 = tpu.memref_slice %arg8[%mul3A_346, %dma_start3A_358] : memref<1032x32xf32, #tpu.memory_space<vmem>> -> memref<512x32xf32, #tpu.memory_space<vmem>>
        tpu.enqueue_dma source(%dma_start3A_359 : memref<512x32xf32, #tpu.memory_space<vmem>>) target(%dma_start3A_357 : memref<512x32xf32, #tpu.memory_space<hbm>>) target_semaphore(%arg17 : memref<!tpu.dma_semaphore, #tpu.memory_space<semaphore_mem>>)
      } else {
      }
      %while3A_344 = arith.constant 0 : i32
      scf.yield %while3A_344 : i32
    }
    %sub3A_187 = arith.constant 1 : i32
    %sub3A_188 = arith.subi %select_n3A, %sub3A_187 : i32
    %rem3A_189 = arith.constant 2 : i32
    %rem3A_190 = arith.remsi %sub3A_188, %rem3A_189 : i32
    %eq3A = arith.constant 0 : i32
    %eq3A_191 = arith.cmpi eq, %rem3A_190, %eq3A : i32
    %convert_element_type3A = arith.extui %eq3A_191 : i1 to i32
    %cond3A = arith.constant 0 : i32
    %cond3A_192 = arith.cmpi ne, %convert_element_type3A, %cond3A : i32
    scf.if %cond3A_192 {
      %dma_wait3A_210 = arith.constant 0 : i32
      %dma_wait3A_211 = arith.constant 0 : i32
      %dma_wait3A_212 = tpu.memref_slice %arg8[%dma_wait3A_210, %dma_wait3A_211] : memref<1032x32xf32, #tpu.memory_space<vmem>> -> memref<512x32xf32, #tpu.memory_space<vmem>>
      %dma_wait3A_213 = arith.constant 0 : i32
      %dma_wait3A_214 = arith.constant 0 : i32
      %dma_wait3A_215 = tpu.memref_slice %arg5[%dma_wait3A_213, %dma_wait3A_214] : memref<268435x64xf32, #tpu.memory_space<hbm>> -> memref<512x32xf32, #tpu.memory_space<hbm>>
      %dma_wait3A_216 = arith.constant 0 : i32
      %dma_wait3A_217 = arith.constant 0 : i32
      %dma_wait3A_218 = tpu.memref_slice %arg5[%dma_wait3A_216, %dma_wait3A_217] : memref<268435x64xf32, #tpu.memory_space<hbm>> -> memref<512x32xf32, #tpu.memory_space<hbm>>
      %dma_wait3A_219 = arith.constant 0 : i32
      %dma_wait3A_220 = arith.constant 0 : i32
      %dma_wait3A_221 = tpu.memref_slice %arg8[%dma_wait3A_219, %dma_wait3A_220] : memref<1032x32xf32, #tpu.memory_space<vmem>> -> memref<512x32xf32, #tpu.memory_space<vmem>>
      tpu.wait_dma2 semaphore(%arg16 : memref<!tpu.dma_semaphore, #tpu.memory_space<semaphore_mem>>) src(%dma_wait3A_221 : memref<512x32xf32, #tpu.memory_space<vmem>>) dst(%dma_wait3A_218 : memref<512x32xf32, #tpu.memory_space<hbm>>)
    } else {
    }
    %eq3A_193 = arith.constant 1 : i32
    %eq3A_194 = arith.cmpi eq, %rem3A_190, %eq3A_193 : i32
    %convert_element_type3A_195 = arith.extui %eq3A_194 : i1 to i32
    %cond3A_196 = arith.constant 0 : i32
    %cond3A_197 = arith.cmpi ne, %convert_element_type3A_195, %cond3A_196 : i32
    scf.if %cond3A_197 {
      %dma_wait3A_210 = arith.constant 0 : i32
      %dma_wait3A_211 = arith.constant 0 : i32
      %dma_wait3A_212 = tpu.memref_slice %arg8[%dma_wait3A_210, %dma_wait3A_211] : memref<1032x32xf32, #tpu.memory_space<vmem>> -> memref<512x32xf32, #tpu.memory_space<vmem>>
      %dma_wait3A_213 = arith.constant 0 : i32
      %dma_wait3A_214 = arith.constant 0 : i32
      %dma_wait3A_215 = tpu.memref_slice %arg5[%dma_wait3A_213, %dma_wait3A_214] : memref<268435x64xf32, #tpu.memory_space<hbm>> -> memref<512x32xf32, #tpu.memory_space<hbm>>
      %dma_wait3A_216 = arith.constant 0 : i32
      %dma_wait3A_217 = arith.constant 0 : i32
      %dma_wait3A_218 = tpu.memref_slice %arg5[%dma_wait3A_216, %dma_wait3A_217] : memref<268435x64xf32, #tpu.memory_space<hbm>> -> memref<512x32xf32, #tpu.memory_space<hbm>>
      %dma_wait3A_219 = arith.constant 0 : i32
      %dma_wait3A_220 = arith.constant 0 : i32
      %dma_wait3A_221 = tpu.memref_slice %arg8[%dma_wait3A_219, %dma_wait3A_220] : memref<1032x32xf32, #tpu.memory_space<vmem>> -> memref<512x32xf32, #tpu.memory_space<vmem>>
      tpu.wait_dma2 semaphore(%arg17 : memref<!tpu.dma_semaphore, #tpu.memory_space<semaphore_mem>>) src(%dma_wait3A_221 : memref<512x32xf32, #tpu.memory_space<vmem>>) dst(%dma_wait3A_218 : memref<512x32xf32, #tpu.memory_space<hbm>>)
    } else {
    }
    %rem3A_198 = arith.constant 2 : i32
    %rem3A_199 = arith.remsi %select_n3A, %rem3A_198 : i32
    %eq3A_200 = arith.constant 0 : i32
    %eq3A_201 = arith.cmpi eq, %rem3A_199, %eq3A_200 : i32
    %convert_element_type3A_202 = arith.extui %eq3A_201 : i1 to i32
    %cond3A_203 = arith.constant 0 : i32
    %cond3A_204 = arith.cmpi ne, %convert_element_type3A_202, %cond3A_203 : i32
    scf.if %cond3A_204 {
      %dma_wait3A_210 = arith.constant 0 : i32
      %dma_wait3A_211 = arith.constant 0 : i32
      %dma_wait3A_212 = tpu.memref_slice %arg8[%dma_wait3A_210, %dma_wait3A_211] : memref<1032x32xf32, #tpu.memory_space<vmem>> -> memref<512x32xf32, #tpu.memory_space<vmem>>
      %dma_wait3A_213 = arith.constant 0 : i32
      %dma_wait3A_214 = arith.constant 0 : i32
      %dma_wait3A_215 = tpu.memref_slice %arg5[%dma_wait3A_213, %dma_wait3A_214] : memref<268435x64xf32, #tpu.memory_space<hbm>> -> memref<512x32xf32, #tpu.memory_space<hbm>>
      %dma_wait3A_216 = arith.constant 0 : i32
      %dma_wait3A_217 = arith.constant 0 : i32
      %dma_wait3A_218 = tpu.memref_slice %arg5[%dma_wait3A_216, %dma_wait3A_217] : memref<268435x64xf32, #tpu.memory_space<hbm>> -> memref<512x32xf32, #tpu.memory_space<hbm>>
      %dma_wait3A_219 = arith.constant 0 : i32
      %dma_wait3A_220 = arith.constant 0 : i32
      %dma_wait3A_221 = tpu.memref_slice %arg8[%dma_wait3A_219, %dma_wait3A_220] : memref<1032x32xf32, #tpu.memory_space<vmem>> -> memref<512x32xf32, #tpu.memory_space<vmem>>
      tpu.wait_dma2 semaphore(%arg16 : memref<!tpu.dma_semaphore, #tpu.memory_space<semaphore_mem>>) src(%dma_wait3A_221 : memref<512x32xf32, #tpu.memory_space<vmem>>) dst(%dma_wait3A_218 : memref<512x32xf32, #tpu.memory_space<hbm>>)
    } else {
    }
    %eq3A_205 = arith.constant 1 : i32
    %eq3A_206 = arith.cmpi eq, %rem3A_199, %eq3A_205 : i32
    %convert_element_type3A_207 = arith.extui %eq3A_206 : i1 to i32
    %cond3A_208 = arith.constant 0 : i32
    %cond3A_209 = arith.cmpi ne, %convert_element_type3A_207, %cond3A_208 : i32
    scf.if %cond3A_209 {
      %dma_wait3A_210 = arith.constant 0 : i32
      %dma_wait3A_211 = arith.constant 0 : i32
      %dma_wait3A_212 = tpu.memref_slice %arg8[%dma_wait3A_210, %dma_wait3A_211] : memref<1032x32xf32, #tpu.memory_space<vmem>> -> memref<512x32xf32, #tpu.memory_space<vmem>>
      %dma_wait3A_213 = arith.constant 0 : i32
      %dma_wait3A_214 = arith.constant 0 : i32
      %dma_wait3A_215 = tpu.memref_slice %arg5[%dma_wait3A_213, %dma_wait3A_214] : memref<268435x64xf32, #tpu.memory_space<hbm>> -> memref<512x32xf32, #tpu.memory_space<hbm>>
      %dma_wait3A_216 = arith.constant 0 : i32
      %dma_wait3A_217 = arith.constant 0 : i32
      %dma_wait3A_218 = tpu.memref_slice %arg5[%dma_wait3A_216, %dma_wait3A_217] : memref<268435x64xf32, #tpu.memory_space<hbm>> -> memref<512x32xf32, #tpu.memory_space<hbm>>
      %dma_wait3A_219 = arith.constant 0 : i32
      %dma_wait3A_220 = arith.constant 0 : i32
      %dma_wait3A_221 = tpu.memref_slice %arg8[%dma_wait3A_219, %dma_wait3A_220] : memref<1032x32xf32, #tpu.memory_space<vmem>> -> memref<512x32xf32, #tpu.memory_space<vmem>>
      tpu.wait_dma2 semaphore(%arg17 : memref<!tpu.dma_semaphore, #tpu.memory_space<semaphore_mem>>) src(%dma_wait3A_221 : memref<512x32xf32, #tpu.memory_space<vmem>>) dst(%dma_wait3A_218 : memref<512x32xf32, #tpu.memory_space<hbm>>)
    } else {
    }
    return
  }
}

</mosaic_0001>

<sc_bundles>
// kernel: kernel.3.cloned.1.call-start
scs
__scs_entry_jumppad:
0x0: {  	(pc) =	sbr.rel $0x88, $3  }
0x1: {  	(tag) =	ssettag $0x0;
	lr =	simm.s32 $0x1  }
0x2: {  	[smem:$0x3F9F] =	sst lr;
	_ =	strace $0xD0000000  }
0x3: {  	_ = 	snop  }
0x4: {  	_ = 	snop  }
0x5: {  	_ = 	snop  }
0x6: {  	_ = 	snop  }
0x7: {  	_ = 	snop  }
__scs_overlays_trampoline_lowered:
0x8: {  	[smem:$0x3FAE] =	sst s0  }
0x9: {  	[smem:$0x3FAF] =	sst s1  }
0xa: {  	[smem:$0x3FB0] =	sst s2  }
0xb: {  	[smem:$0x3FB1] =	sst s3  }
0xc: {  	[smem:$0x3FB2] =	sst s4  }
0xd: {  	[smem:$0x3FB3] =	sst s5  }
0xe: {  	[smem:$0x3FB4] =	sst s6  }
0xf: {  	[smem:$0x3FB5] =	sst s7  }
0x10: {  	[smem:$0x3FB6] =	sst s8  }
0x11: {  	[smem:$0x3FB7] =	sst s9;
	s0 =	simm.s32 @!p0 $0x0  }
0x12: {  	s1 =	sld [smem:$0x3F9D];
	s0 =	simm.s32 @p0 $0x1  }
0x13: {  	[smem:$0x3FB8] =	sst s0;
	s0 =	simm.s32 @!p1 $0x0  }
0x14: {  	s2 =	sld [smem:$0x3F9C];
	s0 =	simm.s32 @p1 $0x1  }
0x15: {  	[smem:$0x3FB9] =	sst s0;
	s0 =	simm.s32 @!p2 $0x0  }
0x16: {  	s3 =	sld [smem:$0x3FDB];
	s0 =	simm.s32 @p2 $0x1  }
0x17: {  	s4 =	simm.s32 $0x1BF5;
	[smem:$0x3FBB] =	sst s0  }
0x18: {  	s0 =	sld [smem:$0x3F9E];
	_ =	swait.ge [sflag:s4], $0x0  }
0x19: {  	s7 =	sld [smem:$0x3F9F]  }
0x1a: {  	s8 =	sadd.s32 $0xFFFFE003, lr  }
0x1b: {  	s9 =	sadd.s32 $0xFFFFFEF7, lr;
	s5 =	simm.s32 $0xFFFFFFFF;
	p2 =	slt.u32 s8, $0xFFFFF086  }
0x1c: {  	p1 =	slt.u32 s9, $0xF7A;
	s5 =	simm.s32 @!p2 $0x0  }
0x1d: {  	s5 =	simm.s32 @p1 $0x1;
	p0 =	seq.s32 s7, s2  }
0x1e: {  	s7 =	smul.u32 @!p0 $0xF7A, s2;
	p2 =	seq.s32 @!p0 s5, $0x0  }
0x1f: {  	s9 =	smul.u32 $0xF7A, s1;
	s8 =	simm.s32 @!p0 $0x1BF5;
	p2 =	por !p2, p0  }
0x20: {  	[sflag:s8] =	ssyncset.s32 @!p0 $0xFFFFF086;
	s6 =	sadd.s32 @!p0 s3, s7;
	s7 =	simm.s32 @!p0 $0x108  }
0x21: {  	s3 =	sadd.s32 s3, s9;
	s6 =	sadd.s32 @!p0 $0x88, s6;
	s7 =	simm.s32 @p2 $0x1082  }
0x22: {  	[simem:s7], [sflag:s8] =	dma.local @!p0 [hbm:s6], $0xF7A  }
0x23: {  	s9 =	sor.u32 $0xD0000000, s2;
	s6 =	simm.s32 $0x108;
	_ =	swait.ge @!p0 [sflag:s8], $0x0  }
0x24: {  	s3 =	sadd.s32 $0x88, s3;
	s6 =	simm.s32 @!p1 $0x1082;
	[sflag:s4] =	ssyncset.s32 $0xFFFFF086  }
0x25: {  	[simem:s6], [sflag:s4] =	dma.local [hbm:s3], $0xF7A  }
0x26: {  	[smem:$0x3F9F] =	sst s1;
	(tag) =	ssettag s2;
	_ =	strace s9  }
0x27: {  	s1 =	sld [smem:$0x3FAF]  }
0x28: {  	s2 =	sld [smem:$0x3FB0]  }
0x29: {  	s4 =	sld [smem:$0x3FB2]  }
0x2a: {  	p0 =	seq.s32 s5, $0x0;
	s5 =	sld [smem:$0x3FB3]  }
0x2b: {  	s6 =	sld [smem:$0x3FB4]  }
0x2c: {  	s7 =	sld [smem:$0x3FB5]  }
0x2d: {  	s3 =	simm.s32 $0x108;
	s8 =	sld [smem:$0x3FB6]  }
0x2e: {  	s3 =	simm.s32 @!p0 $0x1082;
	s9 =	sld [smem:$0x3FB7]  }
0x2f: {  	lr =	sadd.s32 s0, s3;
	s0 =	sld [smem:$0x3FAE]  }
0x30: {  	s3 =	sld [smem:$0x3FB1]  }
0x31: {  	[smem:$0x3FBA] =	sst s10  }
0x32: {  	s10 =	sld [smem:$0x3FB8];
	_ =	sdelay $0x3  }
0x33: {  	p0 =	seq.s32 s10, $0x1;
	s10 =	sld [smem:$0x3FBA];
	_ =	sdelay $0x3  }
0x34: {  	[smem:$0x3FBA] =	sst s10  }
0x35: {  	s10 =	sld [smem:$0x3FB9];
	_ =	sdelay $0x3  }
0x36: {  	p1 =	seq.s32 s10, $0x1;
	s10 =	sld [smem:$0x3FBA];
	_ =	sdelay $0x3  }
0x37: {  	[smem:$0x3FBA] =	sst s10  }
0x38: {  	s10 =	sld [smem:$0x3FBB]  }
0x39: {  	_ = 	snop;
	(pc) =	sbr.ind lr, $3  }
0x3a: {  	_ = 	snop  }
0x3b: {  	_ = 	snop  }
0x3c: {  	p2 =	seq.s32 s10, $0x1;
	s10 =	sld [smem:$0x3FBA]  }
0x3d: {  	_ =	shalt  }
0x3e: {  	_ =	shalt  }
0x3f: {  	_ =	shalt  }
0x40: {  	_ =	shalt  }
0x41: {  	_ =	shalt  }
0x42: {  	_ =	shalt  }
0x43: {  	_ =	shalt  }
0x44: {  	_ =	shalt  }
0x45: {  	_ =	shalt  }
0x46: {  	_ =	shalt  }
0x47: {  	_ =	shalt  }
0x48: {  	_ =	shalt  }
0x49: {  	_ =	shalt  }
0x4a: {  	_ =	shalt  }
0x4b: {  	_ =	shalt  }
0x4c: {  	_ =	shalt  }
0x4d: {  	_ =	shalt  }
0x4e: {  	_ =	shalt  }
0x4f: {  	_ =	shalt  }
0x50: {  	_ =	shalt  }
0x51: {  	_ =	shalt  }
0x52: {  	_ =	shalt  }
0x53: {  	_ =	shalt  }
0x54: {  	_ =	shalt  }
0x55: {  	_ =	shalt  }
0x56: {  	_ =	shalt  }
0x57: {  	_ =	shalt  }
0x58: {  	_ =	shalt  }
0x59: {  	_ =	shalt  }
0x5a: {  	_ =	shalt  }
0x5b: {  	_ =	shalt  }
0x5c: {  	_ =	shalt  }
0x5d: {  	_ =	shalt  }
0x5e: {  	_ =	shalt  }
0x5f: {  	_ =	shalt  }
0x60: {  	_ =	shalt  }
0x61: {  	_ =	shalt  }
0x62: {  	_ =	shalt  }
0x63: {  	_ =	shalt  }
0x64: {  	_ =	shalt  }
0x65: {  	_ =	shalt  }
0x66: {  	_ =	shalt  }
0x67: {  	_ =	shalt  }
0x68: {  	_ =	shalt  }
0x69: {  	_ =	shalt  }
0x6a: {  	_ =	shalt  }
0x6b: {  	_ =	shalt  }
0x6c: {  	_ =	shalt  }
0x6d: {  	_ =	shalt  }
0x6e: {  	_ =	shalt  }
0x6f: {  	_ =	shalt  }
0x70: {  	_ =	shalt  }
0x71: {  	_ =	shalt  }
0x72: {  	_ =	shalt  }
0x73: {  	_ =	shalt  }
0x74: {  	_ =	shalt  }
0x75: {  	_ =	shalt  }
0x76: {  	_ =	shalt  }
0x77: {  	_ =	shalt  }
0x78: {  	_ =	shalt  }
0x79: {  	_ =	shalt  }
0x7a: {  	_ =	shalt  }
0x7b: {  	_ =	shalt  }
0x7c: {  	_ =	shalt  }
0x7d: {  	_ =	shalt  }
0x7e: {  	_ =	shalt  }
0x7f: {  	_ =	shalt  }
0x80: {  	_ =	shalt  }
0x81: {  	_ =	shalt  }
0x82: {  	_ =	shalt  }
0x83: {  	_ =	shalt  }
0x84: {  	_ =	shalt  }
0x85: {  	_ =	shalt  }
0x86: {  	_ =	shalt  }
0x87: {  	_ =	shalt  }
.Lfunc_end0:
.L_simem_size_0:
called_computation.1_lowered:
.L_overlay_start_0:
0x88: {  	s2 =	sld [smem:$0x3FD9]  }
0x89: {  	s3 =	sld [smem:$0x3FFE];
	_ =	sdelay $0x1  }
0x8a: {  	s1 =	srdreg.scid  }
0x8b: {  	s0 =	sand.u32 $0x1, s1  }
0x8c: {  	s17 =	sshll.u32 s0, $0xA;
	s2 =	sadd.s32 s3, s2  }
0x8d: {  	s2 =	sadd.s32 s2, s17  }
0x8e: {  	[smem:$0x3FC6] =	sst s2  }
0x8f: {  	_ = 	snop  }
0x90: {  	s2 =	sld [smem:$0x3FD0];
	(tm) =	ssettm $0x1  }
0x91: {  	s18 =	sld [smem:$0x3FFB];
	_ =	sdelay $0x3  }
0x92: {  	_ =	strace s18  }
0x93: {  	s3 =	sld [smem:$0x3FFC];
	_ =	sdelay $0x3  }
0x94: {  	_ =	strace s3  }
0x95: {  	s3 =	sld [smem:$0x3FFD];
	_ =	sdelay $0x3  }
0x96: {  	_ =	strace s3  }
0x97: {  	_ =	strace $0x8FFFFFFF  }
0x98: {  	s19 =	sld [smem:$0x3FDB];
	_ =	sdelay $0x1  }
0x99: {  	s4 =	simm.s32 $_scs_section_size  }
0x9a: {  	s5 =	simm.s32 $_size__tile_overlayer_lowered;
	s6 =	simm.s32 $_tile_overlayer_lowered  }
0x9b: {  	s22 =	simm.s32 $0x1BFF;
	s21 =	sshll.u32 s6, $0x1;
	s3 =	sadd.s32 s4, s19  }
0x9c: {  	s7 =	simm.s32 $0x0;
	s20 =	sshll.u32 s5, $0x1;
	s5 =	sadd.s32 s21, s3  }
0x9d: {  	[timem:s7], [sflag:s22] =	dma.local [hbm:s5], s20  }
0x9e: {  	_ =	swait.ge [sflag:s22], s20  }
0x9f: {  	s4 =	ssub.s32 $0x0, s20;
	[sflag:s22] =	ssyncset.done $0x0  }
0xa0: {  	[sflag:s22] =	ssyncadd.s32 s4;
	_ =	sdelay $0x1  }
0xa1: {  	s23 =	simm.s32 $0x1B8B  }
0xa2: {  	_ =	swait.ge [sflag:s23], $0x1  }
0xa3: {  	[sflag:s23] =	ssyncset.done $0x0  }
0xa4: {  	s25 =	simm.s32 $0x1B8E;
	s24 =	sld [smem:$0x3FFE];
	[sflag:s23] =	ssyncadd.s32 $0xFFFFFFFF  }
0xa5: {  	s26 =	simm.s32 $execute0_lowered;
	[smem:$0x3FD2] =	sst s25  }
0xa6: {  	s5 =	sshll.u32 s26, $0x1;
	_ =	strace $0x80000046;
	[dreg:$0x1] =	wrdreg $0xFFFFFFFF  }
0xa7: {  	s28 =	simm.s32 $_size_execute0_lowered;
	s3 =	sadd.s32 s3, s5;
	[dreg:$0x0] =	wrdreg $0x0  }
0xa8: {  	s5 =	sshll.u32 s28, $0x1;
	[dreg:$0x2] =	wrdreg s3  }
0xa9: {  	[dreg:$0x3] =	wrdreg s5  }
0xaa: {  	[dreg:$0x4] =	wrdreg $0xC0  }
0xab: {  	_ =	task [dreg:s7], $0x5FFFF  }
0xac: {  	[dreg:$0x1] =	wrdreg $0xFFFFFFFF  }
0xad: {  	[dreg:$0x0] =	wrdreg $0x60  }
0xae: {  	[dreg:$0x2] =	wrdreg s24  }
0xaf: {  	[dreg:$0x3] =	wrdreg s2  }
0xb0: {  	[dreg:$0x4] =	wrdreg $0xCD800  }
0xb1: {  	[dreg:$0x5] =	wrdreg $0x14E800  }
0xb2: {  	[dreg:$0x6] =	wrdreg $0x9  }
0xb3: {  	_ =	task.clear_ibuf [dreg:s7], $0x7FFFF;
	_ =	strace $0x90000046  }
0xb4: {  	s29 =	simm.s32 $0x9;
	_ =	strace $0x80000048  }
0xb5: {  	_ =	swait.ge [sflag:s29], $0x1  }
0xb6: {  	[sflag:s29] =	ssyncadd.s32 $0xFFFFFFFF  }
0xb7: {  	_ =	strace $0x90000048  }
0xb8: {  	_ =	sfence  }
0xb9: {  	s30 =	sld [smem:$0x0];
	_ =	sdelay $0x2  }
0xba: {  	s31 =	sshll.u32 s1, $0xD;
	s1 =	sshrl.u32 s1, $0x2  }
0xbb: {  	s3 =	sand.u32 $0x4000, s31;
	s1 =	sadd.s32 s1, s30  }
0xbc: {  	s0 =	sor.u32 s3, s0;
	s1 =	sshll.u32 s1, $0x11  }
0xbd: {  	s0 =	sor.u32 s1, s0  }
0xbe: {  	s0 =	sadd.s32 $0x8F2B, s0  }
0xbf: {  	[sflag:s0] =	ssyncadd.remote.s32 $0x1  }
0xc0: {  	_ =	sfence.sel $0xFFFF  }
0xc1: {  	[dreg:$0x0] =	wrdreg $0xFFFFFFFF;
	(pc) =	sbr.abs _section_cstart, $3  }
0xc2: {  	[dreg:$0x1] =	wrdreg $0xFFFFFFFF  }
0xc3: {  	_ =	task.clear_ibuf [dreg:s7], $0x2FFFF;
	_ =	strace $0x9FFFFFFF  }
0xc4: {  	(tm) =	ssettm $0x7FFFFFFF  }
0xc5: {  	_ =	shalt  }
tec
execute0_lowered:
.L_overlay_start_1:
0x0: {  	(tag) =	ssettag $0x1  }
0x1: {  	s0 =	rddreg [dreg:$0x0]  }
0x2: {  	s1 =	rddreg [dreg:$0x1]  }
0x3: {  	s2 =	rddreg [dreg:$0x2]  }
0x4: {  	s4 =	rddreg [dreg:$0x3];
	s5 =	simm.s32 $0x0;
	s13 =	stileid.u32  }
0x5: {  	s6 =	srdreg.scid;
	s28 =	simm.s32 $0x20;
	s29 =	simm.s32 $0x40  }
0x6: {  	s30 =	simm.s32 $0x1;
	s31 =	simm.s32 $0x80;
	[smem:$0x7FF] =	sst s5  }
0x7: {  	s3 =	sshll.u32 s13, $0x6;
	s10 =	sadd.s32 $0x8C00, s0;
	s6 =	sand.u32 $0x1, s6  }
0x8: {  	s14 =	sadd.s32 $0x11000, s0;
	s8 =	smul.u32 $0x20400, s13;
	s9 =	ssub.s32 $0x21C, s13  }
0x9: {  	s11 =	smul.u32 $0x10200, s13;
	s25 =	sshll.u32 s13, $0xF;
	s13 =	sshll.u32 s13, $0x9  }
0xa: {  	_ =	strace $0x80000047;
	s12 =	sadd.s32 s3, s0;
	s23 =	ssub.s32 $0x2, s6  }
0xb: {  	s3 =	sadd.s32 s10, s3;
	s18 =	sor.u32 $0x2000, s13;
	[dreg:$0x8] =	wrdreg s13  }
0xc: {  	s22 =	sor.u32 $0x4000, s13;
	[dreg:$0x5] =	wrdreg s14;
	s7 =	sshrl.u32 s23, $0x1  }
0xd: {  	s24 =	sshrl.u32 s8, $0x2;
	s11 =	sshrl.u32 s11, $0x2;
	s8 =	sshll.u32 s6, $0x5  }
0xe: {  	s15 =	sadd.s32 $0x800, s12;
	s19 =	sshll.u32 s18, $0x6;
	[dreg:$0xf] =	wrdreg s22  }
0xf: {  	s20 =	sshrl.u32 s18, $0x3;
	[dreg:$0x7] =	wrdreg s3;
	s0 =	ssub.s32 s23, s7  }
0x10: {  	s7 =	sshrl.u32 s9, $0x4;
	s24 =	sadd.s32 s24, s2;
	s26 =	sadd.s32 s11, s4  }
0x11: {  	s6 =	sor.u32 s8, s25;
	[dreg:$0xa] =	wrdreg s15;
	s23 =	sadd.s32 $0x800, s3  }
0x12: {  	s25 =	sadd.s32 $0xC00, s12;
	s15 =	simm.s32 $0x4;
	[dreg:$0x6] =	wrdreg s26  }
0x13: {  	s16 =	sshrl.u32 s6, $0x3;
	s17 =	sand.u32 $0x1, s7;
	[dreg:$0x10] =	wrdreg s23  }
0x14: {  	s0 =	smax.u32 s0, $0x1;
	[dreg:$0x11] =	wrdreg s25;
	s25 =	simm.s32 $0x7  }
0x15: {  	s6 =	sadd.s32 s1, s16;
	p0 =	seq.s32 s17, $0x1;
	[dreg:$0xb] =	wrdreg s0  }
0x16: {  	s0 =	sadd.s32 s10, s20;
	s26 =	sadd.s32 s16, s14;
	s14 =	simm.s32 $0x2  }
0x17: {  	s16 =	simm.s32 $0x0;
	[dreg:$0x9] =	wrdreg s6;
	s6 =	sor.u32 s8, s19  }
0x18: {  	[dreg:$0xc] =	wrdreg s0;
	s19 =	simm.s32 $0x6;
	s21 =	sshrl.u32 s6, $0x3  }
0x19: {  	[dreg:$0x12] =	wrdreg s26;
	s6 =	simm.s32 $0x5;
	s0 =	sadd.s32 s1, s21  }
0x1a: {  	s26 =	simm.s32 $0x3;
	s6 =	simm.s32 @!p0 $0x6;
	[dreg:$0xe] =	wrdreg s0  }
0x1b: {  	v0 =	vimm.f32 $0.0e+00;
	v1 =	vimm.f32 $1.000000000e+00;
	s19 =	simm.s32 @!p0 $0x5;
	[dreg:$0xd] =	wrdreg s6;
	s0 =	simm.s32 $0x400  }
.LBB2_1:
0x1c: {  	s3 =	simm.s32 $0xC80  }
0x1d: {  	[tilespmem:s3+$0xFFFFFF80] =	vst v0  }
0x1e: {  	s6 =	simm.s32 $0x70;
	[tilespmem:s3+$0xFFFFFF90] =	vst v0  }
0x1f: {  	[tilespmem:s6+$0x8C90] =	vst v0  }
0x20: {  	[tilespmem:s3+$0xFFFFFFB0] =	vst v0  }
0x21: {  	[tilespmem:s3+$0xFFFFFFA0] =	vst v0  }
0x22: {  	[tilespmem:s6+$0x8CA0] =	vst v0  }
0x23: {  	[tilespmem:s3+$0xFFFFFFC0] =	vst v0  }
0x24: {  	[tilespmem:s3+$0xFFFFFFD0] =	vst v0  }
0x25: {  	[tilespmem:s6+$0x8CB0] =	vst v0  }
0x26: {  	[tilespmem:s3+$0xFFFFFFE0] =	vst v0  }
0x27: {  	[tilespmem:s3+$0xFFFFFFF0] =	vst v0  }
0x28: {  	[tilespmem:s6+$0x8CC0] =	vst v0  }
0x29: {  	[tilespmem:s3+$0x0] =	vst v0  }
0x2a: {  	[tilespmem:s3+$0x10] =	vst v0  }
0x2b: {  	[tilespmem:s6+$0x8CD0] =	vst v0  }
0x2c: {  	s10 =	simm.s32 $0x3C0;
	s12 =	simm.s32 $0xC80;
	[tilespmem:s3+$0x20] =	vst v0  }
.LBB2_2:
0x2d: {  	p0 =	sne.s32 s10, $0x101C0  }
0x2e: {  	[tilespmem:s3+$0x30] =	vst v0;
	s12 =	sadd.s32 $0x100, s12;
	s13 =	smov.u32 s10;
	s10 =	sadd.s32 $0x200, s10  }
0x2f: {  	[tilespmem:s6+$0x8CE0] =	vst v0  }
0x30: {  	[tilespmem:s3+$0x40] =	vst v0  }
0x31: {  	[tilespmem:s3+$0x50] =	vst v0  }
0x32: {  	[tilespmem:s6+$0x8CF0] =	vst v0  }
0x33: {  	[tilespmem:s3+$0x60] =	vst v0  }
0x34: {  	[tilespmem:s3+$0x70] =	vst v0;
	s3 =	smov.u32 s12  }
0x35: {  	[tilespmem:s6+$0x8D00] =	vst v0  }
0x36: {  	[tilespmem:s12+$0xFFFFFF80] =	vst v0  }
0x37: {  	s6 =	sshra.s32 s13, $0x2;
	[tilespmem:s12+$0xFFFFFF90] =	vst v0  }
0x38: {  	[tilespmem:s6+$0x8C90] =	vst v0  }
0x39: {  	[tilespmem:s12+$0xFFFFFFB0] =	vst v0  }
0x3a: {  	[tilespmem:s12+$0xFFFFFFA0] =	vst v0  }
0x3b: {  	[tilespmem:s6+$0x8CA0] =	vst v0  }
0x3c: {  	[tilespmem:s12+$0xFFFFFFC0] =	vst v0  }
0x3d: {  	[tilespmem:s12+$0xFFFFFFD0] =	vst v0  }
0x3e: {  	[tilespmem:s6+$0x8CB0] =	vst v0  }
0x3f: {  	[tilespmem:s12+$0xFFFFFFE0] =	vst v0  }
0x40: {  	[tilespmem:s12+$0xFFFFFFF0] =	vst v0  }
.Ltmp0:
0x41: {  	[tilespmem:s6+$0x8CC0] =	vst v0;
	(pc) =	sbr.rel @p0 .LBB2_2-.Ltmp0, $4  }
0x42: {  	[tilespmem:s12+$0x0] =	vst v0  }
0x43: {  	[tilespmem:s12+$0x10] =	vst v0  }
0x44: {  	[tilespmem:s6+$0x8CD0] =	vst v0  }
0x45: {  	[tilespmem:s12+$0x20] =	vst v0  }
0x46: {  	[tilespmem:s3+$0x30] =	vst v0  }
0x47: {  	[tilespmem:s6+$0x8CE0] =	vst v0  }
0x48: {  	[tilespmem:s3+$0x40] =	vst v0  }
0x49: {  	[tilespmem:s3+$0x50] =	vst v0  }
0x4a: {  	[tilespmem:s6+$0x8CF0] =	vst v0  }
0x4b: {  	[tilespmem:s3+$0x60] =	vst v0  }
0x4c: {  	[tilespmem:s3+$0x70] =	vst v0  }
0x4d: {  	s3 =	simm.s32 $0x0;
	[tilespmem:s6+$0x8D00] =	vst v0;
	s6 =	simm.s32 $0x200  }
.LBB2_4:
0x4e: {  	p0 =	sne.s32 s6, $0x1E00;
	[tilespmem:s3+$0x470] =	vst v1  }
0x4f: {  	[tilespmem:s3+$0x400] =	vst v1  }
0x50: {  	[tilespmem:s3+$0x410] =	vst v1  }
.Ltmp1:
0x51: {  	[tilespmem:s3+$0x420] =	vst v1;
	(pc) =	sbr.rel @p0 .LBB2_4-.Ltmp1, $4  }
0x52: {  	[tilespmem:s3+$0x430] =	vst v1  }
0x53: {  	[tilespmem:s3+$0x440] =	vst v1  }
0x54: {  	[tilespmem:s3+$0x450] =	vst v1  }
0x55: {  	[tilespmem:s3+$0x460] =	vst v1;
	s3 =	sshra.s32 s6, $0x2;
	s6 =	sadd.s32 $0x200, s6  }
0x56: {  	[tilespmem:s3+$0x470] =	vst v1  }
0x57: {  	[tilespmem:s3+$0x400] =	vst v1  }
0x58: {  	[tilespmem:s3+$0x410] =	vst v1  }
0x59: {  	[tilespmem:s3+$0x420] =	vst v1  }
0x5a: {  	[tilespmem:s3+$0x430] =	vst v1  }
0x5b: {  	[tilespmem:s3+$0x440] =	vst v1  }
0x5c: {  	[tilespmem:s3+$0x450] =	vst v1  }
0x5d: {  	[tilespmem:s3+$0x460] =	vst v1;
	s6 =	simm.s32 $0xC00  }
0x5e: {  	[spmem:s24] =	stream.linear.scatter [tilespmem:s6], [sflag:$0x7], $0x8100, $0x38;
	[tilespmem:$0x18F00] =	vst v63  }
0x5f: {  	_ =	swait.ge [sflag:s25], $0x8100  }
0x60: {  	[sflag:s25] =	ssyncset.done $0x0  }
0x61: {  	s9 =	simm.s32 $0x8D00;
	s12 =	rddreg [dreg:$0x6];
	[sflag:s25] =	ssyncadd.s32 $0xFFFF7F00  }
0x62: {  	[spmem:s12] =	stream.linear.scatter [tilespmem:s9], [sflag:$0x7], $0x4080, $0x38;
	[tilespmem:$0x18F00] =	vst v63  }
0x63: {  	_ =	swait.ge [sflag:s25], $0x4080  }
0x64: {  	[sflag:s25] =	ssyncset.done $0x0  }
0x65: {  	[sflag:s25] =	ssyncadd.s32 $0xFFFFBF80  }
0x66: {  	[bflag:$0x0] =	sbarrier.arrive $0xFFFF  }
0x67: {  	s13 =	rddreg [dreg:$0x7]  }
0x68: {  	[tilespmem:s5], [sflag:$0x1] =	stream.linear.gather [hbm4b:s13+s5], $0x200, $0x38;
	[tilespmem:$0x18F00] =	vst v63  }
0x69: {  	s18 =	rddreg [dreg:$0x9]  }
0x6a: {  	[tilespmem:s6], [sflag:$0x2] =	stream.strided.gather [hbm4b:s18+s28], $0x4000, s29, s28, $0x38;
	[tilespmem:$0x18F00] =	vst v63  }
0x6b: {  	_ =	swait.ge [sflag:s30], $0x200  }
0x6c: {  	[sflag:s30] =	ssyncset.done $0x0  }
0x6d: {  	s3 =	simm.s32 $0x2;
	[sflag:s30] =	ssyncadd.s32 $0xFFFFFE00  }
0x6e: {  	_ =	swait.ge [sflag:s3], $0x4000  }
0x6f: {  	[sflag:s3] =	ssyncset.done $0x0  }
0x70: {  	[sflag:s3] =	ssyncadd.s32 $0xFFFFC000  }
0x71: {  	[spmem:s2] =	stream.indirect.scatter.add.f32 [tilespmem:s6], [sflag:$0x3], $0x20, s5, s31, $0xb8;
	[tilespmem:$0x18F00] =	vst v63  }
0x72: {  	_ = 	snop  }
0x73: {  	[spmem:s4] =	stream.indirect.scatter.add.f32 [tilespmem:s0], [sflag:$0x3], $0x10, s5, s31, $0xb8;
	[tilespmem:$0x18F00] =	vst v63  }
0x74: {  	s20 =	simm.s32 $0x1C00  }
0x75: {  	[spmem:s2] =	stream.indirect.scatter.add.f32 [tilespmem:s20], [sflag:$0x3], $0x20, s31, s31, $0xb8;
	[tilespmem:$0x18F00] =	vst v63  }
0x76: {  	_ = 	snop  }
0x77: {  	[spmem:s4] =	stream.indirect.scatter.add.f32 [tilespmem:s0], [sflag:$0x3], $0x10, s31, s31, $0xb8;
	[tilespmem:$0x18F00] =	vst v63  }
0x78: {  	s21 =	simm.s32 $0x100;
	s22 =	simm.s32 $0x2C00  }
0x79: {  	[spmem:s2] =	stream.indirect.scatter.add.f32 [tilespmem:s22], [sflag:$0x3], $0x20, s21, s31, $0xb8;
	[tilespmem:$0x18F00] =	vst v63  }
0x7a: {  	_ = 	snop  }
0x7b: {  	[spmem:s4] =	stream.indirect.scatter.add.f32 [tilespmem:s0], [sflag:$0x3], $0x10, s21, s31, $0xb8;
	[tilespmem:$0x18F00] =	vst v63  }
0x7c: {  	s17 =	smov.u32 s24;
	s23 =	simm.s32 $0x180;
	s24 =	simm.s32 $0x3C00  }
0x7d: {  	[spmem:s2] =	stream.indirect.scatter.add.f32 [tilespmem:s24], [sflag:$0x3], $0x20, s23, s31, $0xb8;
	[tilespmem:$0x18F00] =	vst v63  }
0x7e: {  	_ = 	snop  }
0x7f: {  	[spmem:s4] =	stream.indirect.scatter.add.f32 [tilespmem:s0], [sflag:$0x3], $0x10, s23, s31, $0xb8;
	[tilespmem:$0x18F00] =	vst v63  }
0x80: {  	s11 =	simm.s32 $0x200;
	s10 =	rddreg [dreg:$0xc]  }
0x81: {  	[tilespmem:s11], [sflag:$0x1] =	stream.linear.gather [hbm4b:s10+s5], $0x200, $0x38;
	[tilespmem:$0x18F00] =	vst v63  }
0x82: {  	s13 =	simm.s32 $0x4C00;
	s12 =	rddreg [dreg:$0xe]  }
0x83: {  	[tilespmem:s13], [sflag:$0x2] =	stream.strided.gather [hbm4b:s12+s28], $0x4000, s29, s28, $0x38;
	[tilespmem:$0x18F00] =	vst v63  }
0x84: {  	_ =	swait.ge [sflag:s30], $0x200  }
0x85: {  	[sflag:s30] =	ssyncset.done $0x0  }
0x86: {  	[sflag:s30] =	ssyncadd.s32 $0xFFFFFE00  }
0x87: {  	_ =	swait.ge [sflag:s14], $0x4000  }
0x88: {  	[sflag:s14] =	ssyncset.done $0x0  }
0x89: {  	[sflag:s14] =	ssyncadd.s32 $0xFFFFC000  }
0x8a: {  	_ =	swait.ge [sflag:s26], $0x1000  }
0x8b: {  	[sflag:s26] =	ssyncset.done $0x0  }
0x8c: {  	[sflag:s26] =	ssyncadd.s32 $0xFFFFF000  }
0x8d: {  	_ =	swait.ge [sflag:s26], $0x800  }
0x8e: {  	[sflag:s26] =	ssyncset.done $0x0  }
0x8f: {  	[sflag:s26] =	ssyncadd.s32 $0xFFFFF800  }
0x90: {  	_ =	swait.ge [sflag:s26], $0x1000  }
0x91: {  	[sflag:s26] =	ssyncset.done $0x0  }
0x92: {  	[sflag:s26] =	ssyncadd.s32 $0xFFFFF000  }
0x93: {  	_ =	swait.ge [sflag:s26], $0x800  }
0x94: {  	[sflag:s26] =	ssyncset.done $0x0  }
0x95: {  	[sflag:s26] =	ssyncadd.s32 $0xFFFFF800  }
0x96: {  	_ =	swait.ge [sflag:s26], $0x1000  }
0x97: {  	[sflag:s26] =	ssyncset.done $0x0  }
0x98: {  	[sflag:s26] =	ssyncadd.s32 $0xFFFFF000  }
0x99: {  	_ =	swait.ge [sflag:s26], $0x800  }
0x9a: {  	[sflag:s26] =	ssyncset.done $0x0  }
0x9b: {  	[sflag:s26] =	ssyncadd.s32 $0xFFFFF800  }
0x9c: {  	_ =	swait.ge [sflag:s26], $0x1000  }
0x9d: {  	[sflag:s26] =	ssyncset.done $0x0  }
0x9e: {  	s18 =	simm.s32 $0x1;
	[sflag:s26] =	ssyncadd.s32 $0xFFFFF000  }
0x9f: {  	s6 =	sand.u32 $0x1, s18;
	_ =	swait.ge [sflag:s26], $0x800  }
0xa0: {  	s10 =	sshll.u32 s6, $0xE;
	[sflag:s26] =	ssyncset.done $0x0  }
0xa1: {  	s12 =	sor.u32 $0xC00, s10;
	s13 =	sshll.u32 s6, $0x9;
	[sflag:s26] =	ssyncadd.s32 $0xFFFFF800  }
0xa2: {  	[spmem:s2] =	stream.indirect.scatter.add.f32 [tilespmem:s12], [sflag:$0x3], $0x20, s13, s31, $0xb8;
	[tilespmem:$0x18F00] =	vst v63  }
0xa3: {  	p1 =	sne.s32 s7, $0x3;
	s21 =	sxor.u32 $0x1, s6;
	s20 =	sor.u32 $0x1C00, s10  }
0xa4: {  	[spmem:s4] =	stream.indirect.scatter.add.f32 [tilespmem:s0], [sflag:$0x3], $0x10, s13, s31, $0xb8;
	[tilespmem:$0x18F00] =	vst v63  }
0xa5: {  	s22 =	sor.u32 $0x2C00, s10;
	s6 =	simm.s32 $0x3;
	s18 =	sor.u32 $0x80, s13  }
0xa6: {  	[spmem:s2] =	stream.indirect.scatter.add.f32 [tilespmem:s20], [sflag:$0x3], $0x20, s18, s31, $0xb8;
	[tilespmem:$0x18F00] =	vst v63  }
0xa7: {  	s10 =	sor.u32 $0x3C00, s10;
	s23 =	sor.u32 $0x100, s13;
	s24 =	rddreg [dreg:$0xf]  }
0xa8: {  	[spmem:s4] =	stream.indirect.scatter.add.f32 [tilespmem:s0], [sflag:$0x3], $0x10, s18, s31, $0xb8;
	[tilespmem:$0x18F00] =	vst v63  }
0xa9: {  	p0 =	slt.s32 s24, $0x41693;
	s12 =	sor.u32 $0x180, s13;
	s13 =	smov.u32 s24  }
0xaa: {  	[spmem:s2] =	stream.indirect.scatter.add.f32 [tilespmem:s22], [sflag:$0x3], $0x20, s23, s31, $0xb8;
	[tilespmem:$0x18F00] =	vst v63  }
.Ltmp2:
0xab: {  	s13 =	simm.s32 @!p0 $0x41693;
	s18 =	rddreg [dreg:$0x10];
	(pc) =	sbr.rel @!p1 .LBB2_7-.Ltmp2, $4  }
0xac: {  	[spmem:s4] =	stream.indirect.scatter.add.f32 [tilespmem:s0], [sflag:$0x3], $0x10, s23, s31, $0xb8;
	[tilespmem:$0x18F00] =	vst v63  }
0xad: {  	s20 =	sshll.u32 s21, $0xE;
	s22 =	sshll.u32 s13, $0x6;
	s13 =	sadd.s32 $0x400, s18  }
0xae: {  	[spmem:s2] =	stream.indirect.scatter.add.f32 [tilespmem:s10], [sflag:$0x3], $0x20, s12, s31, $0xb8;
	[tilespmem:$0x18F00] =	vst v63  }
0xaf: {  	s23 =	sshll.u32 s21, $0x9;
	s10 =	sor.u32 $0xC00, s20;
	s20 =	smov.u32 s24  }
.LBB2_6:
0xb0: {  	s3 =	smov.u32 s6;
	s22 =	sor.u32 s8, s22  }
0xb1: {  	s20 =	sadd.s32 $0x2000, s20;
	s21 =	smov.u32 s6;
	s6 =	sadd.s32 $0x1, s6  }
0xb2: {  	[spmem:s4] =	stream.indirect.scatter.add.f32 [tilespmem:s0], [sflag:$0x3], $0x10, s12, s31, $0xb8;
	[tilespmem:$0x18F00] =	vst v63  }
0xb3: {  	p0 =	sne.s32 s7, s6;
	s12 =	sshrl.u32 s22, $0x3  }
0xb4: {  	[tilespmem:s23], [sflag:$0x1] =	stream.linear.gather [hbm4b:s18+s5], $0x200, $0x38;
	[tilespmem:$0x18F00] =	vst v63  }
0xb5: {  	s12 =	sadd.s32 s1, s12;
	s18 =	smov.u32 s13  }
0xb6: {  	[tilespmem:s10], [sflag:$0x2] =	stream.strided.gather [hbm4b:s12+s28], $0x4000, s29, s28, $0x38;
	[tilespmem:$0x18F00] =	vst v63  }
0xb7: {  	_ =	swait.ge [sflag:s30], $0x200  }
0xb8: {  	[sflag:s30] =	ssyncset.done $0x0  }
0xb9: {  	[sflag:s30] =	ssyncadd.s32 $0xFFFFFE00  }
0xba: {  	_ =	swait.ge [sflag:s14], $0x4000  }
0xbb: {  	[sflag:s14] =	ssyncset.done $0x0  }
0xbc: {  	[sflag:s14] =	ssyncadd.s32 $0xFFFFC000  }
0xbd: {  	_ =	swait.ge [sflag:s26], $0x1000  }
0xbe: {  	[sflag:s26] =	ssyncset.done $0x0  }
0xbf: {  	[sflag:s26] =	ssyncadd.s32 $0xFFFFF000  }
0xc0: {  	_ =	swait.ge [sflag:s26], $0x800  }
0xc1: {  	[sflag:s26] =	ssyncset.done $0x0  }
0xc2: {  	[sflag:s26] =	ssyncadd.s32 $0xFFFFF800  }
0xc3: {  	_ =	swait.ge [sflag:s26], $0x1000  }
0xc4: {  	[sflag:s26] =	ssyncset.done $0x0  }
0xc5: {  	[sflag:s26] =	ssyncadd.s32 $0xFFFFF000  }
0xc6: {  	_ =	swait.ge [sflag:s26], $0x800  }
0xc7: {  	[sflag:s26] =	ssyncset.done $0x0  }
0xc8: {  	[sflag:s26] =	ssyncadd.s32 $0xFFFFF800  }
0xc9: {  	_ =	swait.ge [sflag:s26], $0x1000  }
0xca: {  	[sflag:s26] =	ssyncset.done $0x0  }
0xcb: {  	[sflag:s26] =	ssyncadd.s32 $0xFFFFF000  }
0xcc: {  	_ =	swait.ge [sflag:s26], $0x800  }
0xcd: {  	s10 =	sadd.s32 $0xFFFFFFFF, s21;
	[sflag:s26] =	ssyncset.done $0x0  }
0xce: {  	s10 =	sand.u32 $0x1, s10;
	[sflag:s26] =	ssyncadd.s32 $0xFFFFF800  }
0xcf: {  	s12 =	sshll.u32 s10, $0xE;
	s21 =	sxor.u32 $0x1, s10;
	_ =	swait.ge [sflag:s26], $0x1000  }
0xd0: {  	s23 =	sshll.u32 s10, $0x9;
	s22 =	sor.u32 $0xC00, s12;
	[sflag:s26] =	ssyncset.done $0x0  }
0xd1: {  	s10 =	sshll.u32 s21, $0xE;
	[sflag:s26] =	ssyncadd.s32 $0xFFFFF000;
	_ =	sdelay $0x1  }
0xd2: {  	s10 =	sor.u32 $0xC00, s10;
	_ =	swait.ge [sflag:s26], $0x800  }
0xd3: {  	[sflag:s26] =	ssyncset.done $0x0  }
0xd4: {  	s24 =	sor.u32 $0x1C00, s12;
	s9 =	sor.u32 $0x80, s23;
	[sflag:s26] =	ssyncadd.s32 $0xFFFFF800  }
0xd5: {  	[spmem:s2] =	stream.indirect.scatter.add.f32 [tilespmem:s22], [sflag:$0x3], $0x20, s23, s31, $0xb8;
	[tilespmem:$0x18F00] =	vst v63  }
0xd6: {  	_ = 	snop  }
0xd7: {  	[spmem:s4] =	stream.indirect.scatter.add.f32 [tilespmem:s0], [sflag:$0x3], $0x10, s23, s31, $0xb8;
	[tilespmem:$0x18F00] =	vst v63  }
0xd8: {  	s11 =	sor.u32 $0x100, s23;
	s22 =	sor.u32 $0x2C00, s12  }
0xd9: {  	[spmem:s2] =	stream.indirect.scatter.add.f32 [tilespmem:s24], [sflag:$0x3], $0x20, s9, s31, $0xb8;
	[tilespmem:$0x18F00] =	vst v63  }
0xda: {  	_ = 	snop  }
0xdb: {  	[spmem:s4] =	stream.indirect.scatter.add.f32 [tilespmem:s0], [sflag:$0x3], $0x10, s9, s31, $0xb8;
	[tilespmem:$0x18F00] =	vst v63  }
0xdc: {  	p1 =	slt.s32 s20, $0x41693;
	s9 =	sor.u32 $0x3C00, s12;
	s12 =	sor.u32 $0x180, s23  }
0xdd: {  	[spmem:s2] =	stream.indirect.scatter.add.f32 [tilespmem:s22], [sflag:$0x3], $0x20, s11, s31, $0xb8;
	[tilespmem:$0x18F00] =	vst v63  }
.Ltmp3:
0xde: {  	s22 =	smov.u32 s20;
	(pc) =	sbr.rel @p0 .LBB2_6-.Ltmp3, $4  }
0xdf: {  	s22 =	simm.s32 @!p1 $0x41693  }
0xe0: {  	[spmem:s4] =	stream.indirect.scatter.add.f32 [tilespmem:s0], [sflag:$0x3], $0x10, s11, s31, $0xb8;
	[tilespmem:$0x18F00] =	vst v63  }
0xe1: {  	s13 =	sadd.s32 $0x400, s13;
	s23 =	sshll.u32 s21, $0x9;
	s22 =	sshll.u32 s22, $0x6  }
0xe2: {  	[spmem:s2] =	stream.indirect.scatter.add.f32 [tilespmem:s9], [sflag:$0x3], $0x20, s12, s31, $0xb8;
	[tilespmem:$0x18F00] =	vst v63  }
.LBB2_7:
0xe3: {  	s6 =	sor.u32 s8, s22  }
0xe4: {  	[spmem:s4] =	stream.indirect.scatter.add.f32 [tilespmem:s0], [sflag:$0x3], $0x10, s12, s31, $0xb8;
	[tilespmem:$0x18F00] =	vst v63  }
0xe5: {  	s6 =	sshrl.u32 s6, $0x3  }
0xe6: {  	[tilespmem:s23], [sflag:$0x1] =	stream.linear.gather [hbm4b:s18+s5], $0x200, $0x38;
	[tilespmem:$0x18F00] =	vst v63  }
0xe7: {  	s6 =	sadd.s32 s1, s6  }
0xe8: {  	[tilespmem:s10], [sflag:$0x2] =	stream.strided.gather [hbm4b:s6+s28], $0x4000, s29, s28, $0x38;
	[tilespmem:$0x18F00] =	vst v63  }
0xe9: {  	_ =	swait.ge [sflag:s30], $0x200  }
0xea: {  	[sflag:s30] =	ssyncset.done $0x0  }
0xeb: {  	[sflag:s30] =	ssyncadd.s32 $0xFFFFFE00  }
0xec: {  	_ =	swait.ge [sflag:s14], $0x4000  }
0xed: {  	[sflag:s14] =	ssyncset.done $0x0  }
0xee: {  	[sflag:s14] =	ssyncadd.s32 $0xFFFFC000  }
0xef: {  	_ =	swait.ge [sflag:s26], $0x1000  }
0xf0: {  	[sflag:s26] =	ssyncset.done $0x0  }
0xf1: {  	[sflag:s26] =	ssyncadd.s32 $0xFFFFF000  }
0xf2: {  	_ =	swait.ge [sflag:s26], $0x800  }
0xf3: {  	[sflag:s26] =	ssyncset.done $0x0  }
0xf4: {  	[sflag:s26] =	ssyncadd.s32 $0xFFFFF800  }
0xf5: {  	_ =	swait.ge [sflag:s26], $0x1000  }
0xf6: {  	[sflag:s26] =	ssyncset.done $0x0  }
0xf7: {  	[sflag:s26] =	ssyncadd.s32 $0xFFFFF000  }
0xf8: {  	_ =	swait.ge [sflag:s26], $0x800  }
0xf9: {  	[sflag:s26] =	ssyncset.done $0x0  }
0xfa: {  	[sflag:s26] =	ssyncadd.s32 $0xFFFFF800  }
0xfb: {  	_ =	swait.ge [sflag:s26], $0x1000  }
0xfc: {  	[sflag:s26] =	ssyncset.done $0x0  }
0xfd: {  	[sflag:s26] =	ssyncadd.s32 $0xFFFFF000  }
0xfe: {  	_ =	swait.ge [sflag:s26], $0x800  }
0xff: {  	[sflag:s26] =	ssyncset.done $0x0  }
0x100: {  	[sflag:s26] =	ssyncadd.s32 $0xFFFFF800  }
0x101: {  	_ =	swait.ge [sflag:s26], $0x1000  }
0x102: {  	[sflag:s26] =	ssyncset.done $0x0  }
0x103: {  	[sflag:s26] =	ssyncadd.s32 $0xFFFFF000  }
0x104: {  	s3 =	sand.u32 $0x1, s3;
	_ =	swait.ge [sflag:s26], $0x800  }
0x105: {  	s24 =	sshll.u32 s3, $0xE;
	[sflag:s26] =	ssyncset.done $0x0  }
0x106: {  	s3 =	sshll.u32 s3, $0x9;
	s9 =	sor.u32 $0xC00, s24;
	[sflag:s26] =	ssyncadd.s32 $0xFFFFF800  }
0x107: {  	[spmem:s2] =	stream.indirect.scatter.add.f32 [tilespmem:s9], [sflag:$0x3], $0x20, s3, s31, $0xb8;
	[tilespmem:$0x18F00] =	vst v63  }
0x108: {  	_ = 	snop  }
0x109: {  	[spmem:s4] =	stream.indirect.scatter.add.f32 [tilespmem:s0], [sflag:$0x3], $0x10, s3, s31, $0xb8;
	[tilespmem:$0x18F00] =	vst v63  }
0x10a: {  	s11 =	sor.u32 $0x1C00, s24;
	s12 =	sor.u32 $0x80, s3  }
0x10b: {  	[spmem:s2] =	stream.indirect.scatter.add.f32 [tilespmem:s11], [sflag:$0x3], $0x20, s12, s31, $0xb8;
	[tilespmem:$0x18F00] =	vst v63  }
0x10c: {  	_ = 	snop  }
0x10d: {  	[spmem:s4] =	stream.indirect.scatter.add.f32 [tilespmem:s0], [sflag:$0x3], $0x10, s12, s31, $0xb8;
	[tilespmem:$0x18F00] =	vst v63  }
0x10e: {  	s13 =	sor.u32 $0x2C00, s24;
	s18 =	sor.u32 $0x100, s3  }
0x10f: {  	[spmem:s2] =	stream.indirect.scatter.add.f32 [tilespmem:s13], [sflag:$0x3], $0x20, s18, s31, $0xb8;
	[tilespmem:$0x18F00] =	vst v63  }
0x110: {  	_ = 	snop  }
0x111: {  	[spmem:s4] =	stream.indirect.scatter.add.f32 [tilespmem:s0], [sflag:$0x3], $0x10, s18, s31, $0xb8;
	[tilespmem:$0x18F00] =	vst v63  }
0x112: {  	s6 =	sor.u32 $0x3C00, s24;
	s3 =	sor.u32 $0x180, s3  }
0x113: {  	[spmem:s2] =	stream.indirect.scatter.add.f32 [tilespmem:s6], [sflag:$0x3], $0x20, s3, s31, $0xb8;
	[tilespmem:$0x18F00] =	vst v63  }
0x114: {  	_ = 	snop  }
0x115: {  	[spmem:s4] =	stream.indirect.scatter.add.f32 [tilespmem:s0], [sflag:$0x3], $0x10, s3, s31, $0xb8;
	[tilespmem:$0x18F00] =	vst v63  }
0x116: {  	_ =	swait.ge [sflag:s26], $0x1000  }
0x117: {  	[sflag:s26] =	ssyncset.done $0x0  }
0x118: {  	[sflag:s26] =	ssyncadd.s32 $0xFFFFF000  }
0x119: {  	_ =	swait.ge [sflag:s26], $0x800  }
0x11a: {  	[sflag:s26] =	ssyncset.done $0x0  }
0x11b: {  	[sflag:s26] =	ssyncadd.s32 $0xFFFFF800  }
0x11c: {  	_ =	swait.ge [sflag:s26], $0x1000  }
0x11d: {  	[sflag:s26] =	ssyncset.done $0x0  }
0x11e: {  	[sflag:s26] =	ssyncadd.s32 $0xFFFFF000  }
0x11f: {  	_ =	swait.ge [sflag:s26], $0x800  }
0x120: {  	[sflag:s26] =	ssyncset.done $0x0  }
0x121: {  	[sflag:s26] =	ssyncadd.s32 $0xFFFFF800  }
0x122: {  	_ =	swait.ge [sflag:s26], $0x1000  }
0x123: {  	[sflag:s26] =	ssyncset.done $0x0  }
0x124: {  	[sflag:s26] =	ssyncadd.s32 $0xFFFFF000  }
0x125: {  	_ =	swait.ge [sflag:s26], $0x800  }
0x126: {  	[sflag:s26] =	ssyncset.done $0x0  }
0x127: {  	[sflag:s26] =	ssyncadd.s32 $0xFFFFF800  }
0x128: {  	_ =	swait.ge [sflag:s26], $0x1000  }
0x129: {  	[sflag:s26] =	ssyncset.done $0x0  }
0x12a: {  	[sflag:s26] =	ssyncadd.s32 $0xFFFFF000  }
0x12b: {  	_ =	swait.ge [sflag:s26], $0x800  }
0x12c: {  	[sflag:s26] =	ssyncset.done $0x0  }
0x12d: {  	[sflag:s26] =	ssyncadd.s32 $0xFFFFF800  }
0x12e: {  	s20 =	simm.s32 $0xC00;
	[bflag:$0x0] =	sbarrier.arrive $0xFFFF  }
0x12f: {  	[tilespmem:s20], [sflag:$0x7] =	stream.linear.gather [spmem:s17], $0x8100, $0x38;
	[tilespmem:$0x18F00] =	vst v63  }
0x130: {  	_ =	swait.ge [sflag:s25], $0x8100  }
0x131: {  	[sflag:s25] =	ssyncset.done $0x0  }
0x132: {  	s22 =	simm.s32 $0x8D00;
	s21 =	rddreg [dreg:$0x6];
	[sflag:s25] =	ssyncadd.s32 $0xFFFF7F00  }
0x133: {  	[tilespmem:s22], [sflag:$0x7] =	stream.linear.gather [spmem:s21], $0x4080, $0x38;
	[tilespmem:$0x18F00] =	vst v63  }
0x134: {  	_ =	swait.ge [sflag:s25], $0x4080  }
0x135: {  	[sflag:s25] =	ssyncset.done $0x0  }
0x136: {  	s23 =	simm.s32 $0x70;
	[sflag:s25] =	ssyncadd.s32 $0xFFFFBF80  }
0x137: {  	v2 =	vld [tilespmem:s23+$0x8C90];
	_ =	sdelay $0x4  }
0x138: {  	v2 =	vadd.f32 $1.000000020e-16, v2;
	_ =	sdelay $0x1  }
0x139: {  	(erf) = vrcp.f32 v2;
	_ =	sdelay $0x3  }
0x13a: {  	s18 =	simm.s32 $0xC80  }
0x13b: {  	v2 =	vld [tilespmem:s18+$0xFFFFFF80]  }
0x13c: {  	v3 =	vld [tilespmem:s18+$0xFFFFFF90];
	_ =	sdelay $0x2  }
0x13d: {  	v4 =	vpop (erf)  }
0x13e: {  	v2 =	vmul.f32 v4, v2  }
0x13f: {  	v3 =	vmul.f32 v3, v4  }
0x140: {  	[tilespmem:s18+$0xFFFFFF80] =	vst v2  }
0x141: {  	[tilespmem:s18+$0xFFFFFF90] =	vst v3  }
0x142: {  	v2 =	vld [tilespmem:s23+$0x8CA0];
	_ =	sdelay $0x4  }
0x143: {  	v2 =	vadd.f32 $1.000000020e-16, v2;
	_ =	sdelay $0x1  }
0x144: {  	(erf) = vrcp.f32 v2;
	_ =	sdelay $0x4  }
0x145: {  	v2 =	vld [tilespmem:s18+$0xFFFFFFA0]  }
0x146: {  	v3 =	vld [tilespmem:s18+$0xFFFFFFB0];
	_ =	sdelay $0x2  }
0x147: {  	v4 =	vpop (erf)  }
0x148: {  	v2 =	vmul.f32 v4, v2  }
0x149: {  	v3 =	vmul.f32 v3, v4  }
0x14a: {  	[tilespmem:s18+$0xFFFFFFA0] =	vst v2  }
0x14b: {  	[tilespmem:s18+$0xFFFFFFB0] =	vst v3  }
0x14c: {  	v2 =	vld [tilespmem:s23+$0x8CB0];
	_ =	sdelay $0x4  }
0x14d: {  	v2 =	vadd.f32 $1.000000020e-16, v2;
	_ =	sdelay $0x1  }
0x14e: {  	(erf) = vrcp.f32 v2;
	_ =	sdelay $0x4  }
0x14f: {  	v2 =	vld [tilespmem:s18+$0xFFFFFFC0]  }
0x150: {  	v3 =	vld [tilespmem:s18+$0xFFFFFFD0];
	_ =	sdelay $0x2  }
0x151: {  	v4 =	vpop (erf)  }
0x152: {  	v2 =	vmul.f32 v4, v2  }
0x153: {  	v3 =	vmul.f32 v3, v4  }
0x154: {  	[tilespmem:s18+$0xFFFFFFC0] =	vst v2  }
0x155: {  	[tilespmem:s18+$0xFFFFFFD0] =	vst v3  }
0x156: {  	v2 =	vld [tilespmem:s23+$0x8CC0];
	_ =	sdelay $0x4  }
0x157: {  	v2 =	vadd.f32 $1.000000020e-16, v2;
	_ =	sdelay $0x1  }
0x158: {  	(erf) = vrcp.f32 v2;
	_ =	sdelay $0x4  }
0x159: {  	v2 =	vld [tilespmem:s18+$0xFFFFFFE0]  }
0x15a: {  	v3 =	vld [tilespmem:s18+$0xFFFFFFF0];
	_ =	sdelay $0x2  }
0x15b: {  	v4 =	vpop (erf)  }
0x15c: {  	v2 =	vmul.f32 v4, v2  }
0x15d: {  	v3 =	vmul.f32 v3, v4  }
0x15e: {  	[tilespmem:s18+$0xFFFFFFE0] =	vst v2  }
0x15f: {  	[tilespmem:s18+$0xFFFFFFF0] =	vst v3  }
0x160: {  	v2 =	vld [tilespmem:s23+$0x8CD0];
	_ =	sdelay $0x4  }
0x161: {  	v2 =	vadd.f32 $1.000000020e-16, v2;
	_ =	sdelay $0x1  }
0x162: {  	(erf) = vrcp.f32 v2;
	_ =	sdelay $0x4  }
0x163: {  	v2 =	vld [tilespmem:s18+$0x0]  }
0x164: {  	v3 =	vld [tilespmem:s18+$0x10];
	_ =	sdelay $0x2  }
0x165: {  	v4 =	vpop (erf)  }
0x166: {  	v2 =	vmul.f32 v4, v2  }
0x167: {  	v3 =	vmul.f32 v3, v4  }
0x168: {  	[tilespmem:s18+$0x0] =	vst v2  }
0x169: {  	[tilespmem:s18+$0x10] =	vst v3  }
0x16a: {  	v2 =	vld [tilespmem:s23+$0x8CE0];
	_ =	sdelay $0x4  }
0x16b: {  	v2 =	vadd.f32 $1.000000020e-16, v2;
	_ =	sdelay $0x1  }
0x16c: {  	(erf) = vrcp.f32 v2;
	_ =	sdelay $0x4  }
0x16d: {  	v2 =	vld [tilespmem:s18+$0x20]  }
0x16e: {  	v3 =	vld [tilespmem:s18+$0x30];
	_ =	sdelay $0x2  }
0x16f: {  	v4 =	vpop (erf)  }
0x170: {  	v5 =	vmul.f32 v4, v2  }
0x171: {  	v3 =	vmul.f32 v3, v4  }
0x172: {  	[tilespmem:s18+$0x20] =	vst v5  }
0x173: {  	[tilespmem:s18+$0x30] =	vst v3  }
0x174: {  	v3 =	vld [tilespmem:s23+$0x8CF0];
	_ =	sdelay $0x4  }
0x175: {  	v3 =	vadd.f32 $1.000000020e-16, v3;
	_ =	sdelay $0x1  }
0x176: {  	(erf) = vrcp.f32 v3;
	_ =	sdelay $0x4  }
0x177: {  	v3 =	vld [tilespmem:s18+$0x40]  }
0x178: {  	v4 =	vld [tilespmem:s18+$0x50];
	_ =	sdelay $0x2  }
0x179: {  	v5 =	vpop (erf)  }
0x17a: {  	v6 =	vmul.f32 v5, v3  }
0x17b: {  	v4 =	vmul.f32 v4, v5  }
0x17c: {  	[tilespmem:s18+$0x40] =	vst v6  }
0x17d: {  	[tilespmem:s18+$0x50] =	vst v4  }
0x17e: {  	v4 =	vld [tilespmem:s23+$0x8D00];
	_ =	sdelay $0x4  }
0x17f: {  	v4 =	vadd.f32 $1.000000020e-16, v4  }
0x180: {  	v2 =	vld [tilespmem:s18+$0x60]  }
0x181: {  	s24 =	smov.u32 s17;
	s6 =	simm.s32 $0x3C0;
	s3 =	simm.s32 $0xC80;
	v3 =	vld [tilespmem:s18+$0x70];
	(erf) = vrcp.f32 v4  }
.LBB2_8:
0x182: {  	_ =	sdelay $0x2  }
0x183: {  	p0 =	sne.s32 s6, $0x101C0  }
0x184: {  	s18 =	sadd.s32 $0x100, s18;
	s9 =	smov.u32 s6;
	s6 =	sadd.s32 $0x200, s6  }
0x185: {  	_ =	sdelay $0x2  }
0x186: {  	v4 =	vpop (erf)  }
0x187: {  	v2 =	vmul.f32 v4, v2;
	v3 =	vmul.f32 v3, v4;
	_ =	sdelay $0x1  }
0x188: {  	[tilespmem:s3+$0x60] =	vst v2  }
0x189: {  	s13 =	sshra.s32 s9, $0x2;
	v2 =	vld [tilespmem:s18+$0x60];
	[tilespmem:s3+$0x70] =	vst v3;
	s3 =	smov.u32 s18  }
0x18a: {  	v4 =	vld [tilespmem:s13+$0x8C90]  }
0x18b: {  	v3 =	vld [tilespmem:s18+$0x70];
	_ =	sdelay $0x3  }
0x18c: {  	v4 =	vadd.f32 $1.000000020e-16, v4;
	_ =	sdelay $0x1  }
0x18d: {  	(erf) = vrcp.f32 v4;
	_ =	sdelay $0x3  }
0x18e: {  	v4 =	vld [tilespmem:s18+$0xFFFFFF90]  }
0x18f: {  	v5 =	vld [tilespmem:s18+$0xFFFFFF80];
	_ =	sdelay $0x3  }
0x190: {  	v6 =	vpop (erf)  }
0x191: {  	v5 =	vmul.f32 v6, v5;
	v4 =	vmul.f32 v4, v6;
	_ =	sdelay $0x1  }
0x192: {  	[tilespmem:s18+$0xFFFFFF80] =	vst v5  }
0x193: {  	[tilespmem:s18+$0xFFFFFF90] =	vst v4  }
0x194: {  	v4 =	vld [tilespmem:s13+$0x8CA0];
	_ =	sdelay $0x4  }
0x195: {  	v4 =	vadd.f32 $1.000000020e-16, v4;
	_ =	sdelay $0x1  }
0x196: {  	(erf) = vrcp.f32 v4;
	_ =	sdelay $0x3  }
0x197: {  	v4 =	vld [tilespmem:s18+$0xFFFFFFB0]  }
0x198: {  	v5 =	vld [tilespmem:s18+$0xFFFFFFA0];
	_ =	sdelay $0x3  }
0x199: {  	v6 =	vpop (erf)  }
0x19a: {  	v5 =	vmul.f32 v6, v5;
	v4 =	vmul.f32 v4, v6;
	_ =	sdelay $0x1  }
0x19b: {  	[tilespmem:s18+$0xFFFFFFA0] =	vst v5  }
0x19c: {  	[tilespmem:s18+$0xFFFFFFB0] =	vst v4  }
0x19d: {  	v4 =	vld [tilespmem:s13+$0x8CB0];
	_ =	sdelay $0x4  }
0x19e: {  	v4 =	vadd.f32 $1.000000020e-16, v4;
	_ =	sdelay $0x1  }
0x19f: {  	(erf) = vrcp.f32 v4;
	_ =	sdelay $0x3  }
0x1a0: {  	v4 =	vld [tilespmem:s18+$0xFFFFFFD0]  }
0x1a1: {  	v5 =	vld [tilespmem:s18+$0xFFFFFFC0];
	_ =	sdelay $0x3  }
0x1a2: {  	v6 =	vpop (erf)  }
0x1a3: {  	v5 =	vmul.f32 v6, v5;
	v4 =	vmul.f32 v4, v6;
	_ =	sdelay $0x1  }
0x1a4: {  	[tilespmem:s18+$0xFFFFFFC0] =	vst v5  }
0x1a5: {  	[tilespmem:s18+$0xFFFFFFD0] =	vst v4  }
0x1a6: {  	v4 =	vld [tilespmem:s13+$0x8CC0];
	_ =	sdelay $0x4  }
0x1a7: {  	v4 =	vadd.f32 $1.000000020e-16, v4;
	_ =	sdelay $0x1  }
0x1a8: {  	(erf) = vrcp.f32 v4;
	_ =	sdelay $0x1  }
0x1a9: {  	v4 =	vld [tilespmem:s18+$0xFFFFFFF0];
	_ =	sdelay $0x2  }
0x1aa: {  	v5 =	vld [tilespmem:s18+$0xFFFFFFE0];
	_ =	sdelay $0x3  }
0x1ab: {  	v6 =	vpop (erf)  }
0x1ac: {  	v5 =	vmul.f32 v6, v5;
	v4 =	vmul.f32 v4, v6;
	_ =	sdelay $0x1  }
0x1ad: {  	[tilespmem:s18+$0xFFFFFFE0] =	vst v5  }
0x1ae: {  	[tilespmem:s18+$0xFFFFFFF0] =	vst v4  }
0x1af: {  	v4 =	vld [tilespmem:s13+$0x8CD0];
	_ =	sdelay $0x4  }
0x1b0: {  	v4 =	vadd.f32 $1.000000020e-16, v4;
	_ =	sdelay $0x1  }
0x1b1: {  	(erf) = vrcp.f32 v4;
	_ =	sdelay $0x3  }
0x1b2: {  	v4 =	vld [tilespmem:s18+$0x10]  }
0x1b3: {  	v5 =	vld [tilespmem:s18+$0x0];
	_ =	sdelay $0x3  }
0x1b4: {  	v6 =	vpop (erf)  }
0x1b5: {  	v5 =	vmul.f32 v6, v5;
	v4 =	vmul.f32 v4, v6;
	_ =	sdelay $0x1  }
0x1b6: {  	[tilespmem:s18+$0x0] =	vst v5  }
0x1b7: {  	[tilespmem:s18+$0x10] =	vst v4  }
0x1b8: {  	v4 =	vld [tilespmem:s13+$0x8CE0];
	_ =	sdelay $0x4  }
0x1b9: {  	v4 =	vadd.f32 $1.000000020e-16, v4;
	_ =	sdelay $0x1  }
0x1ba: {  	(erf) = vrcp.f32 v4;
	_ =	sdelay $0x3  }
0x1bb: {  	v4 =	vld [tilespmem:s18+$0x30]  }
0x1bc: {  	v5 =	vld [tilespmem:s18+$0x20];
	_ =	sdelay $0x3  }
0x1bd: {  	v6 =	vpop (erf)  }
0x1be: {  	v5 =	vmul.f32 v6, v5;
	v4 =	vmul.f32 v4, v6;
	_ =	sdelay $0x1  }
0x1bf: {  	[tilespmem:s18+$0x20] =	vst v5  }
0x1c0: {  	[tilespmem:s18+$0x30] =	vst v4  }
0x1c1: {  	v4 =	vld [tilespmem:s13+$0x8CF0];
	_ =	sdelay $0x4  }
0x1c2: {  	v4 =	vadd.f32 $1.000000020e-16, v4;
	_ =	sdelay $0x1  }
0x1c3: {  	(erf) = vrcp.f32 v4;
	_ =	sdelay $0x3  }
0x1c4: {  	v4 =	vld [tilespmem:s18+$0x50]  }
0x1c5: {  	v5 =	vld [tilespmem:s18+$0x40];
	_ =	sdelay $0x3  }
0x1c6: {  	v6 =	vpop (erf)  }
0x1c7: {  	v5 =	vmul.f32 v6, v5;
	v4 =	vmul.f32 v4, v6;
	_ =	sdelay $0x1  }
0x1c8: {  	[tilespmem:s18+$0x40] =	vst v5  }
0x1c9: {  	[tilespmem:s18+$0x50] =	vst v4  }
0x1ca: {  	v4 =	vld [tilespmem:s13+$0x8D00];
	_ =	sdelay $0x2  }
.Ltmp4:
0x1cb: {  	(pc) =	sbr.rel @p0 .LBB2_8-.Ltmp4, $3  }
0x1cc: {  	_ = 	snop  }
0x1cd: {  	v4 =	vadd.f32 $1.000000020e-16, v4;
	_ =	sdelay $0x1  }
0x1ce: {  	(erf) = vrcp.f32 v4  }
0x1cf: {  	_ =	sdelay $0x7  }
0x1d0: {  	v4 =	vpop (erf)  }
0x1d1: {  	v2 =	vmul.f32 v4, v2  }
0x1d2: {  	v3 =	vmul.f32 v3, v4  }
0x1d3: {  	[tilespmem:s3+$0x60] =	vst v2  }
0x1d4: {  	s22 =	simm.s32 $0xC00;
	[tilespmem:s3+$0x70] =	vst v3  }
0x1d5: {  	[spmem:s24] =	stream.linear.scatter [tilespmem:s22], [sflag:$0x7], $0x8100, $0x38;
	[tilespmem:$0x18F00] =	vst v63  }
0x1d6: {  	p0 =	sne.s32 s7, $0x2;
	_ =	swait.ge [sflag:s25], $0x8100  }
.Ltmp5:
0x1d7: {  	[sflag:s25] =	ssyncset.done $0x0;
	(pc) =	sbr.rel @!p0 .LBB2_10-.Ltmp5, $4  }
0x1d8: {  	[sflag:s25] =	ssyncadd.s32 $0xFFFF7F00  }
0x1d9: {  	s10 =	simm.s32 $0x1;
	[bflag:$0x0] =	sbarrier.arrive $0xFFFF  }
0x1da: {  	p1 =	por $0x0, $0x0;
	s3 =	simm.s32 $0x2;
	s23 =	rddreg [dreg:$0xa]  }
0x1db: {  	[tilespmem:s5], [sflag:$0x1] =	stream.linear.gather [hbm4b:s23+s5], $0x200, $0x38;
	[tilespmem:$0x18F00] =	vst v63  }
0x1dc: {  	s6 =	simm.s32 $0x0  }
0x1dd: {  	p1 =	por $0x1, $0x1;
	_ =	swait.ge [sflag:s30], $0x200;
	s6 =	sand.u32 $0x1, s6  }
0x1de: {  	[sflag:s30] =	ssyncset.done $0x0;
	s10 =	simm.s32 @!p1 $0x6;
	p0 =	seq.s32 s6, $0x1  }
0x1df: {  	s17 =	rddreg [dreg:$0x11];
	s9 =	sshll.u32 s6, $0x9;
	p2 =	por !p0, p1  }
0x1e0: {  	[sflag:s30] =	ssyncadd.s32 $0xFFFFFE00;
	s11 =	sxor.u32 $0x200, s9;
	s10 =	simm.s32 @p2 $0x5  }
0x1e1: {  	[tilespmem:s11], [sflag:$0x1] =	stream.linear.gather [hbm4b:s17+s5], $0x200, $0x38;
	[tilespmem:$0x18F00] =	vst v63  }
0x1e2: {  	_ =	swait.ge @!p1 [sflag:s10], $0x4000  }
0x1e3: {  	s6 =	sshll.u32 s6, $0xE;
	[sflag:s10] =	ssyncset.done @!p1 $0x0  }
0x1e4: {  	s12 =	sor.u32 $0xC00, s6;
	[sflag:s10] =	ssyncadd.s32 @!p1 $0xFFFFC000  }
0x1e5: {  	[tilespmem:s12], [sflag:$0x4] =	stream.indirect.gather [spmem:s2], $0x20, s9, s31, $0xb8;
	[tilespmem:$0x18F00] =	vst v63  }
0x1e6: {  	s18 =	sor.u32 $0x1C00, s6;
	s20 =	sor.u32 $0x80, s9  }
0x1e7: {  	[tilespmem:s18], [sflag:$0x4] =	stream.indirect.gather [spmem:s2], $0x20, s20, s31, $0xb8;
	[tilespmem:$0x18F00] =	vst v63  }
0x1e8: {  	s21 =	sor.u32 $0x2C00, s6;
	s22 =	sor.u32 $0x100, s9  }
0x1e9: {  	[tilespmem:s21], [sflag:$0x4] =	stream.indirect.gather [spmem:s2], $0x20, s22, s31, $0xb8;
	[tilespmem:$0x18F00] =	vst v63  }
0x1ea: {  	s6 =	sor.u32 $0x3C00, s6;
	s9 =	sor.u32 $0x180, s9  }
0x1eb: {  	[tilespmem:s6], [sflag:$0x4] =	stream.indirect.gather [spmem:s2], $0x20, s9, s31, $0xb8;
	[tilespmem:$0x18F00] =	vst v63  }
0x1ec: {  	_ =	swait.ge [sflag:s15], $0x1000  }
0x1ed: {  	[sflag:s15] =	ssyncset.done $0x0  }
0x1ee: {  	[sflag:s15] =	ssyncadd.s32 $0xFFFFF000  }
0x1ef: {  	_ =	swait.ge [sflag:s15], $0x1000  }
0x1f0: {  	p2 =	sne.s32 s7, $0x3;
	[sflag:s15] =	ssyncset.done $0x0  }
.Ltmp6:
0x1f1: {  	[sflag:s15] =	ssyncadd.s32 $0xFFFFF000;
	(pc) =	sbr.rel @!p2 .LBB2_12-.Ltmp6, $4  }
0x1f2: {  	_ =	swait.ge [sflag:s15], $0x1000  }
0x1f3: {  	s13 =	simm.s32 $0x3;
	p1 =	por $0x1, $0x1;
	s23 =	rddreg [dreg:$0x8]  }
0x1f4: {  	[sflag:s15] =	ssyncset.done $0x0;
	s6 =	sadd.s32 $0x2000, s23;
	s23 =	rddreg [dreg:$0x12]  }
0x1f5: {  	s20 =	sadd.s32 $0x400, s17;
	[sflag:s15] =	ssyncadd.s32 $0xFFFFF000;
	s18 =	sadd.s32 $0x10000, s23  }
.LBB2_13:
0x1f6: {  	s10 =	smov.u32 s13;
	s9 =	sadd.s32 $0xFFFFFFFF, s3;
	s11 =	simm.s32 $0x6  }
0x1f7: {  	s3 =	smov.u32 s13;
	_ =	swait.ge [sflag:s15], $0x1000;
	s11 =	simm.s32 @!p0 $0x5  }
0x1f8: {  	s21 =	sand.u32 $0x1, s9;
	p3 =	slt.u32 s9, $0x2;
	[sflag:s15] =	ssyncset.done $0x0  }
0x1f9: {  	s9 =	sshll.u32 s21, $0x9;
	p0 =	seq.s32 s21, $0x1;
	[sflag:s15] =	ssyncadd.s32 $0xFFFFF000  }
0x1fa: {  	[hbm4b:s23+s28] =	stream.strided.scatter [tilespmem:s12], [sflag:s11], $0x4000, s29, s28, $0x38;
	[tilespmem:$0x18F00] =	vst v63  }
0x1fb: {  	p2 =	por !p0, p3;
	s11 =	sshll.u32 s21, $0xE;
	_ =	swait.ge [sflag:s30], $0x200  }
0x1fc: {  	s13 =	sadd.s32 $0x1, s13;
	s12 =	simm.s32 @!p3 $0x6;
	[sflag:s30] =	ssyncset.done $0x0  }
0x1fd: {  	s21 =	sxor.u32 $0x200, s9;
	s12 =	simm.s32 @p2 $0x5;
	[sflag:s30] =	ssyncadd.s32 $0xFFFFFE00  }
0x1fe: {  	[tilespmem:s21], [sflag:$0x1] =	stream.linear.gather [hbm4b:s20+s5], $0x200, $0x38;
	[tilespmem:$0x18F00] =	vst v63  }
0x1ff: {  	s23 =	smov.u32 s18;
	p2 =	sne.s32 s7, s13;
	_ =	swait.ge @!p3 [sflag:s12], $0x4000  }
0x200: {  	[sflag:s12] =	ssyncset.done @!p3 $0x0  }
0x201: {  	[sflag:s12] =	ssyncadd.s32 @!p3 $0xFFFFC000;
	s12 =	sor.u32 $0xC00, s11  }
0x202: {  	[tilespmem:s12], [sflag:$0x4] =	stream.indirect.gather [spmem:s2], $0x20, s9, s31, $0xb8;
	[tilespmem:$0x18F00] =	vst v63  }
0x203: {  	s22 =	sor.u32 $0x80, s9;
	s21 =	sor.u32 $0x1C00, s11  }
0x204: {  	[tilespmem:s21], [sflag:$0x4] =	stream.indirect.gather [spmem:s2], $0x20, s22, s31, $0xb8;
	[tilespmem:$0x18F00] =	vst v63  }
0x205: {  	s21 =	sor.u32 $0x2C00, s11;
	s22 =	sor.u32 $0x100, s9  }
0x206: {  	[tilespmem:s21], [sflag:$0x4] =	stream.indirect.gather [spmem:s2], $0x20, s22, s31, $0xb8;
	[tilespmem:$0x18F00] =	vst v63  }
0x207: {  	s11 =	sor.u32 $0x3C00, s11;
	s9 =	sor.u32 $0x180, s9  }
0x208: {  	[tilespmem:s11], [sflag:$0x4] =	stream.indirect.gather [spmem:s2], $0x20, s9, s31, $0xb8;
	[tilespmem:$0x18F00] =	vst v63  }
0x209: {  	_ =	swait.ge [sflag:s15], $0x1000  }
0x20a: {  	[sflag:s15] =	ssyncset.done $0x0  }
0x20b: {  	[sflag:s15] =	ssyncadd.s32 $0xFFFFF000  }
0x20c: {  	_ =	swait.ge [sflag:s15], $0x1000  }
.Ltmp7:
0x20d: {  	[sflag:s15] =	ssyncset.done $0x0;
	(pc) =	sbr.rel @p2 .LBB2_13-.Ltmp7, $4  }
0x20e: {  	[sflag:s15] =	ssyncadd.s32 $0xFFFFF000  }
0x20f: {  	_ =	swait.ge [sflag:s15], $0x1000  }
0x210: {  	s6 =	sadd.s32 $0x2000, s6;
	[sflag:s15] =	ssyncset.done $0x0  }
0x211: {  	s18 =	sadd.s32 $0x10000, s18;
	s20 =	sadd.s32 $0x400, s20;
	[sflag:s15] =	ssyncadd.s32 $0xFFFFF000  }
0x212: {  	s22 =	smov.u32 s3;
	s3 =	smov.u32 s13  }
.LBB2_15:
0x213: {  	_ =	swait.ge @p1 [sflag:s15], $0x1000;
	p0 =	por !p0, !p1;
	s9 =	simm.s32 $0x6  }
0x214: {  	s11 =	sadd.s32 $0xFFFFFFFF, s22;
	s9 =	simm.s32 @p0 $0x5;
	[sflag:s15] =	ssyncset.done @p1 $0x0  }
0x215: {  	s13 =	sand.u32 $0x1, s11;
	p2 =	slt.u32 s11, $0x2;
	[sflag:s15] =	ssyncadd.s32 @p1 $0xFFFFF000  }
0x216: {  	[hbm4b:s23+s28] =	stream.strided.scatter @p1 [tilespmem:s12], [sflag:s9], $0x4000, s29, s28, $0x38;
	[tilespmem:$0x18F00] =	vst v63  }
0x217: {  	p0 =	seq.s32 s13, $0x1;
	s11 =	simm.s32 @!p2 $0x6;
	_ =	swait.ge [sflag:s30], $0x200  }
0x218: {  	s9 =	sshll.u32 s13, $0x9;
	p1 =	por !p0, p2;
	[sflag:s30] =	ssyncset.done $0x0  }
0x219: {  	s21 =	sxor.u32 $0x200, s9;
	s11 =	simm.s32 @p1 $0x5;
	[sflag:s30] =	ssyncadd.s32 $0xFFFFFE00  }
0x21a: {  	[tilespmem:s21], [sflag:$0x1] =	stream.linear.gather [hbm4b:s20+s5], $0x200, $0x38;
	[tilespmem:$0x18F00] =	vst v63  }
0x21b: {  	_ =	swait.ge @!p2 [sflag:s11], $0x4000  }
0x21c: {  	s22 =	sshll.u32 s13, $0xE;
	[sflag:s11] =	ssyncset.done @!p2 $0x0  }
0x21d: {  	s23 =	sor.u32 $0xC00, s22;
	[sflag:s11] =	ssyncadd.s32 @!p2 $0xFFFFC000  }
0x21e: {  	[tilespmem:s23], [sflag:$0x4] =	stream.indirect.gather [spmem:s2], $0x20, s9, s31, $0xb8;
	[tilespmem:$0x18F00] =	vst v63  }
0x21f: {  	s13 =	sor.u32 $0x1C00, s22;
	s17 =	sor.u32 $0x80, s9  }
0x220: {  	[tilespmem:s13], [sflag:$0x4] =	stream.indirect.gather [spmem:s2], $0x20, s17, s31, $0xb8;
	[tilespmem:$0x18F00] =	vst v63  }
0x221: {  	s20 =	sor.u32 $0x2C00, s22;
	s21 =	sor.u32 $0x100, s9  }
0x222: {  	[tilespmem:s20], [sflag:$0x4] =	stream.indirect.gather [spmem:s2], $0x20, s21, s31, $0xb8;
	[tilespmem:$0x18F00] =	vst v63  }
0x223: {  	s12 =	sor.u32 $0x3C00, s22;
	s9 =	sor.u32 $0x180, s9  }
0x224: {  	[tilespmem:s12], [sflag:$0x4] =	stream.indirect.gather [spmem:s2], $0x20, s9, s31, $0xb8;
	[tilespmem:$0x18F00] =	vst v63  }
0x225: {  	_ =	swait.ge [sflag:s15], $0x1000  }
0x226: {  	[sflag:s15] =	ssyncset.done $0x0  }
0x227: {  	[sflag:s15] =	ssyncadd.s32 $0xFFFFF000  }
0x228: {  	_ =	swait.ge [sflag:s15], $0x1000  }
0x229: {  	[sflag:s15] =	ssyncset.done $0x0  }
0x22a: {  	[sflag:s15] =	ssyncadd.s32 $0xFFFFF000  }
0x22b: {  	_ =	swait.ge [sflag:s15], $0x1000  }
0x22c: {  	[sflag:s15] =	ssyncset.done $0x0  }
0x22d: {  	[sflag:s15] =	ssyncadd.s32 $0xFFFFF000  }
0x22e: {  	_ =	swait.ge [sflag:s15], $0x1000  }
0x22f: {  	s9 =	simm.s32 $0x6;
	[sflag:s15] =	ssyncset.done $0x0  }
0x230: {  	s22 =	sand.u32 $0x1, s10;
	s9 =	simm.s32 @!p0 $0x5;
	[sflag:s15] =	ssyncadd.s32 $0xFFFFF000  }
0x231: {  	[hbm4b:s18+s28] =	stream.strided.scatter [tilespmem:s23], [sflag:s9], $0x4000, s29, s28, $0x38;
	[tilespmem:$0x18F00] =	vst v63  }
0x232: {  	p1 =	seq.s32 s3, $0x2;
	p0 =	seq.s32 s22, $0x1;
	_ =	swait.ge [sflag:s30], $0x200  }
0x233: {  	s3 =	simm.s32 @!p1 $0x6;
	p2 =	por !p0, p1;
	[sflag:s30] =	ssyncset.done $0x0  }
0x234: {  	s3 =	simm.s32 @p2 $0x5;
	[sflag:s30] =	ssyncadd.s32 $0xFFFFFE00  }
0x235: {  	_ =	swait.ge @!p1 [sflag:s3], $0x4000  }
0x236: {  	s10 =	sshll.u32 s22, $0xE;
	[sflag:s3] =	ssyncset.done @!p1 $0x0  }
0x237: {  	s23 =	sor.u32 $0xC00, s10;
	s9 =	sshll.u32 s22, $0x9;
	[sflag:s3] =	ssyncadd.s32 @!p1 $0xFFFFC000  }
0x238: {  	[tilespmem:s23], [sflag:$0x4] =	stream.indirect.gather [spmem:s2], $0x20, s9, s31, $0xb8;
	[tilespmem:$0x18F00] =	vst v63  }
0x239: {  	s13 =	sor.u32 $0x1C00, s10;
	s17 =	sor.u32 $0x80, s9  }
0x23a: {  	[tilespmem:s13], [sflag:$0x4] =	stream.indirect.gather [spmem:s2], $0x20, s17, s31, $0xb8;
	[tilespmem:$0x18F00] =	vst v63  }
0x23b: {  	s18 =	sor.u32 $0x2C00, s10;
	s20 =	sor.u32 $0x100, s9  }
0x23c: {  	[tilespmem:s18], [sflag:$0x4] =	stream.indirect.gather [spmem:s2], $0x20, s20, s31, $0xb8;
	[tilespmem:$0x18F00] =	vst v63  }
0x23d: {  	s10 =	sor.u32 $0x3C00, s10;
	s9 =	sor.u32 $0x180, s9  }
0x23e: {  	[tilespmem:s10], [sflag:$0x4] =	stream.indirect.gather [spmem:s2], $0x20, s9, s31, $0xb8;
	[tilespmem:$0x18F00] =	vst v63  }
0x23f: {  	_ =	swait.ge [sflag:s15], $0x1000  }
0x240: {  	[sflag:s15] =	ssyncset.done $0x0  }
0x241: {  	[sflag:s15] =	ssyncadd.s32 $0xFFFFF000  }
0x242: {  	_ =	swait.ge [sflag:s15], $0x1000  }
0x243: {  	s6 =	sadd.s32 $0x2000, s6;
	[sflag:s15] =	ssyncset.done $0x0  }
0x244: {  	p1 =	slt.s32 s6, $0x41693;
	[sflag:s15] =	ssyncadd.s32 $0xFFFFF000  }
0x245: {  	s6 =	simm.s32 @!p1 $0x41693;
	_ =	swait.ge [sflag:s15], $0x1000  }
0x246: {  	s6 =	sshll.u32 s6, $0x6;
	[sflag:s15] =	ssyncset.done $0x0  }
0x247: {  	s6 =	sor.u32 s8, s6;
	[sflag:s15] =	ssyncadd.s32 $0xFFFFF000  }
0x248: {  	s6 =	sshrl.u32 s6, $0x3;
	s9 =	simm.s32 $0x6;
	_ =	swait.ge [sflag:s15], $0x1000  }
0x249: {  	s9 =	simm.s32 @!p0 $0x5;
	[sflag:s15] =	ssyncset.done $0x0;
	s21 =	rddreg [dreg:$0x5]  }
0x24a: {  	s22 =	rddreg [dreg:$0xd];
	[sflag:s15] =	ssyncadd.s32 $0xFFFFF000;
	s6 =	sadd.s32 s21, s6  }
0x24b: {  	[hbm4b:s6+s28] =	stream.strided.scatter [tilespmem:s23], [sflag:s9], $0x4000, s29, s28, $0x38;
	[tilespmem:$0x18F00] =	vst v63  }
0x24c: {  	_ =	swait.ge [sflag:s22], $0x4000  }
0x24d: {  	[sflag:s22] =	ssyncset.done $0x0  }
0x24e: {  	[sflag:s22] =	ssyncadd.s32 $0xFFFFC000  }
0x24f: {  	_ =	swait.ge [sflag:s19], $0x4000  }
0x250: {  	s16 =	sadd.s32 $0x1, s16;
	s23 =	rddreg [dreg:$0xb]  }
0x251: {  	p0 =	sne.s32 s16, s23  }
.Ltmp8:
0x252: {  	_ = 	snop;
	(pc) =	sbr.rel @p0 .LBB2_1-.Ltmp8, $4  }
.Ltmp9:
0x253: {  	_ = 	snop;
	(pc) =	sbr.rel @!p0 .LBB2_16-.Ltmp9, $4  }
0x254: {  	_ = 	snop  }
0x255: {  	[sflag:s19] =	ssyncset.done $0x0  }
0x256: {  	[sflag:s19] =	ssyncadd.s32 $0xFFFFC000  }
0x257: {  	_ = 	snop  }
.LBB2_10:
.Ltmp10:
0x258: {  	(pc) =	sbr.rel .LBB2_15-.Ltmp10, $4  }
0x259: {  	_ = 	snop  }
0x25a: {  	s20 =	rddreg [dreg:$0x11]  }
0x25b: {  	s18 =	rddreg [dreg:$0x12]  }
0x25c: {  	s22 =	simm.s32 $0x1;
	s6 =	rddreg [dreg:$0x8]  }
.LBB2_12:
.Ltmp11:
0x25d: {  	(pc) =	sbr.rel .LBB2_15-.Ltmp11, $3  }
0x25e: {  	_ =	sdelay $0x1  }
0x25f: {  	s10 =	simm.s32 $0x2  }
0x260: {  	s22 =	simm.s32 $0x2;
	s3 =	simm.s32 $0x3;
	s23 =	rddreg [dreg:$0x12]  }
.LBB2_16:
0x261: {  	_ =	sfence.sel $0x180000  }
0x262: {  	[bflag:$0x0] =	sbarrier.arrive $0xFFFF  }
0x263: {  	_ =	strace $0x90000047  }
0x264: {  	s0 =	stileid.u32;
	[bflag:$0x2] =	sbarrier.arrive $0xFFFF  }
0x265: {  	p0 =	sne.s32 s0, $0x0;
	s0 =	rddreg [dreg:$0x4]  }
0x266: {  	s0 =	sadd.s32 @!p0 $0x100000, s0  }
0x267: {  	[sflag:s0] =	ssyncadd.tile.s32 @!p0 $0x1;
	_ =	shalt  }
.Lfunc_end2:
_tile_overlayer_lowered:
.L_overlay_start_2:
0x268: {  	(tag) =	ssettag $0x2  }
0x269: {  	s0 =	rddreg [dreg:$0x0];
	s2 =	stileid.u32  }
0x26a: {  	s1 =	rddreg [dreg:$0x1];
	p0 =	sne.s32 s2, $0x0  }
0x26b: {  	s3 =	rddreg [dreg:$0x2];
	[bflag:$0x3] =	sbarrier.arrive $0xFFFF;
	s2 =	simm.s32 @!p0 $0x1C07  }
0x26c: {  	[timem:s3], [sflag:s2] =	dma.local @!p0 [hbm:s0], s1  }
0x26d: {  	s0 =	simm.s32 @!p0 $0x7  }
0x26e: {  	_ =	swait.ge @!p0 [sflag:s0], s1  }
0x26f: {  	s1 =	ssub.s32 @!p0 $0x0, s1;
	[sflag:s0] =	ssyncset.done @!p0 $0x0  }
0x270: {  	[sflag:s0] =	ssyncadd.s32 @!p0 s1  }
0x271: {  	[bflag:$0x3] =	sbarrier.arrive $0xFFFF  }
0x272: {  	_ =	shalt  }

// kernel: sparse-core-data-format-call.cloned.1.call-start
scs
called_computation_lowered:
.L_overlay_start_0:
0x0: {  	s2 =	sld [smem:$0x3FD9]  }
0x1: {  	s3 =	sld [smem:$0x3FFE];
	_ =	sdelay $0x1  }
0x2: {  	s1 =	srdreg.scid  }
0x3: {  	s0 =	sand.u32 $0x1, s1  }
0x4: {  	s18 =	sshll.u32 s0, $0xA;
	s2 =	sadd.s32 s3, s2  }
0x5: {  	s2 =	sadd.s32 s2, s18  }
0x6: {  	[smem:$0x3FC6] =	sst s2  }
0x7: {  	_ = 	snop  }
0x8: {  	s2 =	sld [smem:$0x3FD0];
	(tm) =	ssettm $0x1  }
0x9: {  	s19 =	sld [smem:$0x3FFB];
	_ =	sdelay $0x3  }
0xa: {  	_ =	strace s19  }
0xb: {  	s3 =	sld [smem:$0x3FFC];
	_ =	sdelay $0x3  }
0xc: {  	_ =	strace s3  }
0xd: {  	s3 =	sld [smem:$0x3FFD];
	_ =	sdelay $0x3  }
0xe: {  	_ =	strace s3  }
0xf: {  	_ =	strace $0x8FFFFFFF  }
0x10: {  	s20 =	sld [smem:$0x3FDB];
	_ =	sdelay $0x1  }
0x11: {  	s4 =	simm.s32 $_scs_section_size  }
0x12: {  	s5 =	simm.s32 $_size__tile_overlayer_lowered;
	s6 =	simm.s32 $_tile_overlayer_lowered  }
0x13: {  	s23 =	simm.s32 $0x1BFF;
	s22 =	sshll.u32 s6, $0x1;
	s3 =	sadd.s32 s4, s20  }
0x14: {  	s7 =	simm.s32 $0x0;
	s21 =	sshll.u32 s5, $0x1;
	s5 =	sadd.s32 s22, s3  }
0x15: {  	[timem:s7], [sflag:s23] =	dma.local [hbm:s5], s21  }
0x16: {  	_ =	swait.ge [sflag:s23], s21  }
0x17: {  	s4 =	ssub.s32 $0x0, s21;
	[sflag:s23] =	ssyncset.done $0x0  }
0x18: {  	[sflag:s23] =	ssyncadd.s32 s4;
	_ =	sdelay $0x1  }
0x19: {  	s24 =	simm.s32 $0x1B8B  }
0x1a: {  	_ =	swait.ge [sflag:s24], $0x1  }
0x1b: {  	[sflag:s24] =	ssyncset.done $0x0  }
0x1c: {  	s26 =	simm.s32 $0x1B8E;
	s25 =	sld [smem:$0x3FFE];
	[sflag:s24] =	ssyncadd.s32 $0xFFFFFFFF  }
0x1d: {  	s27 =	simm.s32 $execute0_lowered;
	[smem:$0x3FD2] =	sst s26  }
0x1e: {  	s5 =	sshll.u32 s27, $0x1;
	_ =	strace $0x80000049;
	[dreg:$0x1] =	wrdreg $0xFFFFFFFF  }
0x1f: {  	s28 =	simm.s32 $_size_execute0_lowered;
	s3 =	sadd.s32 s3, s5;
	[dreg:$0x0] =	wrdreg $0x0  }
0x20: {  	s5 =	sshll.u32 s28, $0x1;
	[dreg:$0x2] =	wrdreg s3  }
0x21: {  	[dreg:$0x3] =	wrdreg s5  }
0x22: {  	[dreg:$0x4] =	wrdreg $0xC0  }
0x23: {  	_ =	task [dreg:s7], $0x5FFFF  }
0x24: {  	[dreg:$0x1] =	wrdreg $0xFFFFFFFF  }
0x25: {  	[dreg:$0x0] =	wrdreg $0x60  }
0x26: {  	[dreg:$0x2] =	wrdreg s25  }
0x27: {  	[dreg:$0x3] =	wrdreg s2  }
0x28: {  	[dreg:$0x4] =	wrdreg $0x9  }
0x29: {  	_ =	task.clear_ibuf [dreg:s7], $0x5FFFF;
	_ =	strace $0x90000049  }
0x2a: {  	s29 =	simm.s32 $0x9;
	_ =	strace $0x8000004B  }
0x2b: {  	_ =	swait.ge [sflag:s29], $0x1  }
0x2c: {  	[sflag:s29] =	ssyncadd.s32 $0xFFFFFFFF  }
0x2d: {  	_ =	strace $0x9000004B  }
0x2e: {  	_ =	sfence  }
0x2f: {  	s30 =	sld [smem:$0x0];
	_ =	sdelay $0x2  }
0x30: {  	s31 =	sshll.u32 s1, $0xD;
	s1 =	sshrl.u32 s1, $0x2  }
0x31: {  	s3 =	sand.u32 $0x4000, s31;
	s1 =	sadd.s32 s1, s30  }
0x32: {  	s0 =	sor.u32 s3, s0;
	s1 =	sshll.u32 s1, $0x11  }
0x33: {  	s0 =	sor.u32 s1, s0  }
0x34: {  	s0 =	sadd.s32 $0x8F2B, s0  }
0x35: {  	[sflag:s0] =	ssyncadd.remote.s32 $0x1  }
0x36: {  	_ =	sfence.sel $0xFFFF  }
0x37: {  	[dreg:$0x0] =	wrdreg $0xFFFFFFFF;
	(pc) =	sbr.abs _section_cstart, $3  }
0x38: {  	[dreg:$0x1] =	wrdreg $0xFFFFFFFF  }
0x39: {  	_ =	task.clear_ibuf [dreg:s7], $0x2FFFF;
	_ =	strace $0x9FFFFFFF  }
0x3a: {  	(tm) =	ssettm $0x7FFFFFFF  }
0x3b: {  	_ =	shalt  }
tec
execute0_lowered:
.L_overlay_start_1:
0x0: {  	(tag) =	ssettag $0x1  }
0x1: {  	s4 =	rddreg [dreg:$0x0]  }
0x2: {  	s0 =	srdreg.scid;
	s2 =	rddreg [dreg:$0x1]  }
0x3: {  	s1 =	stileid.u32;
	s5 =	simm.s32 $0x1;
	s0 =	sshll.u32 s0, $0x4  }
0x4: {  	s7 =	simm.s32 $0x2;
	s11 =	simm.s32 $0x0;
	s3 =	sand.u32 $0x10, s0  }
.Ltmp0:
0x5: {  	p0 =	por $0x0, $0x0;
	s3 =	sor.u32 s1, s3;
	(pc) =	sbr.rel .LBB1_1-.Ltmp0, $4  }
0x6: {  	s8 =	simm.s32 $0x20C800;
	s10 =	simm.s32 $0x0;
	s3 =	sshll.u32 s3, $0x7  }
0x7: {  	s0 =	rddreg [dreg:$0x2];
	_ =	strace $0x8000004A;
	s6 =	ssub.s32 $0x41880, s3  }
0x8: {  	s4 =	sadd.s32 $0x21D600, s4;
	[sflag:s5] =	ssyncpa.u1 $0x0;
	s6 =	sshrl.u32 s6, $0xC  }
0x9: {  	[sflag:s7] =	ssyncpa.u1 $0x0;
	s9 =	smov.u32 s3;
	s7 =	sor.u32 $0x2, s6  }
.LBB1_5:
0xa: {  	s13 =	sadd.s32 $0x1000, s9  }
0xb: {  	p2 =	sgt.s32 s13, $0x41892  }
0xc: {  	s13 =	smov.u32 @p2 s3;
	p2 =	sne.s32 s10, s7  }
.Ltmp1:
0xd: {  	p1 =	slt.u32 s10, $0x2;
	(pc) =	sbr.rel @!p2 .LBB1_6-.Ltmp1, $4  }
0xe: {  	s12 =	simm.s32 @!p1 $0x2  }
0xf: {  	s14 =	sadd.s32 $0x1, s10;
	_ =	swait.ge @!p1 [sflag:s12], $0x2000  }
0x10: {  	s11 =	smov.u32 s9;
	p0 =	por !p0, !p0;
	[sflag:s12] =	ssyncset.done @!p1 $0x0  }
0x11: {  	s10 =	smov.u32 s14;
	s9 =	smov.u32 s13;
	[sflag:s12] =	ssyncadd.s32 @!p1 $0xFFFFE000  }
.LBB1_1:
0x12: {  	p1 =	sgt.u32 s10, s6  }
0x13: {  	s13 =	smov.u32 s9;
	p2 =	sgt.s32 @!p1 s9, $0x41818  }
0x14: {  	s12 =	sand.u32 @!p1 $0x1FFFFFF, s9;
	s14 =	sshra.s32 @!p1 s9, $0x1F;
	p2 =	por !p2, p1  }
0x15: {  	s15 =	smulhi.u32 @!p1 $0xF9FEEB, s12;
	s14 =	sand.u32 @!p1 s14, s9;
	s13 =	simm.s32 @p2 $0x41818  }
0x16: {  	s13 =	ssub.s32 @!p1 s13, s14  }
0x17: {  	s14 =	sshrl.u32 @!p1 s15, $0xA;
	s13 =	sadd.s32 @!p1 $0xFFFBE7E8, s13  }
0x18: {  	s15 =	sxor.u32 @!p1 $0xFFFFFFFF, s10;
	s14 =	smul.u32 @!p1 $0x41898, s14;
	s16 =	sshll.u32 @!p1 s13, $0x8  }
0x19: {  	s15 =	sshll.u32 @!p1 s15, $0xD;
	p2 =	sgt.s32 @!p1 s13, $0x7F;
	s13 =	ssub.s32 @!p1 $0x8000, s16  }
0x1a: {  	s12 =	ssub.s32 @!p1 s12, s14;
	p2 =	por !p2, p1;
	s14 =	sand.u32 @!p1 $0x2000, s15  }
0x1b: {  	s15 =	simm.s32 @!p1 $0x40;
	s13 =	sshrl.u32 @!p1 s13, $0x2;
	s12 =	sshll.u32 @!p1 s12, $0x4  }
0x1c: {  	s16 =	simm.s32 @!p1 $0x80;
	s13 =	simm.s32 @!p2 $0x0;
	s12 =	sadd.s32 @!p1 s4, s12  }
0x1d: {  	[tilespmem:s14], [sflag:$0x1] =	stream.strided.gather @!p1 [hbm4b:s12+s15], s13, s16, s15, $0x38;
	[tilespmem:$0x8080] =	vst v63  }
0x1e: {  	p1 =	seq.s32 s10, $0x0  }
0x1f: {  	p2 =	sge.u32 @!p1 s10, s7  }
0x20: {  	p1 =	por p1, p2  }
.Ltmp2:
0x21: {  	_ = 	snop;
	(pc) =	sbr.rel @p1 .LBB1_5-.Ltmp2, $1  }
0x22: {  	_ =	sdelay $0x3  }
0x23: {  	p1 =	sgt.s32 s11, $0x41818;
	s12 =	smov.u32 s11;
	s13 =	sshra.s32 s11, $0x1F  }
0x24: {  	s12 =	simm.s32 @!p1 $0x41818;
	s13 =	sand.u32 s13, s11  }
0x25: {  	s12 =	ssub.s32 s12, s13  }
0x26: {  	s12 =	sadd.s32 $0xFFFBE7E8, s12  }
0x27: {  	s28 =	sshll.u32 s12, $0x8  }
0x28: {  	s13 =	ssub.s32 $0x8000, s28  }
0x29: {  	p1 =	sgt.s32 s12, $0x7F;
	s12 =	sshrl.u32 s13, $0x2  }
0x2a: {  	s13 =	simm.s32 $0x1;
	s12 =	simm.s32 @p1 $0x0  }
0x2b: {  	s13 =	simm.s32 @!p0 $0x0;
	_ =	swait.ge [sflag:s5], s12  }
0x2c: {  	s14 =	sshll.u32 s13, $0xD;
	s12 =	ssub.s32 $0x0, s12;
	[sflag:s5] =	ssyncset.done $0x0  }
0x2d: {  	s16 =	sor.u32 $0x20, s14;
	[sflag:s5] =	ssyncadd.s32 s12  }
0x2e: {  	s29 =	smul.u32 $0x8100, s13;
	v3 =	vld [tilespmem:s16+$0x10]  }
0x2f: {  	s30 =	sand.u32 $0x1, s10;
	v2 =	vld [tilespmem:s16+$0xFFFFFFF0]  }
0x30: {  	s13 =	smul.u32 $0x8100, s30;
	s12 =	sshrl.u32 s29, $0x2;
	v0 =	vld [tilespmem:s16+$0x0]  }
0x31: {  	s14 =	sor.u32 $0x4000, s12;
	v1 =	vld [tilespmem:s16+$0xFFFFFFE0]  }
0x32: {  	s31 =	sshrl.u32 s13, $0x2;
	s13 =	sadd.s32 $0x0, s14  }
0x33: {  	s15 =	simm.s32 $0x4;
	s12 =	sor.u32 $0x4000, s31;
	s16 =	sadd.s32 $0x40, s16;
	[tilespmem:s13+$0x1830 ss:$0x81] =	vst.msk $0xffff, v3  }
.LBB1_3:
0x34: {  	v3 =	vld [tilespmem:s16+$0x10];
	p1 =	sne.s32 s15, $0x1FC;
	[tilespmem:s13+$0x810 ss:$0x81] =	vst.msk $0xffff, v2;
	s17 =	smov.u32 s15;
	s15 =	sadd.s32 $0x4, s15  }
.Ltmp3:
0x35: {  	v2 =	vld [tilespmem:s16+$0xFFFFFFF0];
	[tilespmem:s13+$0x1020 ss:$0x81] =	vst.msk $0xffff, v0;
	(pc) =	sbr.rel @p1 .LBB1_3-.Ltmp3, $4  }
0x36: {  	v0 =	vld [tilespmem:s16+$0x0];
	[tilespmem:s13+$0x0 ss:$0x81] =	vst.msk $0xffff, v1  }
0x37: {  	s13 =	sshra.s32 s17, $0x2;
	v1 =	vld [tilespmem:s16+$0xFFFFFFE0]  }
0x38: {  	s13 =	sadd.s32 s13, s14  }
0x39: {  	s16 =	sadd.s32 $0x40, s16;
	[tilespmem:s13+$0x1830 ss:$0x81] =	vst.msk $0xffff, v3  }
0x3a: {  	s14 =	sshll.u32 s11, $0x3  }
0x3b: {  	s30 =	sand.u32 $0x7F, s11;
	s14 =	sand.u32 $0xFFFFFC00, s14  }
0x3c: {  	s11 =	sor.u32 s30, s14  }
0x3d: {  	s15 =	smulhi.u32 $0x7CF310D7, s11;
	_ =	sdelay $0x1  }
0x3e: {  	s14 =	smulhi.u32 $0x7CF310D7, s14;
	s15 =	sshrl.u32 s15, $0x11  }
0x3f: {  	s15 =	smul.u32 $0x41900, s15  }
0x40: {  	s14 =	sshrl.u32 s14, $0x11  }
.Ltmp4:
0x41: {  	s14 =	sand.u32 $0x3F, s14;
	s11 =	ssub.s32 s11, s15;
	(pc) =	sbr.rel .LBB1_5-.Ltmp4, $4  }
0x42: {  	[tilespmem:s13+$0x810 ss:$0x81] =	vst.msk $0xffff, v2;
	s14 =	smul.u32 $0x8320, s14;
	s15 =	sshrl.u32 s11, $0x3;
	s11 =	sand.u32 $0x7, s11  }
0x43: {  	[tilespmem:s13+$0x1020 ss:$0x81] =	vst.msk $0xffff, v0;
	s15 =	sadd.s32 s2, s15;
	s11 =	sshll.u32 s11, $0x12  }
0x44: {  	[tilespmem:s13+$0x0 ss:$0x81] =	vst.msk $0xffff, v1;
	s31 =	sadd.s32 s14, s15;
	s11 =	sor.u32 $0x400, s11  }
0x45: {  	[hbm4b:s31+s11] =	stream.strided.scatter [tilespmem:s12], [sflag:$0x2], $0x2000, s8, s11, $0x20;
	[tilespmem:$0x8080] =	vst v63  }
.LBB1_6:
0x46: {  	_ =	sfence.sel $0x180000  }
0x47: {  	s2 =	simm.s32 $0x1;
	[bflag:$0x0] =	sbarrier.arrive $0xFFFF  }
0x48: {  	s31 =	simm.s32 $0x2;
	[sflag:s2] =	ssyncpa.u1 $0x1  }
0x49: {  	[sflag:s31] =	ssyncpa.u1 $0x1  }
0x4a: {  	p0 =	sne.s32 s1, $0x0;
	_ =	strace $0x9000004A  }
0x4b: {  	s0 =	sadd.s32 @!p0 $0x100000, s0;
	[bflag:$0x2] =	sbarrier.arrive $0xFFFF  }
0x4c: {  	[sflag:s0] =	ssyncadd.tile.s32 @!p0 $0x1;
	_ =	shalt  }
.Lfunc_end1:
_tile_overlayer_lowered:
.L_overlay_start_2:
0x4d: {  	(tag) =	ssettag $0x2  }
0x4e: {  	s0 =	rddreg [dreg:$0x0];
	s2 =	stileid.u32  }
0x4f: {  	s1 =	rddreg [dreg:$0x1];
	p0 =	sne.s32 s2, $0x0  }
0x50: {  	s3 =	rddreg [dreg:$0x2];
	[bflag:$0x3] =	sbarrier.arrive $0xFFFF;
	s2 =	simm.s32 @!p0 $0x1C01  }
0x51: {  	[timem:s3], [sflag:s2] =	dma.local @!p0 [hbm:s0], s1  }
0x52: {  	s0 =	simm.s32 @!p0 $0x1  }
0x53: {  	_ =	swait.ge @!p0 [sflag:s0], s1  }
0x54: {  	s1 =	ssub.s32 @!p0 $0x0, s1;
	[sflag:s0] =	ssyncset.done @!p0 $0x0  }
0x55: {  	[sflag:s0] =	ssyncadd.s32 @!p0 s1  }
0x56: {  	[bflag:$0x3] =	sbarrier.arrive $0xFFFF  }
0x57: {  	_ =	shalt  }

</sc_bundles>
